<compile_context>
chip_gen: v7x
topology: tpu7x:2x2x1
jax: 0.10.2.dev20260603
libtpu: 0.0.44.dev20260713+nightly
codegen_flags: <defaults>
</compile_context>

<pallas_src>
import functools
import jax
import jax.numpy as jnp
from jax import lax
from jax.experimental import pallas as pl
from jax.experimental.pallas import tpu as pltpu
from jax.experimental.pallas import tpu_sc as plsc

B = 8
Q = 20000
C = 80
K = 300
N = Q * C
NSUB = 32
SHARD = (B * N) // NSUB
NCH = 20
CH = SHARD // NCH
VREGS = CH // 16
CAP = 304
CAPB = CAP + 16

_mesh = plsc.VectorSubcoreMesh(core_axis_name="c", subcore_axis_name="s")
_cparams = pltpu.CompilerParams(needs_layout_passes=False)


def _wid():
    return lax.axis_index("s") * 2 + lax.axis_index("c")


def _iota16():
    return lax.iota(jnp.int32, 16)


def _sigmoid_body(x_ref, o_ref):
    o_ref[...] = jax.nn.sigmoid(x_ref[...])


def _sigmoid_tc(flat):
    return pl.pallas_call(
        _sigmoid_body,
        grid=(10,),
        in_specs=[pl.BlockSpec((10000, 128), lambda i: (i, 0))],
        out_specs=pl.BlockSpec((10000, 128), lambda i: (i, 0)),
        out_shape=jax.ShapeDtypeStruct((100000, 128), jnp.float32),
    )(flat)


def _zero_hist(hist, nwords):
    z = jnp.zeros((16,), jnp.int32)

    def zbody(i, _):
        hist[pl.ds(i * 16, 16)] = z
        return 0

    lax.fori_loop(0, nwords // 16, zbody, 0)


def _reduce_hist(hist, red, nb):
    def rbody(g, _):
        acc = hist[pl.ds(g * 16, 16)]
        for l in range(1, 16):
            acc = acc + hist[pl.ds(l * nb + g * 16, 16)]
        red[pl.ds(g * 16, 16)] = acc
        return 0

    lax.fori_loop(0, nb // 16, rbody, 0)


def _hist_kernel(level, nb, scores_hbm, cond_hbm, out_hbm, chunk, hist, red,
                 cond_v):
    w = _wid()
    base = w * SHARD
    _zero_hist(hist, 16 * nb)
    if level > 0:
        pltpu.sync_copy(cond_hbm.at[pl.ds(w * 16, 16)], cond_v)
    condv = cond_v[...] if level > 0 else None
    lanes = _iota16()
    ones = jnp.ones((16,), jnp.int32)

    def chunk_body(c, _):
        off = pl.multiple_of(base + c * CH, 8)
        pltpu.sync_copy(scores_hbm.at[pl.ds(off, CH)], chunk)

        def vbody(i, _):
            v = chunk[pl.ds(i * 16, 16)]
            bits = lax.bitcast_convert_type(v, jnp.int32)
            if level == 0:
                bucket = lax.shift_right_logical(bits, 21)
                mask = lanes == lanes
            elif level == 1:
                bucket = lax.shift_right_logical(bits, 10) & 0x7FF
                mask = lax.shift_right_logical(bits, 21) == condv
            else:
                bucket = bits & 0x3FF
                mask = lax.shift_right_logical(bits, 10) == condv
            idx = lanes * nb + bucket
            plsc.addupdate_scatter(hist, [idx], ones, mask=mask)
            return 0

        lax.fori_loop(0, VREGS, vbody, 0)
        return 0

    lax.fori_loop(0, NCH, chunk_body, 0)
    _reduce_hist(hist, red, nb)
    pltpu.sync_copy(red, out_hbm.at[pl.ds(w * nb, nb)])


def _make_hist(level, nb):
    kfn = functools.partial(_hist_kernel, level, nb)
    scratch = [
        pltpu.VMEM((CH,), jnp.float32),
        pltpu.VMEM((16 * nb,), jnp.int32),
        pltpu.VMEM((nb,), jnp.int32),
        pltpu.VMEM((16,), jnp.int32),
    ]
    return pl.kernel(
        kfn,
        out_type=jax.ShapeDtypeStruct((NSUB * nb,), jnp.int32),
        scratch_types=scratch,
        mesh=_mesh,
        compiler_params=_cparams,
    )


def _pick_bucket(hist, kvec):
    h = hist.reshape(B, 4, -1).sum(1)
    rc = jnp.cumsum(h[:, ::-1], axis=1)[:, ::-1]
    above = rc - h
    kc = kvec[:, None]
    cond = (above < kc) & (rc >= kc)
    bsel = jnp.argmax(cond, axis=1).astype(jnp.int32)
    gsel = jnp.take_along_axis(above, bsel[:, None], 1)[:, 0]
    return bsel, kvec - gsel


def _bcast32(x):
    return jnp.broadcast_to(jnp.repeat(x, 4)[:, None], (NSUB, 16))


def _compact_kernel(scores_hbm, v300_hbm, as_hbm, ai_hbm, ti_hbm, cnt_hbm,
                    chunk, as_v, ai_v, ti_v, v300_v, cnt_v):
    w = _wid()
    base = w * SHARD
    sbase = (w - (w // 4) * 4) * SHARD
    pltpu.sync_copy(v300_hbm.at[pl.ds(w * 16, 16)], v300_v)
    v300 = v300_v[...]
    lanes = _iota16()
    neg = jnp.full((16,), -1.0, jnp.float32)

    def init_body(i, _):
        as_v[pl.ds(i * 16, 16)] = neg
        return 0

    lax.fori_loop(0, CAPB // 16, init_body, 0)

    def chunk_body(c, offs):
        off = pl.multiple_of(base + c * CH, 8)
        pltpu.sync_copy(scores_hbm.at[pl.ds(off, CH)], chunk)

        def vbody(i, offs):
            og, ot = offs
            v = chunk[pl.ds(i * 16, 16)]
            bits = lax.bitcast_convert_type(v, jnp.int32)
            idxv = (sbase + c * CH + i * 16) + lanes
            m_g = bits > v300
            m_t = bits == v300
            mg_i = m_g.astype(jnp.int32)
            mt_i = m_t.astype(jnp.int32)
            pg = plsc.all_reduce_population_count(m_g)[0]
            pt = plsc.all_reduce_population_count(m_t)[0]
            posg = og + plsc.cumsum(mg_i) - mg_i
            post = ot + plsc.cumsum(mt_i) - mt_i
            plsc.store_scatter(as_v, [posg], v, mask=m_g)
            plsc.store_scatter(ai_v, [posg], idxv, mask=m_g)
            plsc.store_scatter(ti_v, [post], idxv, mask=m_t)
            og = jnp.minimum(og + pg, CAP)
            ot = jnp.minimum(ot + pt, CAP)
            return og, ot

        return lax.fori_loop(0, VREGS, vbody, offs)

    og, ot = lax.fori_loop(0, NCH, chunk_body,
                           (jnp.int32(0), jnp.int32(0)))
    cnt_v[...] = jnp.where(lanes == 0, og, jnp.where(lanes == 1, ot, 0))
    pltpu.sync_copy(as_v.at[pl.ds(0, CAP)], as_hbm.at[pl.ds(w * CAP, CAP)])
    pltpu.sync_copy(ai_v.at[pl.ds(0, CAP)], ai_hbm.at[pl.ds(w * CAP, CAP)])
    pltpu.sync_copy(ti_v.at[pl.ds(0, CAP)], ti_hbm.at[pl.ds(w * CAP, CAP)])
    pltpu.sync_copy(cnt_v, cnt_hbm.at[pl.ds(w * 16, 16)])


_compact = pl.kernel(
    _compact_kernel,
    out_type=(
        jax.ShapeDtypeStruct((NSUB * CAP,), jnp.float32),
        jax.ShapeDtypeStruct((NSUB * CAP,), jnp.int32),
        jax.ShapeDtypeStruct((NSUB * CAP,), jnp.int32),
        jax.ShapeDtypeStruct((NSUB * 16,), jnp.int32),
    ),
    scratch_types=[
        pltpu.VMEM((CH,), jnp.float32),
        pltpu.VMEM((CAPB,), jnp.float32),
        pltpu.VMEM((CAPB,), jnp.int32),
        pltpu.VMEM((CAPB,), jnp.int32),
        pltpu.VMEM((16,), jnp.int32),
        pltpu.VMEM((16,), jnp.int32),
    ],
    mesh=_mesh,
    compiler_params=_cparams,
)


WORK = 320


def _merge_kernel(as_hbm, ai_hbm, ti_hbm, cnt_hbm, v300f_hbm, boxes_hbm,
                  outs_hbm, outl_hbm, outb_hbm,
                  boxes_v, ws_v, wi_v, cs_v, ci_v, v300f_v, cnt_v,
                  st_s, st_l, st_q, st_b):
    w = _wid()
    lanes = _iota16()

    @pl.when(w < B)
    def _():
        b = w
        pltpu.sync_copy(boxes_hbm.at[pl.ds(b * Q * 4, Q * 4)], boxes_v)
        pltpu.sync_copy(v300f_hbm.at[pl.ds(b * 16, 16)], v300f_v)
        pltpu.sync_copy(cnt_hbm.at[pl.ds(b * 64, 64)], cnt_v)
        v300f = v300f_v[...]

        neg = jnp.full((16,), -1.0, jnp.float32)
        zero = jnp.zeros((16,), jnp.int32)

        def initw(i, _):
            ws_v[pl.ds(i * 16, 16)] = neg
            wi_v[pl.ds(i * 16, 16)] = zero
            return 0

        lax.fori_loop(0, WORK // 16, initw, 0)

        def initq(i, _):
            st_q[pl.ds(i * 16, 16)] = zero
            st_s[pl.ds(i * 16, 16)] = jnp.zeros((16,), jnp.float32)
            st_l[pl.ds(i * 16, 16)] = zero
            return 0

        lax.fori_loop(0, CAP // 16, initq, 0)

        off = jnp.int32(0)
        for s in range(4):
            na = cnt_v[pl.ds(s * 16, 16)][0]
            pltpu.sync_copy(as_hbm.at[pl.ds((4 * b + s) * CAP, CAP)], cs_v.at[pl.ds(0, CAP)])

            def cga(j, off):
                m = lanes < (na - j * 16)
                v = cs_v[pl.ds(j * 16, 16)]
                plsc.store_scatter(ws_v, [off + lanes], v, mask=m)
                return off + jnp.minimum(jnp.maximum(na - j * 16, 0), 16)

            off0 = off
            off = lax.fori_loop(0, CAP // 16, cga, off)
            pltpu.sync_copy(ai_hbm.at[pl.ds((4 * b + s) * CAP, CAP)], ci_v.at[pl.ds(0, CAP)])

            def cgi(j, off0):
                m = lanes < (na - j * 16)
                v = ci_v[pl.ds(j * 16, 16)]
                plsc.store_scatter(wi_v, [off0 + lanes], v, mask=m)
                return off0 + jnp.minimum(jnp.maximum(na - j * 16, 0), 16)

            lax.fori_loop(0, CAP // 16, cgi, off0)

        g = off
        trem = K - g
        for s in range(4):
            nt = jnp.minimum(cnt_v[pl.ds(s * 16, 16)][1], trem)
            pltpu.sync_copy(ti_hbm.at[pl.ds((4 * b + s) * CAP, CAP)], ci_v.at[pl.ds(0, CAP)])

            def ctg(j, off):
                m = lanes < (nt - j * 16)
                v = ci_v[pl.ds(j * 16, 16)]
                plsc.store_scatter(wi_v, [off + lanes], v, mask=m)
                plsc.store_scatter(ws_v, [off + lanes], v300f, mask=m)
                return off + jnp.minimum(jnp.maximum(nt - j * 16, 0), 16)

            off = lax.fori_loop(0, CAP // 16, ctg, off)
            trem = trem - nt

        def rank_body(e, _):
            ev = jnp.full((16,), e, jnp.int32)
            sev = plsc.load_gather(ws_v, [ev])
            iev = plsc.load_gather(wi_v, [ev])
            acc = jnp.zeros((16,), jnp.int32)

            def cmp_body(j, acc):
                fs = ws_v[pl.ds(j * 16, 16)]
                fi = wi_v[pl.ds(j * 16, 16)]
                m = (fs > sev) | ((fs == sev) & (fi < iev))
                return acc + plsc.all_reduce_population_count(m)

            acc = lax.fori_loop(0, WORK // 16, cmp_body, acc)
            m0 = lanes == 0
            qiv = iev // C
            plsc.store_scatter(st_s, [acc], sev, mask=m0)
            plsc.store_scatter(st_l, [acc], iev - qiv * C, mask=m0)
            plsc.store_scatter(st_q, [acc], qiv, mask=m0)
            return 0

        lax.fori_loop(0, K, rank_body, 0)

        def box_body(j, _):
            qv = st_q[pl.ds(j * 16, 16)]
            for cc in range(4):
                bx = plsc.load_gather(boxes_v, [qv * 4 + cc])
                bidx = (j * 16 + lanes) * 4 + cc
                plsc.store_scatter(st_b, [bidx], bx)
            return 0

        lax.fori_loop(0, CAP // 16, box_body, 0)

        pltpu.sync_copy(st_s, outs_hbm.at[pl.ds(b * CAP, CAP)])
        pltpu.sync_copy(st_l, outl_hbm.at[pl.ds(b * CAP, CAP)])
        pltpu.sync_copy(st_b, outb_hbm.at[pl.ds(b * CAP * 4, CAP * 4)])


_merge = pl.kernel(
    _merge_kernel,
    out_type=(
        jax.ShapeDtypeStruct((B * CAP,), jnp.float32),
        jax.ShapeDtypeStruct((B * CAP,), jnp.int32),
        jax.ShapeDtypeStruct((B * CAP * 4,), jnp.float32),
    ),
    scratch_types=[
        pltpu.VMEM((Q * 4,), jnp.float32),
        pltpu.VMEM((WORK,), jnp.float32),
        pltpu.VMEM((WORK,), jnp.int32),
        pltpu.VMEM((CAPB,), jnp.float32),
        pltpu.VMEM((CAPB,), jnp.int32),
        pltpu.VMEM((16,), jnp.float32),
        pltpu.VMEM((64,), jnp.int32),
        pltpu.VMEM((CAP,), jnp.float32),
        pltpu.VMEM((CAP,), jnp.int32),
        pltpu.VMEM((CAP,), jnp.int32),
        pltpu.VMEM((CAP * 4,), jnp.float32),
    ],
    mesh=_mesh,
    compiler_params=_cparams,
)

_hist1 = _make_hist(0, 512)
_hist2 = _make_hist(1, 2048)
_hist3 = _make_hist(2, 1024)


def kernel(pred_logits, pred_boxes):
    flat = pred_logits.reshape(100000, 128)
    scores = _sigmoid_tc(flat).reshape(B * N)
    dummy = jnp.zeros((NSUB * 16,), jnp.int32)

    h1 = _hist1(scores, dummy)
    need0 = jnp.full((B,), K, jnp.int32)
    b1, need1 = _pick_bucket(h1, need0)
    h2 = _hist2(scores, _bcast32(b1).reshape(-1))
    b2, need2 = _pick_bucket(h2, need1)
    h3 = _hist3(scores, _bcast32((b1 << 11) | b2).reshape(-1))
    b3, _ = _pick_bucket(h3, need2)
    v300 = (b1 << 21) | (b2 << 10) | b3

    cas, cai, cti, cnt = _compact(scores, _bcast32(v300).reshape(-1))
    v300f = jax.lax.bitcast_convert_type(v300, jnp.float32)
    v300f_b = jnp.broadcast_to(v300f[:, None], (B, 16)).reshape(-1)

    boxes_flat = pred_boxes.reshape(B * Q * 4)
    outs, outl, outb = _merge(cas, cai, cti, cnt, v300f_b, boxes_flat)

    scores_top = outs.reshape(B, CAP)[:, :K]
    labels = outl.reshape(B, CAP)[:, :K]
    boxes_top = outb.reshape(B, CAP * 4)[:, :K * 4].reshape(B, K, 4)
    return scores_top, labels, boxes_top

# --- scband reference (transcript-rebuilt; emitter-appended) ---
"""Pipeline reference for scband-dfinepost-processor-71889162600658 (READ-ONLY COPY).

The authoritative reference and input builder live on the scoring server;
editing this copy changes nothing except your own understanding.
"""

import jax, jax.numpy as jnp
import numpy as np

NUM_CLASSES = 80
NUM_TOP_QUERIES = 300


def setup_inputs(seed: int = 0) -> dict:
    key = jax.random.key(seed)
    k1, k2 = jax.random.split(key)
    pred_logits = jax.random.normal(k1, (8, 20000, 80), dtype=jnp.float32)
    pred_boxes = jax.random.uniform(k2, (8, 20000, 4), dtype=jnp.float32)
    return {"pred_logits": pred_logits, "pred_boxes": pred_boxes}


def _mod(a, b):
    # faithful to the torch helper: out = a - a // b * b
    return a - a // b * b


def reference(pred_logits, pred_boxes):
    # use_focal_loss=True branch of DFINEPostProcessor.forward
    B, Q, C = pred_logits.shape
    scores = jax.nn.sigmoid(pred_logits)
    flat = scores.reshape(B, Q * C)
    scores_top, index = jax.lax.top_k(flat, NUM_TOP_QUERIES)  # [B, 300]
    labels = _mod(index, NUM_CLASSES)
    qindex = index // NUM_CLASSES  # [B, 300] query indices
    # boxes.gather(dim=1, index=qindex.unsqueeze(-1).repeat(1,1,4))
    boxes_top = jnp.take_along_axis(pred_boxes, qindex[:, :, None], axis=1)  # [B, 300, 4]
    return scores_top, labels, boxes_top

if __name__ == "__main__":
    import jax
    _d = setup_inputs()
    print(jax.jit(kernel)(*tuple(_d.values())))

</pallas_src>

<mosaic_0001>
#map = affine_map<(d0, d1) -> (0)>
module attributes {stable_mosaic.version = 14 : i64} {
  func.func @_hist_kernel(%arg0: i32, %arg1: i32, %arg2: memref<12800000xf32, #tpu.memory_space<hbm>>, %arg3: memref<512xi32, #tpu.memory_space<hbm>>, %arg4: memref<32768xi32, #tpu.memory_space<hbm>>, %arg5: memref<20000xf32, #tpu.memory_space<vmem>>, %arg6: memref<16384xi32, #tpu.memory_space<vmem>>, %arg7: memref<1024xi32, #tpu.memory_space<vmem>>, %arg8: memref<16xi32, #tpu.memory_space<vmem>>) attributes {dimension_semantics = [#tpu.dimension_semantics<core_parallel>, #tpu.dimension_semantics<subcore_parallel>], iteration_bounds = array<i64: 2, 16>, scalar_prefetch = 0 : i64, scratch_operands = 4 : i64, tpu.core_type = #tpu.core_type<sc_vector_subcore>, window_params = [{transform_indices = #map}, {transform_indices = #map}, {transform_indices = #map}]} {
    %mul3A = arith.constant 2 : i32
    %mul3A_0 = arith.muli %arg1, %mul3A : i32
    %add3A = arith.addi %mul3A_0, %arg0 : i32
    %mul3A_1 = arith.constant 400000 : i32
    %mul3A_2 = arith.muli %add3A, %mul3A_1 : i32
    %broadcast_in_dim3A = arith.constant 0 : i32
    %broadcast_in_dim3A_3 = vector.broadcast %broadcast_in_dim3A : i32 to vector<16xi32>
    %scan3A = arith.constant 0 : i32
    %scan3A_4 = arith.constant 0 : i32
    %scan3A_5 = arith.constant 1024 : i32
    %scan3A_6 = arith.addi %scan3A_4, %scan3A_5 : i32
    %scan3A_7 = arith.constant 1 : i32
    %scan3A_8 = scf.for %scan3A_31 = %scan3A_4 to %scan3A_6 step %scan3A_7 iter_args(%scan3A_32 = %scan3A) -> (i32)  : i32 {
      %mul3A_33 = arith.constant 16 : i32
      %mul3A_34 = arith.muli %scan3A_31, %mul3A_33 : i32
      %swap3A = arith.index_cast %mul3A_34 : i32 to index
      %swap3A_35 = tpu.vector_load %arg6[%swap3A] {strides = array<i32>} : memref<16384xi32, #tpu.memory_space<vmem>>, vector<16xi32>,
      tpu.vector_store %arg6[%swap3A], %broadcast_in_dim3A_3 {strides = array<i32>} : memref<16384xi32, #tpu.memory_space<vmem>>, vector<16xi32>,
      %scan3A_36 = arith.constant 0 : i32
      scf.yield %scan3A_36 : i32
    }
    %scan3A_9 = arith.constant 1024 : i32
    %mul3A_10 = arith.constant 16 : i32
    %mul3A_11 = arith.muli %add3A, %mul3A_10 : i32
    "tpu.region"() ({
      %run_scoped3A = tpu.sem_alloc : memref<!tpu.dma_semaphore, #tpu.memory_space<semaphore_mem>>
      %dma_start3A = tpu.memref_slice %arg3[%mul3A_11] : memref<512xi32, #tpu.memory_space<hbm>> -> memref<16xi32, #tpu.memory_space<hbm>>
      %dma_start3A_31 = tpu.memref_slice %arg3[%mul3A_11] : memref<512xi32, #tpu.memory_space<hbm>> -> memref<16xi32, #tpu.memory_space<hbm>>
      tpu.enqueue_dma source(%dma_start3A_31 : memref<16xi32, #tpu.memory_space<hbm>>) target(%arg8 : memref<16xi32, #tpu.memory_space<vmem>>) target_semaphore(%run_scoped3A : memref<!tpu.dma_semaphore, #tpu.memory_space<semaphore_mem>>)
      %dma_wait3A = tpu.memref_slice %arg3[%mul3A_11] : memref<512xi32, #tpu.memory_space<hbm>> -> memref<16xi32, #tpu.memory_space<hbm>>
      %dma_wait3A_32 = tpu.memref_slice %arg3[%mul3A_11] : memref<512xi32, #tpu.memory_space<hbm>> -> memref<16xi32, #tpu.memory_space<hbm>>
      tpu.wait_dma2 semaphore(%run_scoped3A : memref<!tpu.dma_semaphore, #tpu.memory_space<semaphore_mem>>) src(%dma_wait3A_32 : memref<16xi32, #tpu.memory_space<hbm>>) dst(%arg8 : memref<16xi32, #tpu.memory_space<vmem>>)
      tpu.yield
    }) : () -> ()
    %get3A = arith.constant 0 : index
    %get3A_12 = tpu.vector_load %arg8[%get3A] {strides = array<i32>} : memref<16xi32, #tpu.memory_space<vmem>>, vector<16xi32>,
    %iota3A = tpu.iota {dimensions = array<i32: 0>} : vector<16xi32>
    %broadcast_in_dim3A_13 = arith.constant 1 : i32
    %broadcast_in_dim3A_14 = vector.broadcast %broadcast_in_dim3A_13 : i32 to vector<16xi32>
    %scan3A_15 = arith.constant 0 : i32
    %scan3A_16 = arith.constant 0 : i32
    %scan3A_17 = arith.constant 20 : i32
    %scan3A_18 = arith.addi %scan3A_16, %scan3A_17 : i32
    %scan3A_19 = arith.constant 1 : i32
    %scan3A_20 = scf.for %scan3A_31 = %scan3A_16 to %scan3A_18 step %scan3A_19 iter_args(%scan3A_32 = %scan3A_15) -> (i32)  : i32 {
      %mul3A_33 = arith.constant 20000 : i32
      %mul3A_34 = arith.muli %scan3A_31, %mul3A_33 : i32
      %add3A_35 = arith.addi %mul3A_2, %mul3A_34 : i32
      %multiple_of3A = tpu.assume_multiple %add3A_35, 8 : i32
      "tpu.region"() ({
        %run_scoped3A = tpu.sem_alloc : memref<!tpu.dma_semaphore, #tpu.memory_space<semaphore_mem>>
        %dma_start3A = tpu.memref_slice %arg2[%multiple_of3A] : memref<12800000xf32, #tpu.memory_space<hbm>> -> memref<20000xf32, #tpu.memory_space<hbm>>
        %dma_start3A_44 = tpu.memref_slice %arg2[%multiple_of3A] : memref<12800000xf32, #tpu.memory_space<hbm>> -> memref<20000xf32, #tpu.memory_space<hbm>>
        tpu.enqueue_dma source(%dma_start3A_44 : memref<20000xf32, #tpu.memory_space<hbm>>) target(%arg5 : memref<20000xf32, #tpu.memory_space<vmem>>) target_semaphore(%run_scoped3A : memref<!tpu.dma_semaphore, #tpu.memory_space<semaphore_mem>>)
        %dma_wait3A = tpu.memref_slice %arg2[%multiple_of3A] : memref<12800000xf32, #tpu.memory_space<hbm>> -> memref<20000xf32, #tpu.memory_space<hbm>>
        %dma_wait3A_45 = tpu.memref_slice %arg2[%multiple_of3A] : memref<12800000xf32, #tpu.memory_space<hbm>> -> memref<20000xf32, #tpu.memory_space<hbm>>
        tpu.wait_dma2 semaphore(%run_scoped3A : memref<!tpu.dma_semaphore, #tpu.memory_space<semaphore_mem>>) src(%dma_wait3A_45 : memref<20000xf32, #tpu.memory_space<hbm>>) dst(%arg5 : memref<20000xf32, #tpu.memory_space<vmem>>)
        tpu.yield
      }) : () -> ()
      %scan3A_36 = arith.constant 0 : i32
      %scan3A_37 = arith.constant 0 : i32
      %scan3A_38 = arith.constant 1250 : i32
      %scan3A_39 = arith.addi %scan3A_37, %scan3A_38 : i32
      %scan3A_40 = arith.constant 1 : i32
      %scan3A_41 = scf.for %scan3A_44 = %scan3A_37 to %scan3A_39 step %scan3A_40 iter_args(%scan3A_45 = %scan3A_36) -> (i32)  : i32 {
        %mul3A_46 = arith.constant 16 : i32
        %mul3A_47 = arith.muli %scan3A_44, %mul3A_46 : i32
        %get3A_48 = arith.index_cast %mul3A_47 : i32 to index
        %get3A_49 = tpu.vector_load %arg5[%get3A_48] {strides = array<i32>} : memref<20000xf32, #tpu.memory_space<vmem>>, vector<16xf32>,
        %bitcast_convert_type3A = tpu.bitcast %get3A_49 : vector<16xf32> -> vector<16xi32>
        %and3A = arith.constant 1023 : i32
        %and3A_50 = vector.broadcast %and3A : i32 to vector<16xi32>
        %and3A_51 = arith.andi %bitcast_convert_type3A, %and3A_50 : vector<16xi32>
        %shift_right_logical3A = arith.constant 10 : i32
        %shift_right_logical3A_52 = vector.broadcast %shift_right_logical3A : i32 to vector<16xi32>
        %shift_right_logical3A_53 = arith.shrui %bitcast_convert_type3A, %shift_right_logical3A_52 : vector<16xi32>
        %eq3A = arith.cmpi eq, %shift_right_logical3A_53, %get3A_12 : vector<16xi32>
        %mul3A_54 = arith.constant 1024 : i32
        %mul3A_55 = vector.broadcast %mul3A_54 : i32 to vector<16xi32>
        %mul3A_56 = arith.muli %iota3A, %mul3A_55 : vector<16xi32>
        %add3A_57 = arith.addi %mul3A_56, %and3A_51 : vector<16xi32>
        tpu.vector_store_idx %arg6[%add3A_57], %broadcast_in_dim3A_14 masked %eq3A {add = true} : memref<16384xi32, #tpu.memory_space<vmem>>[vector<16xi32>], vector<16xi32>, vector<16xi1>
        %scan3A_58 = arith.constant 0 : i32
        scf.yield %scan3A_58 : i32
      }
      %scan3A_42 = arith.constant 1250 : i32
      %scan3A_43 = arith.constant 0 : i32
      scf.yield %scan3A_43 : i32
    }
    %scan3A_21 = arith.constant 20 : i32
    %scan3A_22 = arith.constant 0 : i32
    %scan3A_23 = arith.constant 0 : i32
    %scan3A_24 = arith.constant 64 : i32
    %scan3A_25 = arith.addi %scan3A_23, %scan3A_24 : i32
    %scan3A_26 = arith.constant 1 : i32
    %scan3A_27 = scf.for %scan3A_31 = %scan3A_23 to %scan3A_25 step %scan3A_26 iter_args(%scan3A_32 = %scan3A_22) -> (i32)  : i32 {
      %mul3A_33 = arith.constant 16 : i32
      %mul3A_34 = arith.muli %scan3A_31, %mul3A_33 : i32
      %get3A_35 = arith.index_cast %mul3A_34 : i32 to index
      %get3A_36 = tpu.vector_load %arg6[%get3A_35] {strides = array<i32>} : memref<16384xi32, #tpu.memory_space<vmem>>, vector<16xi32>,
      %mul3A_37 = arith.constant 16 : i32
      %mul3A_38 = arith.muli %scan3A_31, %mul3A_37 : i32
      %add3A_39 = arith.constant 1024 : i32
      %add3A_40 = arith.addi %add3A_39, %mul3A_38 : i32
      %get3A_41 = arith.index_cast %add3A_40 : i32 to index
      %get3A_42 = tpu.vector_load %arg6[%get3A_41] {strides = array<i32>} : memref<16384xi32, #tpu.memory_space<vmem>>, vector<16xi32>,
      %add3A_43 = arith.addi %get3A_36, %get3A_42 : vector<16xi32>
      %mul3A_44 = arith.constant 16 : i32
      %mul3A_45 = arith.muli %scan3A_31, %mul3A_44 : i32
      %add3A_46 = arith.constant 2048 : i32
      %add3A_47 = arith.addi %add3A_46, %mul3A_45 : i32
      %get3A_48 = arith.index_cast %add3A_47 : i32 to index
      %get3A_49 = tpu.vector_load %arg6[%get3A_48] {strides = array<i32>} : memref<16384xi32, #tpu.memory_space<vmem>>, vector<16xi32>,
      %add3A_50 = arith.addi %add3A_43, %get3A_49 : vector<16xi32>
      %mul3A_51 = arith.constant 16 : i32
      %mul3A_52 = arith.muli %scan3A_31, %mul3A_51 : i32
      %add3A_53 = arith.constant 3072 : i32
      %add3A_54 = arith.addi %add3A_53, %mul3A_52 : i32
      %get3A_55 = arith.index_cast %add3A_54 : i32 to index
      %get3A_56 = tpu.vector_load %arg6[%get3A_55] {strides = array<i32>} : memref<16384xi32, #tpu.memory_space<vmem>>, vector<16xi32>,
      %add3A_57 = arith.addi %add3A_50, %get3A_56 : vector<16xi32>
      %mul3A_58 = arith.constant 16 : i32
      %mul3A_59 = arith.muli %scan3A_31, %mul3A_58 : i32
      %add3A_60 = arith.constant 4096 : i32
      %add3A_61 = arith.addi %add3A_60, %mul3A_59 : i32
      %get3A_62 = arith.index_cast %add3A_61 : i32 to index
      %get3A_63 = tpu.vector_load %arg6[%get3A_62] {strides = array<i32>} : memref<16384xi32, #tpu.memory_space<vmem>>, vector<16xi32>,
      %add3A_64 = arith.addi %add3A_57, %get3A_63 : vector<16xi32>
      %mul3A_65 = arith.constant 16 : i32
      %mul3A_66 = arith.muli %scan3A_31, %mul3A_65 : i32
      %add3A_67 = arith.constant 5120 : i32
      %add3A_68 = arith.addi %add3A_67, %mul3A_66 : i32
      %get3A_69 = arith.index_cast %add3A_68 : i32 to index
      %get3A_70 = tpu.vector_load %arg6[%get3A_69] {strides = array<i32>} : memref<16384xi32, #tpu.memory_space<vmem>>, vector<16xi32>,
      %add3A_71 = arith.addi %add3A_64, %get3A_70 : vector<16xi32>
      %mul3A_72 = arith.constant 16 : i32
      %mul3A_73 = arith.muli %scan3A_31, %mul3A_72 : i32
      %add3A_74 = arith.constant 6144 : i32
      %add3A_75 = arith.addi %add3A_74, %mul3A_73 : i32
      %get3A_76 = arith.index_cast %add3A_75 : i32 to index
      %get3A_77 = tpu.vector_load %arg6[%get3A_76] {strides = array<i32>} : memref<16384xi32, #tpu.memory_space<vmem>>, vector<16xi32>,
      %add3A_78 = arith.addi %add3A_71, %get3A_77 : vector<16xi32>
      %mul3A_79 = arith.constant 16 : i32
      %mul3A_80 = arith.muli %scan3A_31, %mul3A_79 : i32
      %add3A_81 = arith.constant 7168 : i32
      %add3A_82 = arith.addi %add3A_81, %mul3A_80 : i32
      %get3A_83 = arith.index_cast %add3A_82 : i32 to index
      %get3A_84 = tpu.vector_load %arg6[%get3A_83] {strides = array<i32>} : memref<16384xi32, #tpu.memory_space<vmem>>, vector<16xi32>,
      %add3A_85 = arith.addi %add3A_78, %get3A_84 : vector<16xi32>
      %mul3A_86 = arith.constant 16 : i32
      %mul3A_87 = arith.muli %scan3A_31, %mul3A_86 : i32
      %add3A_88 = arith.constant 8192 : i32
      %add3A_89 = arith.addi %add3A_88, %mul3A_87 : i32
      %get3A_90 = arith.index_cast %add3A_89 : i32 to index
      %get3A_91 = tpu.vector_load %arg6[%get3A_90] {strides = array<i32>} : memref<16384xi32, #tpu.memory_space<vmem>>, vector<16xi32>,
      %add3A_92 = arith.addi %add3A_85, %get3A_91 : vector<16xi32>
      %mul3A_93 = arith.constant 16 : i32
      %mul3A_94 = arith.muli %scan3A_31, %mul3A_93 : i32
      %add3A_95 = arith.constant 9216 : i32
      %add3A_96 = arith.addi %add3A_95, %mul3A_94 : i32
      %get3A_97 = arith.index_cast %add3A_96 : i32 to index
      %get3A_98 = tpu.vector_load %arg6[%get3A_97] {strides = array<i32>} : memref<16384xi32, #tpu.memory_space<vmem>>, vector<16xi32>,
      %add3A_99 = arith.addi %add3A_92, %get3A_98 : vector<16xi32>
      %mul3A_100 = arith.constant 16 : i32
      %mul3A_101 = arith.muli %scan3A_31, %mul3A_100 : i32
      %add3A_102 = arith.constant 10240 : i32
      %add3A_103 = arith.addi %add3A_102, %mul3A_101 : i32
      %get3A_104 = arith.index_cast %add3A_103 : i32 to index
      %get3A_105 = tpu.vector_load %arg6[%get3A_104] {strides = array<i32>} : memref<16384xi32, #tpu.memory_space<vmem>>, vector<16xi32>,
      %add3A_106 = arith.addi %add3A_99, %get3A_105 : vector<16xi32>
      %mul3A_107 = arith.constant 16 : i32
      %mul3A_108 = arith.muli %scan3A_31, %mul3A_107 : i32
      %add3A_109 = arith.constant 11264 : i32
      %add3A_110 = arith.addi %add3A_109, %mul3A_108 : i32
      %get3A_111 = arith.index_cast %add3A_110 : i32 to index
      %get3A_112 = tpu.vector_load %arg6[%get3A_111] {strides = array<i32>} : memref<16384xi32, #tpu.memory_space<vmem>>, vector<16xi32>,
      %add3A_113 = arith.addi %add3A_106, %get3A_112 : vector<16xi32>
      %mul3A_114 = arith.constant 16 : i32
      %mul3A_115 = arith.muli %scan3A_31, %mul3A_114 : i32
      %add3A_116 = arith.constant 12288 : i32
      %add3A_117 = arith.addi %add3A_116, %mul3A_115 : i32
      %get3A_118 = arith.index_cast %add3A_117 : i32 to index
      %get3A_119 = tpu.vector_load %arg6[%get3A_118] {strides = array<i32>} : memref<16384xi32, #tpu.memory_space<vmem>>, vector<16xi32>,
      %add3A_120 = arith.addi %add3A_113, %get3A_119 : vector<16xi32>
      %mul3A_121 = arith.constant 16 : i32
      %mul3A_122 = arith.muli %scan3A_31, %mul3A_121 : i32
      %add3A_123 = arith.constant 13312 : i32
      %add3A_124 = arith.addi %add3A_123, %mul3A_122 : i32
      %get3A_125 = arith.index_cast %add3A_124 : i32 to index
      %get3A_126 = tpu.vector_load %arg6[%get3A_125] {strides = array<i32>} : memref<16384xi32, #tpu.memory_space<vmem>>, vector<16xi32>,
      %add3A_127 = arith.addi %add3A_120, %get3A_126 : vector<16xi32>
      %mul3A_128 = arith.constant 16 : i32
      %mul3A_129 = arith.muli %scan3A_31, %mul3A_128 : i32
      %add3A_130 = arith.constant 14336 : i32
      %add3A_131 = arith.addi %add3A_130, %mul3A_129 : i32
      %get3A_132 = arith.index_cast %add3A_131 : i32 to index
      %get3A_133 = tpu.vector_load %arg6[%get3A_132] {strides = array<i32>} : memref<16384xi32, #tpu.memory_space<vmem>>, vector<16xi32>,
      %add3A_134 = arith.addi %add3A_127, %get3A_133 : vector<16xi32>
      %mul3A_135 = arith.constant 16 : i32
      %mul3A_136 = arith.muli %scan3A_31, %mul3A_135 : i32
      %add3A_137 = arith.constant 15360 : i32
      %add3A_138 = arith.addi %add3A_137, %mul3A_136 : i32
      %get3A_139 = arith.index_cast %add3A_138 : i32 to index
      %get3A_140 = tpu.vector_load %arg6[%get3A_139] {strides = array<i32>} : memref<16384xi32, #tpu.memory_space<vmem>>, vector<16xi32>,
      %add3A_141 = arith.addi %add3A_134, %get3A_140 : vector<16xi32>
      %mul3A_142 = arith.constant 16 : i32
      %mul3A_143 = arith.muli %scan3A_31, %mul3A_142 : i32
      %swap3A = arith.index_cast %mul3A_143 : i32 to index
      %swap3A_144 = tpu.vector_load %arg7[%swap3A] {strides = array<i32>} : memref<1024xi32, #tpu.memory_space<vmem>>, vector<16xi32>,
      tpu.vector_store %arg7[%swap3A], %add3A_141 {strides = array<i32>} : memref<1024xi32, #tpu.memory_space<vmem>>, vector<16xi32>,
      %scan3A_145 = arith.constant 0 : i32
      scf.yield %scan3A_145 : i32
    }
    %scan3A_28 = arith.constant 64 : i32
    %mul3A_29 = arith.constant 1024 : i32
    %mul3A_30 = arith.muli %add3A, %mul3A_29 : i32
    "tpu.region"() ({
      %run_scoped3A = tpu.sem_alloc : memref<!tpu.dma_semaphore, #tpu.memory_space<semaphore_mem>>
      %dma_start3A = tpu.memref_slice %arg4[%mul3A_30] : memref<32768xi32, #tpu.memory_space<hbm>> -> memref<1024xi32, #tpu.memory_space<hbm>>
      %dma_start3A_31 = tpu.memref_slice %arg4[%mul3A_30] : memref<32768xi32, #tpu.memory_space<hbm>> -> memref<1024xi32, #tpu.memory_space<hbm>>
      tpu.enqueue_dma source(%arg7 : memref<1024xi32, #tpu.memory_space<vmem>>) target(%dma_start3A_31 : memref<1024xi32, #tpu.memory_space<hbm>>) target_semaphore(%run_scoped3A : memref<!tpu.dma_semaphore, #tpu.memory_space<semaphore_mem>>)
      %dma_wait3A = tpu.memref_slice %arg4[%mul3A_30] : memref<32768xi32, #tpu.memory_space<hbm>> -> memref<1024xi32, #tpu.memory_space<hbm>>
      %dma_wait3A_32 = tpu.memref_slice %arg4[%mul3A_30] : memref<32768xi32, #tpu.memory_space<hbm>> -> memref<1024xi32, #tpu.memory_space<hbm>>
      tpu.wait_dma2 semaphore(%run_scoped3A : memref<!tpu.dma_semaphore, #tpu.memory_space<semaphore_mem>>) src(%arg7 : memref<1024xi32, #tpu.memory_space<vmem>>) dst(%dma_wait3A_32 : memref<1024xi32, #tpu.memory_space<hbm>>)
      tpu.yield
    }) : () -> ()
    return
  }
}

#map = affine_map<(d0, d1) -> (0)>
module attributes {stable_mosaic.version = 14 : i64} {
  func.func @_hist_kernel(%arg0: i32, %arg1: i32, %arg2: memref<12800000xf32, #tpu.memory_space<hbm>>, %arg3: memref<512xi32, #tpu.memory_space<hbm>>, %arg4: memref<65536xi32, #tpu.memory_space<hbm>>, %arg5: memref<20000xf32, #tpu.memory_space<vmem>>, %arg6: memref<32768xi32, #tpu.memory_space<vmem>>, %arg7: memref<2048xi32, #tpu.memory_space<vmem>>, %arg8: memref<16xi32, #tpu.memory_space<vmem>>) attributes {dimension_semantics = [#tpu.dimension_semantics<core_parallel>, #tpu.dimension_semantics<subcore_parallel>], iteration_bounds = array<i64: 2, 16>, scalar_prefetch = 0 : i64, scratch_operands = 4 : i64, tpu.core_type = #tpu.core_type<sc_vector_subcore>, window_params = [{transform_indices = #map}, {transform_indices = #map}, {transform_indices = #map}]} {
    %mul3A = arith.constant 2 : i32
    %mul3A_0 = arith.muli %arg1, %mul3A : i32
    %add3A = arith.addi %mul3A_0, %arg0 : i32
    %mul3A_1 = arith.constant 400000 : i32
    %mul3A_2 = arith.muli %add3A, %mul3A_1 : i32
    %broadcast_in_dim3A = arith.constant 0 : i32
    %broadcast_in_dim3A_3 = vector.broadcast %broadcast_in_dim3A : i32 to vector<16xi32>
    %scan3A = arith.constant 0 : i32
    %scan3A_4 = arith.constant 0 : i32
    %scan3A_5 = arith.constant 2048 : i32
    %scan3A_6 = arith.addi %scan3A_4, %scan3A_5 : i32
    %scan3A_7 = arith.constant 1 : i32
    %scan3A_8 = scf.for %scan3A_31 = %scan3A_4 to %scan3A_6 step %scan3A_7 iter_args(%scan3A_32 = %scan3A) -> (i32)  : i32 {
      %mul3A_33 = arith.constant 16 : i32
      %mul3A_34 = arith.muli %scan3A_31, %mul3A_33 : i32
      %swap3A = arith.index_cast %mul3A_34 : i32 to index
      %swap3A_35 = tpu.vector_load %arg6[%swap3A] {strides = array<i32>} : memref<32768xi32, #tpu.memory_space<vmem>>, vector<16xi32>,
      tpu.vector_store %arg6[%swap3A], %broadcast_in_dim3A_3 {strides = array<i32>} : memref<32768xi32, #tpu.memory_space<vmem>>, vector<16xi32>,
      %scan3A_36 = arith.constant 0 : i32
      scf.yield %scan3A_36 : i32
    }
    %scan3A_9 = arith.constant 2048 : i32
    %mul3A_10 = arith.constant 16 : i32
    %mul3A_11 = arith.muli %add3A, %mul3A_10 : i32
    "tpu.region"() ({
      %run_scoped3A = tpu.sem_alloc : memref<!tpu.dma_semaphore, #tpu.memory_space<semaphore_mem>>
      %dma_start3A = tpu.memref_slice %arg3[%mul3A_11] : memref<512xi32, #tpu.memory_space<hbm>> -> memref<16xi32, #tpu.memory_space<hbm>>
      %dma_start3A_31 = tpu.memref_slice %arg3[%mul3A_11] : memref<512xi32, #tpu.memory_space<hbm>> -> memref<16xi32, #tpu.memory_space<hbm>>
      tpu.enqueue_dma source(%dma_start3A_31 : memref<16xi32, #tpu.memory_space<hbm>>) target(%arg8 : memref<16xi32, #tpu.memory_space<vmem>>) target_semaphore(%run_scoped3A : memref<!tpu.dma_semaphore, #tpu.memory_space<semaphore_mem>>)
      %dma_wait3A = tpu.memref_slice %arg3[%mul3A_11] : memref<512xi32, #tpu.memory_space<hbm>> -> memref<16xi32, #tpu.memory_space<hbm>>
      %dma_wait3A_32 = tpu.memref_slice %arg3[%mul3A_11] : memref<512xi32, #tpu.memory_space<hbm>> -> memref<16xi32, #tpu.memory_space<hbm>>
      tpu.wait_dma2 semaphore(%run_scoped3A : memref<!tpu.dma_semaphore, #tpu.memory_space<semaphore_mem>>) src(%dma_wait3A_32 : memref<16xi32, #tpu.memory_space<hbm>>) dst(%arg8 : memref<16xi32, #tpu.memory_space<vmem>>)
      tpu.yield
    }) : () -> ()
    %get3A = arith.constant 0 : index
    %get3A_12 = tpu.vector_load %arg8[%get3A] {strides = array<i32>} : memref<16xi32, #tpu.memory_space<vmem>>, vector<16xi32>,
    %iota3A = tpu.iota {dimensions = array<i32: 0>} : vector<16xi32>
    %broadcast_in_dim3A_13 = arith.constant 1 : i32
    %broadcast_in_dim3A_14 = vector.broadcast %broadcast_in_dim3A_13 : i32 to vector<16xi32>
    %scan3A_15 = arith.constant 0 : i32
    %scan3A_16 = arith.constant 0 : i32
    %scan3A_17 = arith.constant 20 : i32
    %scan3A_18 = arith.addi %scan3A_16, %scan3A_17 : i32
    %scan3A_19 = arith.constant 1 : i32
    %scan3A_20 = scf.for %scan3A_31 = %scan3A_16 to %scan3A_18 step %scan3A_19 iter_args(%scan3A_32 = %scan3A_15) -> (i32)  : i32 {
      %mul3A_33 = arith.constant 20000 : i32
      %mul3A_34 = arith.muli %scan3A_31, %mul3A_33 : i32
      %add3A_35 = arith.addi %mul3A_2, %mul3A_34 : i32
      %multiple_of3A = tpu.assume_multiple %add3A_35, 8 : i32
      "tpu.region"() ({
        %run_scoped3A = tpu.sem_alloc : memref<!tpu.dma_semaphore, #tpu.memory_space<semaphore_mem>>
        %dma_start3A = tpu.memref_slice %arg2[%multiple_of3A] : memref<12800000xf32, #tpu.memory_space<hbm>> -> memref<20000xf32, #tpu.memory_space<hbm>>
        %dma_start3A_44 = tpu.memref_slice %arg2[%multiple_of3A] : memref<12800000xf32, #tpu.memory_space<hbm>> -> memref<20000xf32, #tpu.memory_space<hbm>>
        tpu.enqueue_dma source(%dma_start3A_44 : memref<20000xf32, #tpu.memory_space<hbm>>) target(%arg5 : memref<20000xf32, #tpu.memory_space<vmem>>) target_semaphore(%run_scoped3A : memref<!tpu.dma_semaphore, #tpu.memory_space<semaphore_mem>>)
        %dma_wait3A = tpu.memref_slice %arg2[%multiple_of3A] : memref<12800000xf32, #tpu.memory_space<hbm>> -> memref<20000xf32, #tpu.memory_space<hbm>>
        %dma_wait3A_45 = tpu.memref_slice %arg2[%multiple_of3A] : memref<12800000xf32, #tpu.memory_space<hbm>> -> memref<20000xf32, #tpu.memory_space<hbm>>
        tpu.wait_dma2 semaphore(%run_scoped3A : memref<!tpu.dma_semaphore, #tpu.memory_space<semaphore_mem>>) src(%dma_wait3A_45 : memref<20000xf32, #tpu.memory_space<hbm>>) dst(%arg5 : memref<20000xf32, #tpu.memory_space<vmem>>)
        tpu.yield
      }) : () -> ()
      %scan3A_36 = arith.constant 0 : i32
      %scan3A_37 = arith.constant 0 : i32
      %scan3A_38 = arith.constant 1250 : i32
      %scan3A_39 = arith.addi %scan3A_37, %scan3A_38 : i32
      %scan3A_40 = arith.constant 1 : i32
      %scan3A_41 = scf.for %scan3A_44 = %scan3A_37 to %scan3A_39 step %scan3A_40 iter_args(%scan3A_45 = %scan3A_36) -> (i32)  : i32 {
        %mul3A_46 = arith.constant 16 : i32
        %mul3A_47 = arith.muli %scan3A_44, %mul3A_46 : i32
        %get3A_48 = arith.index_cast %mul3A_47 : i32 to index
        %get3A_49 = tpu.vector_load %arg5[%get3A_48] {strides = array<i32>} : memref<20000xf32, #tpu.memory_space<vmem>>, vector<16xf32>,
        %bitcast_convert_type3A = tpu.bitcast %get3A_49 : vector<16xf32> -> vector<16xi32>
        %shift_right_logical3A = arith.constant 10 : i32
        %shift_right_logical3A_50 = vector.broadcast %shift_right_logical3A : i32 to vector<16xi32>
        %shift_right_logical3A_51 = arith.shrui %bitcast_convert_type3A, %shift_right_logical3A_50 : vector<16xi32>
        %and3A = arith.constant 2047 : i32
        %and3A_52 = vector.broadcast %and3A : i32 to vector<16xi32>
        %and3A_53 = arith.andi %shift_right_logical3A_51, %and3A_52 : vector<16xi32>
        %shift_right_logical3A_54 = arith.constant 21 : i32
        %shift_right_logical3A_55 = vector.broadcast %shift_right_logical3A_54 : i32 to vector<16xi32>
        %shift_right_logical3A_56 = arith.shrui %bitcast_convert_type3A, %shift_right_logical3A_55 : vector<16xi32>
        %eq3A = arith.cmpi eq, %shift_right_logical3A_56, %get3A_12 : vector<16xi32>
        %mul3A_57 = arith.constant 2048 : i32
        %mul3A_58 = vector.broadcast %mul3A_57 : i32 to vector<16xi32>
        %mul3A_59 = arith.muli %iota3A, %mul3A_58 : vector<16xi32>
        %add3A_60 = arith.addi %mul3A_59, %and3A_53 : vector<16xi32>
        tpu.vector_store_idx %arg6[%add3A_60], %broadcast_in_dim3A_14 masked %eq3A {add = true} : memref<32768xi32, #tpu.memory_space<vmem>>[vector<16xi32>], vector<16xi32>, vector<16xi1>
        %scan3A_61 = arith.constant 0 : i32
        scf.yield %scan3A_61 : i32
      }
      %scan3A_42 = arith.constant 1250 : i32
      %scan3A_43 = arith.constant 0 : i32
      scf.yield %scan3A_43 : i32
    }
    %scan3A_21 = arith.constant 20 : i32
    %scan3A_22 = arith.constant 0 : i32
    %scan3A_23 = arith.constant 0 : i32
    %scan3A_24 = arith.constant 128 : i32
    %scan3A_25 = arith.addi %scan3A_23, %scan3A_24 : i32
    %scan3A_26 = arith.constant 1 : i32
    %scan3A_27 = scf.for %scan3A_31 = %scan3A_23 to %scan3A_25 step %scan3A_26 iter_args(%scan3A_32 = %scan3A_22) -> (i32)  : i32 {
      %mul3A_33 = arith.constant 16 : i32
      %mul3A_34 = arith.muli %scan3A_31, %mul3A_33 : i32
      %get3A_35 = arith.index_cast %mul3A_34 : i32 to index
      %get3A_36 = tpu.vector_load %arg6[%get3A_35] {strides = array<i32>} : memref<32768xi32, #tpu.memory_space<vmem>>, vector<16xi32>,
      %mul3A_37 = arith.constant 16 : i32
      %mul3A_38 = arith.muli %scan3A_31, %mul3A_37 : i32
      %add3A_39 = arith.constant 2048 : i32
      %add3A_40 = arith.addi %add3A_39, %mul3A_38 : i32
      %get3A_41 = arith.index_cast %add3A_40 : i32 to index
      %get3A_42 = tpu.vector_load %arg6[%get3A_41] {strides = array<i32>} : memref<32768xi32, #tpu.memory_space<vmem>>, vector<16xi32>,
      %add3A_43 = arith.addi %get3A_36, %get3A_42 : vector<16xi32>
      %mul3A_44 = arith.constant 16 : i32
      %mul3A_45 = arith.muli %scan3A_31, %mul3A_44 : i32
      %add3A_46 = arith.constant 4096 : i32
      %add3A_47 = arith.addi %add3A_46, %mul3A_45 : i32
      %get3A_48 = arith.index_cast %add3A_47 : i32 to index
      %get3A_49 = tpu.vector_load %arg6[%get3A_48] {strides = array<i32>} : memref<32768xi32, #tpu.memory_space<vmem>>, vector<16xi32>,
      %add3A_50 = arith.addi %add3A_43, %get3A_49 : vector<16xi32>
      %mul3A_51 = arith.constant 16 : i32
      %mul3A_52 = arith.muli %scan3A_31, %mul3A_51 : i32
      %add3A_53 = arith.constant 6144 : i32
      %add3A_54 = arith.addi %add3A_53, %mul3A_52 : i32
      %get3A_55 = arith.index_cast %add3A_54 : i32 to index
      %get3A_56 = tpu.vector_load %arg6[%get3A_55] {strides = array<i32>} : memref<32768xi32, #tpu.memory_space<vmem>>, vector<16xi32>,
      %add3A_57 = arith.addi %add3A_50, %get3A_56 : vector<16xi32>
      %mul3A_58 = arith.constant 16 : i32
      %mul3A_59 = arith.muli %scan3A_31, %mul3A_58 : i32
      %add3A_60 = arith.constant 8192 : i32
      %add3A_61 = arith.addi %add3A_60, %mul3A_59 : i32
      %get3A_62 = arith.index_cast %add3A_61 : i32 to index
      %get3A_63 = tpu.vector_load %arg6[%get3A_62] {strides = array<i32>} : memref<32768xi32, #tpu.memory_space<vmem>>, vector<16xi32>,
      %add3A_64 = arith.addi %add3A_57, %get3A_63 : vector<16xi32>
      %mul3A_65 = arith.constant 16 : i32
      %mul3A_66 = arith.muli %scan3A_31, %mul3A_65 : i32
      %add3A_67 = arith.constant 10240 : i32
      %add3A_68 = arith.addi %add3A_67, %mul3A_66 : i32
      %get3A_69 = arith.index_cast %add3A_68 : i32 to index
      %get3A_70 = tpu.vector_load %arg6[%get3A_69] {strides = array<i32>} : memref<32768xi32, #tpu.memory_space<vmem>>, vector<16xi32>,
      %add3A_71 = arith.addi %add3A_64, %get3A_70 : vector<16xi32>
      %mul3A_72 = arith.constant 16 : i32
      %mul3A_73 = arith.muli %scan3A_31, %mul3A_72 : i32
      %add3A_74 = arith.constant 12288 : i32
      %add3A_75 = arith.addi %add3A_74, %mul3A_73 : i32
      %get3A_76 = arith.index_cast %add3A_75 : i32 to index
      %get3A_77 = tpu.vector_load %arg6[%get3A_76] {strides = array<i32>} : memref<32768xi32, #tpu.memory_space<vmem>>, vector<16xi32>,
      %add3A_78 = arith.addi %add3A_71, %get3A_77 : vector<16xi32>
      %mul3A_79 = arith.constant 16 : i32
      %mul3A_80 = arith.muli %scan3A_31, %mul3A_79 : i32
      %add3A_81 = arith.constant 14336 : i32
      %add3A_82 = arith.addi %add3A_81, %mul3A_80 : i32
      %get3A_83 = arith.index_cast %add3A_82 : i32 to index
      %get3A_84 = tpu.vector_load %arg6[%get3A_83] {strides = array<i32>} : memref<32768xi32, #tpu.memory_space<vmem>>, vector<16xi32>,
      %add3A_85 = arith.addi %add3A_78, %get3A_84 : vector<16xi32>
      %mul3A_86 = arith.constant 16 : i32
      %mul3A_87 = arith.muli %scan3A_31, %mul3A_86 : i32
      %add3A_88 = arith.constant 16384 : i32
      %add3A_89 = arith.addi %add3A_88, %mul3A_87 : i32
      %get3A_90 = arith.index_cast %add3A_89 : i32 to index
      %get3A_91 = tpu.vector_load %arg6[%get3A_90] {strides = array<i32>} : memref<32768xi32, #tpu.memory_space<vmem>>, vector<16xi32>,
      %add3A_92 = arith.addi %add3A_85, %get3A_91 : vector<16xi32>
      %mul3A_93 = arith.constant 16 : i32
      %mul3A_94 = arith.muli %scan3A_31, %mul3A_93 : i32
      %add3A_95 = arith.constant 18432 : i32
      %add3A_96 = arith.addi %add3A_95, %mul3A_94 : i32
      %get3A_97 = arith.index_cast %add3A_96 : i32 to index
      %get3A_98 = tpu.vector_load %arg6[%get3A_97] {strides = array<i32>} : memref<32768xi32, #tpu.memory_space<vmem>>, vector<16xi32>,
      %add3A_99 = arith.addi %add3A_92, %get3A_98 : vector<16xi32>
      %mul3A_100 = arith.constant 16 : i32
      %mul3A_101 = arith.muli %scan3A_31, %mul3A_100 : i32
      %add3A_102 = arith.constant 20480 : i32
      %add3A_103 = arith.addi %add3A_102, %mul3A_101 : i32
      %get3A_104 = arith.index_cast %add3A_103 : i32 to index
      %get3A_105 = tpu.vector_load %arg6[%get3A_104] {strides = array<i32>} : memref<32768xi32, #tpu.memory_space<vmem>>, vector<16xi32>,
      %add3A_106 = arith.addi %add3A_99, %get3A_105 : vector<16xi32>
      %mul3A_107 = arith.constant 16 : i32
      %mul3A_108 = arith.muli %scan3A_31, %mul3A_107 : i32
      %add3A_109 = arith.constant 22528 : i32
      %add3A_110 = arith.addi %add3A_109, %mul3A_108 : i32
      %get3A_111 = arith.index_cast %add3A_110 : i32 to index
      %get3A_112 = tpu.vector_load %arg6[%get3A_111] {strides = array<i32>} : memref<32768xi32, #tpu.memory_space<vmem>>, vector<16xi32>,
      %add3A_113 = arith.addi %add3A_106, %get3A_112 : vector<16xi32>
      %mul3A_114 = arith.constant 16 : i32
      %mul3A_115 = arith.muli %scan3A_31, %mul3A_114 : i32
      %add3A_116 = arith.constant 24576 : i32
      %add3A_117 = arith.addi %add3A_116, %mul3A_115 : i32
      %get3A_118 = arith.index_cast %add3A_117 : i32 to index
      %get3A_119 = tpu.vector_load %arg6[%get3A_118] {strides = array<i32>} : memref<32768xi32, #tpu.memory_space<vmem>>, vector<16xi32>,
      %add3A_120 = arith.addi %add3A_113, %get3A_119 : vector<16xi32>
      %mul3A_121 = arith.constant 16 : i32
      %mul3A_122 = arith.muli %scan3A_31, %mul3A_121 : i32
      %add3A_123 = arith.constant 26624 : i32
      %add3A_124 = arith.addi %add3A_123, %mul3A_122 : i32
      %get3A_125 = arith.index_cast %add3A_124 : i32 to index
      %get3A_126 = tpu.vector_load %arg6[%get3A_125] {strides = array<i32>} : memref<32768xi32, #tpu.memory_space<vmem>>, vector<16xi32>,
      %add3A_127 = arith.addi %add3A_120, %get3A_126 : vector<16xi32>
      %mul3A_128 = arith.constant 16 : i32
      %mul3A_129 = arith.muli %scan3A_31, %mul3A_128 : i32
      %add3A_130 = arith.constant 28672 : i32
      %add3A_131 = arith.addi %add3A_130, %mul3A_129 : i32
      %get3A_132 = arith.index_cast %add3A_131 : i32 to index
      %get3A_133 = tpu.vector_load %arg6[%get3A_132] {strides = array<i32>} : memref<32768xi32, #tpu.memory_space<vmem>>, vector<16xi32>,
      %add3A_134 = arith.addi %add3A_127, %get3A_133 : vector<16xi32>
      %mul3A_135 = arith.constant 16 : i32
      %mul3A_136 = arith.muli %scan3A_31, %mul3A_135 : i32
      %add3A_137 = arith.constant 30720 : i32
      %add3A_138 = arith.addi %add3A_137, %mul3A_136 : i32
      %get3A_139 = arith.index_cast %add3A_138 : i32 to index
      %get3A_140 = tpu.vector_load %arg6[%get3A_139] {strides = array<i32>} : memref<32768xi32, #tpu.memory_space<vmem>>, vector<16xi32>,
      %add3A_141 = arith.addi %add3A_134, %get3A_140 : vector<16xi32>
      %mul3A_142 = arith.constant 16 : i32
      %mul3A_143 = arith.muli %scan3A_31, %mul3A_142 : i32
      %swap3A = arith.index_cast %mul3A_143 : i32 to index
      %swap3A_144 = tpu.vector_load %arg7[%swap3A] {strides = array<i32>} : memref<2048xi32, #tpu.memory_space<vmem>>, vector<16xi32>,
      tpu.vector_store %arg7[%swap3A], %add3A_141 {strides = array<i32>} : memref<2048xi32, #tpu.memory_space<vmem>>, vector<16xi32>,
      %scan3A_145 = arith.constant 0 : i32
      scf.yield %scan3A_145 : i32
    }
    %scan3A_28 = arith.constant 128 : i32
    %mul3A_29 = arith.constant 2048 : i32
    %mul3A_30 = arith.muli %add3A, %mul3A_29 : i32
    "tpu.region"() ({
      %run_scoped3A = tpu.sem_alloc : memref<!tpu.dma_semaphore, #tpu.memory_space<semaphore_mem>>
      %dma_start3A = tpu.memref_slice %arg4[%mul3A_30] : memref<65536xi32, #tpu.memory_space<hbm>> -> memref<2048xi32, #tpu.memory_space<hbm>>
      %dma_start3A_31 = tpu.memref_slice %arg4[%mul3A_30] : memref<65536xi32, #tpu.memory_space<hbm>> -> memref<2048xi32, #tpu.memory_space<hbm>>
      tpu.enqueue_dma source(%arg7 : memref<2048xi32, #tpu.memory_space<vmem>>) target(%dma_start3A_31 : memref<2048xi32, #tpu.memory_space<hbm>>) target_semaphore(%run_scoped3A : memref<!tpu.dma_semaphore, #tpu.memory_space<semaphore_mem>>)
      %dma_wait3A = tpu.memref_slice %arg4[%mul3A_30] : memref<65536xi32, #tpu.memory_space<hbm>> -> memref<2048xi32, #tpu.memory_space<hbm>>
      %dma_wait3A_32 = tpu.memref_slice %arg4[%mul3A_30] : memref<65536xi32, #tpu.memory_space<hbm>> -> memref<2048xi32, #tpu.memory_space<hbm>>
      tpu.wait_dma2 semaphore(%run_scoped3A : memref<!tpu.dma_semaphore, #tpu.memory_space<semaphore_mem>>) src(%arg7 : memref<2048xi32, #tpu.memory_space<vmem>>) dst(%dma_wait3A_32 : memref<2048xi32, #tpu.memory_space<hbm>>)
      tpu.yield
    }) : () -> ()
    return
  }
}

#map = affine_map<(d0, d1) -> (0)>
module attributes {stable_mosaic.version = 14 : i64} {
  func.func @_compact_kernel(%arg0: i32, %arg1: i32, %arg2: memref<12800000xf32, #tpu.memory_space<hbm>>, %arg3: memref<512xi32, #tpu.memory_space<hbm>>, %arg4: memref<9728xf32, #tpu.memory_space<hbm>>, %arg5: memref<9728xi32, #tpu.memory_space<hbm>>, %arg6: memref<9728xi32, #tpu.memory_space<hbm>>, %arg7: memref<512xi32, #tpu.memory_space<hbm>>, %arg8: memref<20000xf32, #tpu.memory_space<vmem>>, %arg9: memref<320xf32, #tpu.memory_space<vmem>>, %arg10: memref<320xi32, #tpu.memory_space<vmem>>, %arg11: memref<320xi32, #tpu.memory_space<vmem>>, %arg12: memref<16xi32, #tpu.memory_space<vmem>>, %arg13: memref<16xi32, #tpu.memory_space<vmem>>) attributes {dimension_semantics = [#tpu.dimension_semantics<core_parallel>, #tpu.dimension_semantics<subcore_parallel>], iteration_bounds = array<i64: 2, 16>, scalar_prefetch = 0 : i64, scratch_operands = 6 : i64, tpu.core_type = #tpu.core_type<sc_vector_subcore>, window_params = [{transform_indices = #map}, {transform_indices = #map}, {transform_indices = #map}, {transform_indices = #map}, {transform_indices = #map}, {transform_indices = #map}]} {
    %mul3A = arith.constant 2 : i32
    %mul3A_0 = arith.muli %arg1, %mul3A : i32
    %add3A = arith.addi %mul3A_0, %arg0 : i32
    %mul3A_1 = arith.constant 400000 : i32
    %mul3A_2 = arith.muli %add3A, %mul3A_1 : i32
    %jit3A = arith.constant 4 : i32
    %div3A = arith.divsi %add3A, %jit3A : i32
    %sign3A = arith.constant 0 : i32
    %sign3A_3 = arith.cmpi sgt, %add3A, %sign3A : i32
    %sign3A_4 = arith.extui %sign3A_3 : i1 to i32
    %sign3A_5 = arith.constant 0 : i32
    %sign3A_6 = arith.cmpi slt, %add3A, %sign3A_5 : i32
    %sign3A_7 = arith.extui %sign3A_6 : i1 to i32
    %sign3A_8 = arith.subi %sign3A_4, %sign3A_7 : i32
    %sign3A_9 = arith.constant 0 : i32
    %sign3A_10 = arith.cmpi sgt, %jit3A, %sign3A_9 : i32
    %sign3A_11 = arith.extui %sign3A_10 : i1 to i32
    %sign3A_12 = arith.constant 0 : i32
    %sign3A_13 = arith.cmpi slt, %jit3A, %sign3A_12 : i32
    %sign3A_14 = arith.extui %sign3A_13 : i1 to i32
    %sign3A_15 = arith.subi %sign3A_11, %sign3A_14 : i32
    %ne3A = arith.cmpi ne, %sign3A_8, %sign3A_15 : i32
    %rem3A = arith.remsi %add3A, %jit3A : i32
    %ne3A_16 = arith.constant 0 : i32
    %ne3A_17 = arith.cmpi ne, %rem3A, %ne3A_16 : i32
    %and3A = arith.andi %ne3A, %ne3A_17 : i1
    %sub3A = arith.constant 1 : i32
    %sub3A_18 = arith.subi %div3A, %sub3A : i32
    %select_n3A = arith.select %and3A, %sub3A_18, %div3A : i32
    %mul3A_19 = arith.constant 4 : i32
    %mul3A_20 = arith.muli %select_n3A, %mul3A_19 : i32
    %sub3A_21 = arith.subi %add3A, %mul3A_20 : i32
    %mul3A_22 = arith.constant 400000 : i32
    %mul3A_23 = arith.muli %sub3A_21, %mul3A_22 : i32
    %mul3A_24 = arith.constant 16 : i32
    %mul3A_25 = arith.muli %add3A, %mul3A_24 : i32
    "tpu.region"() ({
      %run_scoped3A = tpu.sem_alloc : memref<!tpu.dma_semaphore, #tpu.memory_space<semaphore_mem>>
      %dma_start3A = tpu.memref_slice %arg3[%mul3A_25] : memref<512xi32, #tpu.memory_space<hbm>> -> memref<16xi32, #tpu.memory_space<hbm>>
      %dma_start3A_62 = tpu.memref_slice %arg3[%mul3A_25] : memref<512xi32, #tpu.memory_space<hbm>> -> memref<16xi32, #tpu.memory_space<hbm>>
      tpu.enqueue_dma source(%dma_start3A_62 : memref<16xi32, #tpu.memory_space<hbm>>) target(%arg12 : memref<16xi32, #tpu.memory_space<vmem>>) target_semaphore(%run_scoped3A : memref<!tpu.dma_semaphore, #tpu.memory_space<semaphore_mem>>)
      %dma_wait3A = tpu.memref_slice %arg3[%mul3A_25] : memref<512xi32, #tpu.memory_space<hbm>> -> memref<16xi32, #tpu.memory_space<hbm>>
      %dma_wait3A_63 = tpu.memref_slice %arg3[%mul3A_25] : memref<512xi32, #tpu.memory_space<hbm>> -> memref<16xi32, #tpu.memory_space<hbm>>
      tpu.wait_dma2 semaphore(%run_scoped3A : memref<!tpu.dma_semaphore, #tpu.memory_space<semaphore_mem>>) src(%dma_wait3A_63 : memref<16xi32, #tpu.memory_space<hbm>>) dst(%arg12 : memref<16xi32, #tpu.memory_space<vmem>>)
      tpu.yield
    }) : () -> ()
    %get3A = arith.constant 0 : index
    %get3A_26 = tpu.vector_load %arg12[%get3A] {strides = array<i32>} : memref<16xi32, #tpu.memory_space<vmem>>, vector<16xi32>,
    %iota3A = tpu.iota {dimensions = array<i32: 0>} : vector<16xi32>
    %broadcast_in_dim3A = arith.constant -1.000000e+00 : f32
    %broadcast_in_dim3A_27 = vector.broadcast %broadcast_in_dim3A : f32 to vector<16xf32>
    %scan3A = arith.constant 0 : i32
    %scan3A_28 = arith.constant 0 : i32
    %scan3A_29 = arith.constant 20 : i32
    %scan3A_30 = arith.addi %scan3A_28, %scan3A_29 : i32
    %scan3A_31 = arith.constant 1 : i32
    %scan3A_32 = scf.for %scan3A_62 = %scan3A_28 to %scan3A_30 step %scan3A_31 iter_args(%scan3A_63 = %scan3A) -> (i32)  : i32 {
      %mul3A_64 = arith.constant 16 : i32
      %mul3A_65 = arith.muli %scan3A_62, %mul3A_64 : i32
      %swap3A_66 = arith.index_cast %mul3A_65 : i32 to index
      %swap3A_67 = tpu.vector_load %arg9[%swap3A_66] {strides = array<i32>} : memref<320xf32, #tpu.memory_space<vmem>>, vector<16xf32>,
      tpu.vector_store %arg9[%swap3A_66], %broadcast_in_dim3A_27 {strides = array<i32>} : memref<320xf32, #tpu.memory_space<vmem>>, vector<16xf32>,
      %scan3A_68 = arith.constant 0 : i32
      scf.yield %scan3A_68 : i32
    }
    %scan3A_33 = arith.constant 20 : i32
    %scan3A_34 = arith.constant 0 : i32
    %scan3A_35 = arith.constant 0 : i32
    %scan3A_36 = arith.constant 0 : i32
    %scan3A_37 = arith.constant 20 : i32
    %scan3A_38 = arith.addi %scan3A_36, %scan3A_37 : i32
    %scan3A_39 = arith.constant 1 : i32
    %scan3A_40:2 = scf.for %scan3A_62 = %scan3A_36 to %scan3A_38 step %scan3A_39 iter_args(%scan3A_63 = %scan3A_34, %scan3A_64 = %scan3A_35) -> (i32, i32)  : i32 {
      %mul3A_65 = arith.constant 20000 : i32
      %mul3A_66 = arith.muli %scan3A_62, %mul3A_65 : i32
      %add3A_67 = arith.addi %mul3A_2, %mul3A_66 : i32
      %multiple_of3A = tpu.assume_multiple %add3A_67, 8 : i32
      "tpu.region"() ({
        %run_scoped3A = tpu.sem_alloc : memref<!tpu.dma_semaphore, #tpu.memory_space<semaphore_mem>>
        %dma_start3A = tpu.memref_slice %arg2[%multiple_of3A] : memref<12800000xf32, #tpu.memory_space<hbm>> -> memref<20000xf32, #tpu.memory_space<hbm>>
        %dma_start3A_74 = tpu.memref_slice %arg2[%multiple_of3A] : memref<12800000xf32, #tpu.memory_space<hbm>> -> memref<20000xf32, #tpu.memory_space<hbm>>
        tpu.enqueue_dma source(%dma_start3A_74 : memref<20000xf32, #tpu.memory_space<hbm>>) target(%arg8 : memref<20000xf32, #tpu.memory_space<vmem>>) target_semaphore(%run_scoped3A : memref<!tpu.dma_semaphore, #tpu.memory_space<semaphore_mem>>)
        %dma_wait3A = tpu.memref_slice %arg2[%multiple_of3A] : memref<12800000xf32, #tpu.memory_space<hbm>> -> memref<20000xf32, #tpu.memory_space<hbm>>
        %dma_wait3A_75 = tpu.memref_slice %arg2[%multiple_of3A] : memref<12800000xf32, #tpu.memory_space<hbm>> -> memref<20000xf32, #tpu.memory_space<hbm>>
        tpu.wait_dma2 semaphore(%run_scoped3A : memref<!tpu.dma_semaphore, #tpu.memory_space<semaphore_mem>>) src(%dma_wait3A_75 : memref<20000xf32, #tpu.memory_space<hbm>>) dst(%arg8 : memref<20000xf32, #tpu.memory_space<vmem>>)
        tpu.yield
      }) : () -> ()
      %scan3A_68 = arith.constant 0 : i32
      %scan3A_69 = arith.constant 1250 : i32
      %scan3A_70 = arith.addi %scan3A_68, %scan3A_69 : i32
      %scan3A_71 = arith.constant 1 : i32
      %scan3A_72:2 = scf.for %scan3A_74 = %scan3A_68 to %scan3A_70 step %scan3A_71 iter_args(%scan3A_75 = %scan3A_63, %scan3A_76 = %scan3A_64) -> (i32, i32)  : i32 {
        %mul3A_77 = arith.constant 16 : i32
        %mul3A_78 = arith.muli %scan3A_74, %mul3A_77 : i32
        %get3A_79 = arith.index_cast %mul3A_78 : i32 to index
        %get3A_80 = tpu.vector_load %arg8[%get3A_79] {strides = array<i32>} : memref<20000xf32, #tpu.memory_space<vmem>>, vector<16xf32>,
        %bitcast_convert_type3A = tpu.bitcast %get3A_80 : vector<16xf32> -> vector<16xi32>
        %mul3A_81 = arith.constant 20000 : i32
        %mul3A_82 = arith.muli %scan3A_62, %mul3A_81 : i32
        %add3A_83 = arith.addi %mul3A_23, %mul3A_82 : i32
        %mul3A_84 = arith.constant 16 : i32
        %mul3A_85 = arith.muli %scan3A_74, %mul3A_84 : i32
        %add3A_86 = arith.addi %add3A_83, %mul3A_85 : i32
        %add3A_87 = vector.broadcast %add3A_86 : i32 to vector<16xi32>
        %add3A_88 = arith.addi %add3A_87, %iota3A : vector<16xi32>
        %gt3A = arith.cmpi sgt, %bitcast_convert_type3A, %get3A_26 : vector<16xi32>
        %eq3A_89 = arith.cmpi eq, %bitcast_convert_type3A, %get3A_26 : vector<16xi32>
        %convert_element_type3A = arith.extui %gt3A : vector<16xi1> to vector<16xi32>
        %convert_element_type3A_90 = arith.extui %eq3A_89 : vector<16xi1> to vector<16xi32>
        %all_reduce_population_count3A = tpu.all_reduce %gt3A {dim = 0 : i64, kind = #tpu.reduction_kind<sum>} : vector<16xi1> -> vector<16xi32>
        %slice3A = vector.extract_strided_slice %all_reduce_population_count3A {offsets = [0], sizes = [1], strides = [1]} : vector<16xi32> to vector<1xi32>
        %squeeze3A = vector.extract %slice3A[0] : i32 from vector<1xi32>
        %all_reduce_population_count3A_91 = tpu.all_reduce %eq3A_89 {dim = 0 : i64, kind = #tpu.reduction_kind<sum>} : vector<16xi1> -> vector<16xi32>
        %slice3A_92 = vector.extract_strided_slice %all_reduce_population_count3A_91 {offsets = [0], sizes = [1], strides = [1]} : vector<16xi32> to vector<1xi32>
        %squeeze3A_93 = vector.extract %slice3A_92[0] : i32 from vector<1xi32>
        %broadcast_in_dim3A_94 = arith.constant true
        %broadcast_in_dim3A_95 = vector.broadcast %broadcast_in_dim3A_94 : i1 to vector<16xi1>
        %masked_cumsum3A = tpu.scan <sum>, %convert_element_type3A masked %broadcast_in_dim3A_95 : vector<16xi32>, vector<16xi1> -> vector<16xi32>
        %add3A_96 = vector.broadcast %scan3A_75 : i32 to vector<16xi32>
        %add3A_97 = arith.addi %add3A_96, %masked_cumsum3A : vector<16xi32>
        %sub3A_98 = arith.subi %add3A_97, %convert_element_type3A : vector<16xi32>
        %broadcast_in_dim3A_99 = arith.constant true
        %broadcast_in_dim3A_100 = vector.broadcast %broadcast_in_dim3A_99 : i1 to vector<16xi1>
        %masked_cumsum3A_101 = tpu.scan <sum>, %convert_element_type3A_90 masked %broadcast_in_dim3A_100 : vector<16xi32>, vector<16xi1> -> vector<16xi32>
        %add3A_102 = vector.broadcast %scan3A_76 : i32 to vector<16xi32>
        %add3A_103 = arith.addi %add3A_102, %masked_cumsum3A_101 : vector<16xi32>
        %sub3A_104 = arith.subi %add3A_103, %convert_element_type3A_90 : vector<16xi32>
        tpu.vector_store_idx %arg9[%sub3A_98], %get3A_80 masked %gt3A : memref<320xf32, #tpu.memory_space<vmem>>[vector<16xi32>], vector<16xf32>, vector<16xi1>
        tpu.vector_store_idx %arg10[%sub3A_98], %add3A_88 masked %gt3A : memref<320xi32, #tpu.memory_space<vmem>>[vector<16xi32>], vector<16xi32>, vector<16xi1>
        tpu.vector_store_idx %arg11[%sub3A_104], %add3A_88 masked %eq3A_89 : memref<320xi32, #tpu.memory_space<vmem>>[vector<16xi32>], vector<16xi32>, vector<16xi1>
        %add3A_105 = arith.addi %scan3A_75, %squeeze3A : i32
        %min3A = arith.constant 304 : i32
        %min3A_106 = arith.minsi %add3A_105, %min3A : i32
        %add3A_107 = arith.addi %scan3A_76, %squeeze3A_93 : i32
        %min3A_108 = arith.constant 304 : i32
        %min3A_109 = arith.minsi %add3A_107, %min3A_108 : i32
        scf.yield %min3A_106, %min3A_109 : i32, i32
      }
      %scan3A_73 = arith.constant 1250 : i32
      scf.yield %scan3A_72#0, %scan3A_72#1 : i32, i32
    }
    %scan3A_41 = arith.constant 20 : i32
    %eq3A = arith.constant 0 : i32
    %eq3A_42 = vector.broadcast %eq3A : i32 to vector<16xi32>
    %eq3A_43 = arith.cmpi eq, %iota3A, %eq3A_42 : vector<16xi32>
    %eq3A_44 = arith.constant 1 : i32
    %eq3A_45 = vector.broadcast %eq3A_44 : i32 to vector<16xi32>
    %eq3A_46 = arith.cmpi eq, %iota3A, %eq3A_45 : vector<16xi32>
    %jit3A_47 = arith.constant 0 : i32
    %broadcast_in_dim3A_48 = vector.broadcast %scan3A_40#1 : i32 to vector<16xi32>
    %broadcast_in_dim3A_49 = vector.broadcast %jit3A_47 : i32 to vector<16xi32>
    %select_n3A_50 = arith.select %eq3A_46, %broadcast_in_dim3A_48, %broadcast_in_dim3A_49 : vector<16xi1>, vector<16xi32>
    %broadcast_in_dim3A_51 = vector.broadcast %scan3A_40#0 : i32 to vector<16xi32>
    %select_n3A_52 = arith.select %eq3A_43, %broadcast_in_dim3A_51, %select_n3A_50 : vector<16xi1>, vector<16xi32>
    %swap3A = arith.constant 0 : index
    %swap3A_53 = tpu.vector_load %arg13[%swap3A] {strides = array<i32>} : memref<16xi32, #tpu.memory_space<vmem>>, vector<16xi32>,
    tpu.vector_store %arg13[%swap3A], %select_n3A_52 {strides = array<i32>} : memref<16xi32, #tpu.memory_space<vmem>>, vector<16xi32>,
    %mul3A_54 = arith.constant 304 : i32
    %mul3A_55 = arith.muli %add3A, %mul3A_54 : i32
    "tpu.region"() ({
      %run_scoped3A = tpu.sem_alloc : memref<!tpu.dma_semaphore, #tpu.memory_space<semaphore_mem>>
      %dma_start3A = arith.constant 0 : i32
      %dma_start3A_62 = tpu.memref_slice %arg9[%dma_start3A] : memref<320xf32, #tpu.memory_space<vmem>> -> memref<304xf32, #tpu.memory_space<vmem>>
      %dma_start3A_63 = tpu.memref_slice %arg4[%mul3A_55] : memref<9728xf32, #tpu.memory_space<hbm>> -> memref<304xf32, #tpu.memory_space<hbm>>
      %dma_start3A_64 = tpu.memref_slice %arg4[%mul3A_55] : memref<9728xf32, #tpu.memory_space<hbm>> -> memref<304xf32, #tpu.memory_space<hbm>>
      %dma_start3A_65 = arith.constant 0 : i32
      %dma_start3A_66 = tpu.memref_slice %arg9[%dma_start3A_65] : memref<320xf32, #tpu.memory_space<vmem>> -> memref<304xf32, #tpu.memory_space<vmem>>
      tpu.enqueue_dma source(%dma_start3A_66 : memref<304xf32, #tpu.memory_space<vmem>>) target(%dma_start3A_64 : memref<304xf32, #tpu.memory_space<hbm>>) target_semaphore(%run_scoped3A : memref<!tpu.dma_semaphore, #tpu.memory_space<semaphore_mem>>)
      %dma_wait3A = arith.constant 0 : i32
      %dma_wait3A_67 = tpu.memref_slice %arg9[%dma_wait3A] : memref<320xf32, #tpu.memory_space<vmem>> -> memref<304xf32, #tpu.memory_space<vmem>>
      %dma_wait3A_68 = tpu.memref_slice %arg4[%mul3A_55] : memref<9728xf32, #tpu.memory_space<hbm>> -> memref<304xf32, #tpu.memory_space<hbm>>
      %dma_wait3A_69 = tpu.memref_slice %arg4[%mul3A_55] : memref<9728xf32, #tpu.memory_space<hbm>> -> memref<304xf32, #tpu.memory_space<hbm>>
      %dma_wait3A_70 = arith.constant 0 : i32
      %dma_wait3A_71 = tpu.memref_slice %arg9[%dma_wait3A_70] : memref<320xf32, #tpu.memory_space<vmem>> -> memref<304xf32, #tpu.memory_space<vmem>>
      tpu.wait_dma2 semaphore(%run_scoped3A : memref<!tpu.dma_semaphore, #tpu.memory_space<semaphore_mem>>) src(%dma_wait3A_71 : memref<304xf32, #tpu.memory_space<vmem>>) dst(%dma_wait3A_69 : memref<304xf32, #tpu.memory_space<hbm>>)
      tpu.yield
    }) : () -> ()
    %mul3A_56 = arith.constant 304 : i32
    %mul3A_57 = arith.muli %add3A, %mul3A_56 : i32
    "tpu.region"() ({
      %run_scoped3A = tpu.sem_alloc : memref<!tpu.dma_semaphore, #tpu.memory_space<semaphore_mem>>
      %dma_start3A = arith.constant 0 : i32
      %dma_start3A_62 = tpu.memref_slice %arg10[%dma_start3A] : memref<320xi32, #tpu.memory_space<vmem>> -> memref<304xi32, #tpu.memory_space<vmem>>
      %dma_start3A_63 = tpu.memref_slice %arg5[%mul3A_57] : memref<9728xi32, #tpu.memory_space<hbm>> -> memref<304xi32, #tpu.memory_space<hbm>>
      %dma_start3A_64 = tpu.memref_slice %arg5[%mul3A_57] : memref<9728xi32, #tpu.memory_space<hbm>> -> memref<304xi32, #tpu.memory_space<hbm>>
      %dma_start3A_65 = arith.constant 0 : i32
      %dma_start3A_66 = tpu.memref_slice %arg10[%dma_start3A_65] : memref<320xi32, #tpu.memory_space<vmem>> -> memref<304xi32, #tpu.memory_space<vmem>>
      tpu.enqueue_dma source(%dma_start3A_66 : memref<304xi32, #tpu.memory_space<vmem>>) target(%dma_start3A_64 : memref<304xi32, #tpu.memory_space<hbm>>) target_semaphore(%run_scoped3A : memref<!tpu.dma_semaphore, #tpu.memory_space<semaphore_mem>>)
      %dma_wait3A = arith.constant 0 : i32
      %dma_wait3A_67 = tpu.memref_slice %arg10[%dma_wait3A] : memref<320xi32, #tpu.memory_space<vmem>> -> memref<304xi32, #tpu.memory_space<vmem>>
      %dma_wait3A_68 = tpu.memref_slice %arg5[%mul3A_57] : memref<9728xi32, #tpu.memory_space<hbm>> -> memref<304xi32, #tpu.memory_space<hbm>>
      %dma_wait3A_69 = tpu.memref_slice %arg5[%mul3A_57] : memref<9728xi32, #tpu.memory_space<hbm>> -> memref<304xi32, #tpu.memory_space<hbm>>
      %dma_wait3A_70 = arith.constant 0 : i32
      %dma_wait3A_71 = tpu.memref_slice %arg10[%dma_wait3A_70] : memref<320xi32, #tpu.memory_space<vmem>> -> memref<304xi32, #tpu.memory_space<vmem>>
      tpu.wait_dma2 semaphore(%run_scoped3A : memref<!tpu.dma_semaphore, #tpu.memory_space<semaphore_mem>>) src(%dma_wait3A_71 : memref<304xi32, #tpu.memory_space<vmem>>) dst(%dma_wait3A_69 : memref<304xi32, #tpu.memory_space<hbm>>)
      tpu.yield
    }) : () -> ()
    %mul3A_58 = arith.constant 304 : i32
    %mul3A_59 = arith.muli %add3A, %mul3A_58 : i32
    "tpu.region"() ({
      %run_scoped3A = tpu.sem_alloc : memref<!tpu.dma_semaphore, #tpu.memory_space<semaphore_mem>>
      %dma_start3A = arith.constant 0 : i32
      %dma_start3A_62 = tpu.memref_slice %arg11[%dma_start3A] : memref<320xi32, #tpu.memory_space<vmem>> -> memref<304xi32, #tpu.memory_space<vmem>>
      %dma_start3A_63 = tpu.memref_slice %arg6[%mul3A_59] : memref<9728xi32, #tpu.memory_space<hbm>> -> memref<304xi32, #tpu.memory_space<hbm>>
      %dma_start3A_64 = tpu.memref_slice %arg6[%mul3A_59] : memref<9728xi32, #tpu.memory_space<hbm>> -> memref<304xi32, #tpu.memory_space<hbm>>
      %dma_start3A_65 = arith.constant 0 : i32
      %dma_start3A_66 = tpu.memref_slice %arg11[%dma_start3A_65] : memref<320xi32, #tpu.memory_space<vmem>> -> memref<304xi32, #tpu.memory_space<vmem>>
      tpu.enqueue_dma source(%dma_start3A_66 : memref<304xi32, #tpu.memory_space<vmem>>) target(%dma_start3A_64 : memref<304xi32, #tpu.memory_space<hbm>>) target_semaphore(%run_scoped3A : memref<!tpu.dma_semaphore, #tpu.memory_space<semaphore_mem>>)
      %dma_wait3A = arith.constant 0 : i32
      %dma_wait3A_67 = tpu.memref_slice %arg11[%dma_wait3A] : memref<320xi32, #tpu.memory_space<vmem>> -> memref<304xi32, #tpu.memory_space<vmem>>
      %dma_wait3A_68 = tpu.memref_slice %arg6[%mul3A_59] : memref<9728xi32, #tpu.memory_space<hbm>> -> memref<304xi32, #tpu.memory_space<hbm>>
      %dma_wait3A_69 = tpu.memref_slice %arg6[%mul3A_59] : memref<9728xi32, #tpu.memory_space<hbm>> -> memref<304xi32, #tpu.memory_space<hbm>>
      %dma_wait3A_70 = arith.constant 0 : i32
      %dma_wait3A_71 = tpu.memref_slice %arg11[%dma_wait3A_70] : memref<320xi32, #tpu.memory_space<vmem>> -> memref<304xi32, #tpu.memory_space<vmem>>
      tpu.wait_dma2 semaphore(%run_scoped3A : memref<!tpu.dma_semaphore, #tpu.memory_space<semaphore_mem>>) src(%dma_wait3A_71 : memref<304xi32, #tpu.memory_space<vmem>>) dst(%dma_wait3A_69 : memref<304xi32, #tpu.memory_space<hbm>>)
      tpu.yield
    }) : () -> ()
    %mul3A_60 = arith.constant 16 : i32
    %mul3A_61 = arith.muli %add3A, %mul3A_60 : i32
    "tpu.region"() ({
      %run_scoped3A = tpu.sem_alloc : memref<!tpu.dma_semaphore, #tpu.memory_space<semaphore_mem>>
      %dma_start3A = tpu.memref_slice %arg7[%mul3A_61] : memref<512xi32, #tpu.memory_space<hbm>> -> memref<16xi32, #tpu.memory_space<hbm>>
      %dma_start3A_62 = tpu.memref_slice %arg7[%mul3A_61] : memref<512xi32, #tpu.memory_space<hbm>> -> memref<16xi32, #tpu.memory_space<hbm>>
      tpu.enqueue_dma source(%arg13 : memref<16xi32, #tpu.memory_space<vmem>>) target(%dma_start3A_62 : memref<16xi32, #tpu.memory_space<hbm>>) target_semaphore(%run_scoped3A : memref<!tpu.dma_semaphore, #tpu.memory_space<semaphore_mem>>)
      %dma_wait3A = tpu.memref_slice %arg7[%mul3A_61] : memref<512xi32, #tpu.memory_space<hbm>> -> memref<16xi32, #tpu.memory_space<hbm>>
      %dma_wait3A_63 = tpu.memref_slice %arg7[%mul3A_61] : memref<512xi32, #tpu.memory_space<hbm>> -> memref<16xi32, #tpu.memory_space<hbm>>
      tpu.wait_dma2 semaphore(%run_scoped3A : memref<!tpu.dma_semaphore, #tpu.memory_space<semaphore_mem>>) src(%arg13 : memref<16xi32, #tpu.memory_space<vmem>>) dst(%dma_wait3A_63 : memref<16xi32, #tpu.memory_space<hbm>>)
      tpu.yield
    }) : () -> ()
    return
  }
}

#map = affine_map<(d0, d1) -> (0)>
module attributes {stable_mosaic.version = 14 : i64} {
  func.func @_hist_kernel(%arg0: i32, %arg1: i32, %arg2: memref<12800000xf32, #tpu.memory_space<hbm>>, %arg3: memref<512xi32, #tpu.memory_space<hbm>>, %arg4: memref<16384xi32, #tpu.memory_space<hbm>>, %arg5: memref<20000xf32, #tpu.memory_space<vmem>>, %arg6: memref<8192xi32, #tpu.memory_space<vmem>>, %arg7: memref<512xi32, #tpu.memory_space<vmem>>, %arg8: memref<16xi32, #tpu.memory_space<vmem>>) attributes {dimension_semantics = [#tpu.dimension_semantics<core_parallel>, #tpu.dimension_semantics<subcore_parallel>], iteration_bounds = array<i64: 2, 16>, scalar_prefetch = 0 : i64, scratch_operands = 4 : i64, tpu.core_type = #tpu.core_type<sc_vector_subcore>, window_params = [{transform_indices = #map}, {transform_indices = #map}, {transform_indices = #map}]} {
    %mul3A = arith.constant 2 : i32
    %mul3A_0 = arith.muli %arg1, %mul3A : i32
    %add3A = arith.addi %mul3A_0, %arg0 : i32
    %mul3A_1 = arith.constant 400000 : i32
    %mul3A_2 = arith.muli %add3A, %mul3A_1 : i32
    %broadcast_in_dim3A = arith.constant 0 : i32
    %broadcast_in_dim3A_3 = vector.broadcast %broadcast_in_dim3A : i32 to vector<16xi32>
    %scan3A = arith.constant 0 : i32
    %scan3A_4 = arith.constant 0 : i32
    %scan3A_5 = arith.constant 512 : i32
    %scan3A_6 = arith.addi %scan3A_4, %scan3A_5 : i32
    %scan3A_7 = arith.constant 1 : i32
    %scan3A_8 = scf.for %scan3A_28 = %scan3A_4 to %scan3A_6 step %scan3A_7 iter_args(%scan3A_29 = %scan3A) -> (i32)  : i32 {
      %mul3A_30 = arith.constant 16 : i32
      %mul3A_31 = arith.muli %scan3A_28, %mul3A_30 : i32
      %swap3A = arith.index_cast %mul3A_31 : i32 to index
      %swap3A_32 = tpu.vector_load %arg6[%swap3A] {strides = array<i32>} : memref<8192xi32, #tpu.memory_space<vmem>>, vector<16xi32>,
      tpu.vector_store %arg6[%swap3A], %broadcast_in_dim3A_3 {strides = array<i32>} : memref<8192xi32, #tpu.memory_space<vmem>>, vector<16xi32>,
      %scan3A_33 = arith.constant 0 : i32
      scf.yield %scan3A_33 : i32
    }
    %scan3A_9 = arith.constant 512 : i32
    %iota3A = tpu.iota {dimensions = array<i32: 0>} : vector<16xi32>
    %broadcast_in_dim3A_10 = arith.constant 1 : i32
    %broadcast_in_dim3A_11 = vector.broadcast %broadcast_in_dim3A_10 : i32 to vector<16xi32>
    %scan3A_12 = arith.constant 0 : i32
    %scan3A_13 = arith.constant 0 : i32
    %scan3A_14 = arith.constant 20 : i32
    %scan3A_15 = arith.addi %scan3A_13, %scan3A_14 : i32
    %scan3A_16 = arith.constant 1 : i32
    %scan3A_17 = scf.for %scan3A_28 = %scan3A_13 to %scan3A_15 step %scan3A_16 iter_args(%scan3A_29 = %scan3A_12) -> (i32)  : i32 {
      %mul3A_30 = arith.constant 20000 : i32
      %mul3A_31 = arith.muli %scan3A_28, %mul3A_30 : i32
      %add3A_32 = arith.addi %mul3A_2, %mul3A_31 : i32
      %multiple_of3A = tpu.assume_multiple %add3A_32, 8 : i32
      "tpu.region"() ({
        %run_scoped3A = tpu.sem_alloc : memref<!tpu.dma_semaphore, #tpu.memory_space<semaphore_mem>>
        %dma_start3A = tpu.memref_slice %arg2[%multiple_of3A] : memref<12800000xf32, #tpu.memory_space<hbm>> -> memref<20000xf32, #tpu.memory_space<hbm>>
        %dma_start3A_41 = tpu.memref_slice %arg2[%multiple_of3A] : memref<12800000xf32, #tpu.memory_space<hbm>> -> memref<20000xf32, #tpu.memory_space<hbm>>
        tpu.enqueue_dma source(%dma_start3A_41 : memref<20000xf32, #tpu.memory_space<hbm>>) target(%arg5 : memref<20000xf32, #tpu.memory_space<vmem>>) target_semaphore(%run_scoped3A : memref<!tpu.dma_semaphore, #tpu.memory_space<semaphore_mem>>)
        %dma_wait3A = tpu.memref_slice %arg2[%multiple_of3A] : memref<12800000xf32, #tpu.memory_space<hbm>> -> memref<20000xf32, #tpu.memory_space<hbm>>
        %dma_wait3A_42 = tpu.memref_slice %arg2[%multiple_of3A] : memref<12800000xf32, #tpu.memory_space<hbm>> -> memref<20000xf32, #tpu.memory_space<hbm>>
        tpu.wait_dma2 semaphore(%run_scoped3A : memref<!tpu.dma_semaphore, #tpu.memory_space<semaphore_mem>>) src(%dma_wait3A_42 : memref<20000xf32, #tpu.memory_space<hbm>>) dst(%arg5 : memref<20000xf32, #tpu.memory_space<vmem>>)
        tpu.yield
      }) : () -> ()
      %scan3A_33 = arith.constant 0 : i32
      %scan3A_34 = arith.constant 0 : i32
      %scan3A_35 = arith.constant 1250 : i32
      %scan3A_36 = arith.addi %scan3A_34, %scan3A_35 : i32
      %scan3A_37 = arith.constant 1 : i32
      %scan3A_38 = scf.for %scan3A_41 = %scan3A_34 to %scan3A_36 step %scan3A_37 iter_args(%scan3A_42 = %scan3A_33) -> (i32)  : i32 {
        %mul3A_43 = arith.constant 16 : i32
        %mul3A_44 = arith.muli %scan3A_41, %mul3A_43 : i32
        %get3A = arith.index_cast %mul3A_44 : i32 to index
        %get3A_45 = tpu.vector_load %arg5[%get3A] {strides = array<i32>} : memref<20000xf32, #tpu.memory_space<vmem>>, vector<16xf32>,
        %bitcast_convert_type3A = tpu.bitcast %get3A_45 : vector<16xf32> -> vector<16xi32>
        %shift_right_logical3A = arith.constant 21 : i32
        %shift_right_logical3A_46 = vector.broadcast %shift_right_logical3A : i32 to vector<16xi32>
        %shift_right_logical3A_47 = arith.shrui %bitcast_convert_type3A, %shift_right_logical3A_46 : vector<16xi32>
        %eq3A = arith.cmpi eq, %iota3A, %iota3A : vector<16xi32>
        %mul3A_48 = arith.constant 512 : i32
        %mul3A_49 = vector.broadcast %mul3A_48 : i32 to vector<16xi32>
        %mul3A_50 = arith.muli %iota3A, %mul3A_49 : vector<16xi32>
        %add3A_51 = arith.addi %mul3A_50, %shift_right_logical3A_47 : vector<16xi32>
        tpu.vector_store_idx %arg6[%add3A_51], %broadcast_in_dim3A_11 masked %eq3A {add = true} : memref<8192xi32, #tpu.memory_space<vmem>>[vector<16xi32>], vector<16xi32>, vector<16xi1>
        %scan3A_52 = arith.constant 0 : i32
        scf.yield %scan3A_52 : i32
      }
      %scan3A_39 = arith.constant 1250 : i32
      %scan3A_40 = arith.constant 0 : i32
      scf.yield %scan3A_40 : i32
    }
    %scan3A_18 = arith.constant 20 : i32
    %scan3A_19 = arith.constant 0 : i32
    %scan3A_20 = arith.constant 0 : i32
    %scan3A_21 = arith.constant 32 : i32
    %scan3A_22 = arith.addi %scan3A_20, %scan3A_21 : i32
    %scan3A_23 = arith.constant 1 : i32
    %scan3A_24 = scf.for %scan3A_28 = %scan3A_20 to %scan3A_22 step %scan3A_23 iter_args(%scan3A_29 = %scan3A_19) -> (i32)  : i32 {
      %mul3A_30 = arith.constant 16 : i32
      %mul3A_31 = arith.muli %scan3A_28, %mul3A_30 : i32
      %get3A = arith.index_cast %mul3A_31 : i32 to index
      %get3A_32 = tpu.vector_load %arg6[%get3A] {strides = array<i32>} : memref<8192xi32, #tpu.memory_space<vmem>>, vector<16xi32>,
      %mul3A_33 = arith.constant 16 : i32
      %mul3A_34 = arith.muli %scan3A_28, %mul3A_33 : i32
      %add3A_35 = arith.constant 512 : i32
      %add3A_36 = arith.addi %add3A_35, %mul3A_34 : i32
      %get3A_37 = arith.index_cast %add3A_36 : i32 to index
      %get3A_38 = tpu.vector_load %arg6[%get3A_37] {strides = array<i32>} : memref<8192xi32, #tpu.memory_space<vmem>>, vector<16xi32>,
      %add3A_39 = arith.addi %get3A_32, %get3A_38 : vector<16xi32>
      %mul3A_40 = arith.constant 16 : i32
      %mul3A_41 = arith.muli %scan3A_28, %mul3A_40 : i32
      %add3A_42 = arith.constant 1024 : i32
      %add3A_43 = arith.addi %add3A_42, %mul3A_41 : i32
      %get3A_44 = arith.index_cast %add3A_43 : i32 to index
      %get3A_45 = tpu.vector_load %arg6[%get3A_44] {strides = array<i32>} : memref<8192xi32, #tpu.memory_space<vmem>>, vector<16xi32>,
      %add3A_46 = arith.addi %add3A_39, %get3A_45 : vector<16xi32>
      %mul3A_47 = arith.constant 16 : i32
      %mul3A_48 = arith.muli %scan3A_28, %mul3A_47 : i32
      %add3A_49 = arith.constant 1536 : i32
      %add3A_50 = arith.addi %add3A_49, %mul3A_48 : i32
      %get3A_51 = arith.index_cast %add3A_50 : i32 to index
      %get3A_52 = tpu.vector_load %arg6[%get3A_51] {strides = array<i32>} : memref<8192xi32, #tpu.memory_space<vmem>>, vector<16xi32>,
      %add3A_53 = arith.addi %add3A_46, %get3A_52 : vector<16xi32>
      %mul3A_54 = arith.constant 16 : i32
      %mul3A_55 = arith.muli %scan3A_28, %mul3A_54 : i32
      %add3A_56 = arith.constant 2048 : i32
      %add3A_57 = arith.addi %add3A_56, %mul3A_55 : i32
      %get3A_58 = arith.index_cast %add3A_57 : i32 to index
      %get3A_59 = tpu.vector_load %arg6[%get3A_58] {strides = array<i32>} : memref<8192xi32, #tpu.memory_space<vmem>>, vector<16xi32>,
      %add3A_60 = arith.addi %add3A_53, %get3A_59 : vector<16xi32>
      %mul3A_61 = arith.constant 16 : i32
      %mul3A_62 = arith.muli %scan3A_28, %mul3A_61 : i32
      %add3A_63 = arith.constant 2560 : i32
      %add3A_64 = arith.addi %add3A_63, %mul3A_62 : i32
      %get3A_65 = arith.index_cast %add3A_64 : i32 to index
      %get3A_66 = tpu.vector_load %arg6[%get3A_65] {strides = array<i32>} : memref<8192xi32, #tpu.memory_space<vmem>>, vector<16xi32>,
      %add3A_67 = arith.addi %add3A_60, %get3A_66 : vector<16xi32>
      %mul3A_68 = arith.constant 16 : i32
      %mul3A_69 = arith.muli %scan3A_28, %mul3A_68 : i32
      %add3A_70 = arith.constant 3072 : i32
      %add3A_71 = arith.addi %add3A_70, %mul3A_69 : i32
      %get3A_72 = arith.index_cast %add3A_71 : i32 to index
      %get3A_73 = tpu.vector_load %arg6[%get3A_72] {strides = array<i32>} : memref<8192xi32, #tpu.memory_space<vmem>>, vector<16xi32>,
      %add3A_74 = arith.addi %add3A_67, %get3A_73 : vector<16xi32>
      %mul3A_75 = arith.constant 16 : i32
      %mul3A_76 = arith.muli %scan3A_28, %mul3A_75 : i32
      %add3A_77 = arith.constant 3584 : i32
      %add3A_78 = arith.addi %add3A_77, %mul3A_76 : i32
      %get3A_79 = arith.index_cast %add3A_78 : i32 to index
      %get3A_80 = tpu.vector_load %arg6[%get3A_79] {strides = array<i32>} : memref<8192xi32, #tpu.memory_space<vmem>>, vector<16xi32>,
      %add3A_81 = arith.addi %add3A_74, %get3A_80 : vector<16xi32>
      %mul3A_82 = arith.constant 16 : i32
      %mul3A_83 = arith.muli %scan3A_28, %mul3A_82 : i32
      %add3A_84 = arith.constant 4096 : i32
      %add3A_85 = arith.addi %add3A_84, %mul3A_83 : i32
      %get3A_86 = arith.index_cast %add3A_85 : i32 to index
      %get3A_87 = tpu.vector_load %arg6[%get3A_86] {strides = array<i32>} : memref<8192xi32, #tpu.memory_space<vmem>>, vector<16xi32>,
      %add3A_88 = arith.addi %add3A_81, %get3A_87 : vector<16xi32>
      %mul3A_89 = arith.constant 16 : i32
      %mul3A_90 = arith.muli %scan3A_28, %mul3A_89 : i32
      %add3A_91 = arith.constant 4608 : i32
      %add3A_92 = arith.addi %add3A_91, %mul3A_90 : i32
      %get3A_93 = arith.index_cast %add3A_92 : i32 to index
      %get3A_94 = tpu.vector_load %arg6[%get3A_93] {strides = array<i32>} : memref<8192xi32, #tpu.memory_space<vmem>>, vector<16xi32>,
      %add3A_95 = arith.addi %add3A_88, %get3A_94 : vector<16xi32>
      %mul3A_96 = arith.constant 16 : i32
      %mul3A_97 = arith.muli %scan3A_28, %mul3A_96 : i32
      %add3A_98 = arith.constant 5120 : i32
      %add3A_99 = arith.addi %add3A_98, %mul3A_97 : i32
      %get3A_100 = arith.index_cast %add3A_99 : i32 to index
      %get3A_101 = tpu.vector_load %arg6[%get3A_100] {strides = array<i32>} : memref<8192xi32, #tpu.memory_space<vmem>>, vector<16xi32>,
      %add3A_102 = arith.addi %add3A_95, %get3A_101 : vector<16xi32>
      %mul3A_103 = arith.constant 16 : i32
      %mul3A_104 = arith.muli %scan3A_28, %mul3A_103 : i32
      %add3A_105 = arith.constant 5632 : i32
      %add3A_106 = arith.addi %add3A_105, %mul3A_104 : i32
      %get3A_107 = arith.index_cast %add3A_106 : i32 to index
      %get3A_108 = tpu.vector_load %arg6[%get3A_107] {strides = array<i32>} : memref<8192xi32, #tpu.memory_space<vmem>>, vector<16xi32>,
      %add3A_109 = arith.addi %add3A_102, %get3A_108 : vector<16xi32>
      %mul3A_110 = arith.constant 16 : i32
      %mul3A_111 = arith.muli %scan3A_28, %mul3A_110 : i32
      %add3A_112 = arith.constant 6144 : i32
      %add3A_113 = arith.addi %add3A_112, %mul3A_111 : i32
      %get3A_114 = arith.index_cast %add3A_113 : i32 to index
      %get3A_115 = tpu.vector_load %arg6[%get3A_114] {strides = array<i32>} : memref<8192xi32, #tpu.memory_space<vmem>>, vector<16xi32>,
      %add3A_116 = arith.addi %add3A_109, %get3A_115 : vector<16xi32>
      %mul3A_117 = arith.constant 16 : i32
      %mul3A_118 = arith.muli %scan3A_28, %mul3A_117 : i32
      %add3A_119 = arith.constant 6656 : i32
      %add3A_120 = arith.addi %add3A_119, %mul3A_118 : i32
      %get3A_121 = arith.index_cast %add3A_120 : i32 to index
      %get3A_122 = tpu.vector_load %arg6[%get3A_121] {strides = array<i32>} : memref<8192xi32, #tpu.memory_space<vmem>>, vector<16xi32>,
      %add3A_123 = arith.addi %add3A_116, %get3A_122 : vector<16xi32>
      %mul3A_124 = arith.constant 16 : i32
      %mul3A_125 = arith.muli %scan3A_28, %mul3A_124 : i32
      %add3A_126 = arith.constant 7168 : i32
      %add3A_127 = arith.addi %add3A_126, %mul3A_125 : i32
      %get3A_128 = arith.index_cast %add3A_127 : i32 to index
      %get3A_129 = tpu.vector_load %arg6[%get3A_128] {strides = array<i32>} : memref<8192xi32, #tpu.memory_space<vmem>>, vector<16xi32>,
      %add3A_130 = arith.addi %add3A_123, %get3A_129 : vector<16xi32>
      %mul3A_131 = arith.constant 16 : i32
      %mul3A_132 = arith.muli %scan3A_28, %mul3A_131 : i32
      %add3A_133 = arith.constant 7680 : i32
      %add3A_134 = arith.addi %add3A_133, %mul3A_132 : i32
      %get3A_135 = arith.index_cast %add3A_134 : i32 to index
      %get3A_136 = tpu.vector_load %arg6[%get3A_135] {strides = array<i32>} : memref<8192xi32, #tpu.memory_space<vmem>>, vector<16xi32>,
      %add3A_137 = arith.addi %add3A_130, %get3A_136 : vector<16xi32>
      %mul3A_138 = arith.constant 16 : i32
      %mul3A_139 = arith.muli %scan3A_28, %mul3A_138 : i32
      %swap3A = arith.index_cast %mul3A_139 : i32 to index
      %swap3A_140 = tpu.vector_load %arg7[%swap3A] {strides = array<i32>} : memref<512xi32, #tpu.memory_space<vmem>>, vector<16xi32>,
      tpu.vector_store %arg7[%swap3A], %add3A_137 {strides = array<i32>} : memref<512xi32, #tpu.memory_space<vmem>>, vector<16xi32>,
      %scan3A_141 = arith.constant 0 : i32
      scf.yield %scan3A_141 : i32
    }
    %scan3A_25 = arith.constant 32 : i32
    %mul3A_26 = arith.constant 512 : i32
    %mul3A_27 = arith.muli %add3A, %mul3A_26 : i32
    "tpu.region"() ({
      %run_scoped3A = tpu.sem_alloc : memref<!tpu.dma_semaphore, #tpu.memory_space<semaphore_mem>>
      %dma_start3A = tpu.memref_slice %arg4[%mul3A_27] : memref<16384xi32, #tpu.memory_space<hbm>> -> memref<512xi32, #tpu.memory_space<hbm>>
      %dma_start3A_28 = tpu.memref_slice %arg4[%mul3A_27] : memref<16384xi32, #tpu.memory_space<hbm>> -> memref<512xi32, #tpu.memory_space<hbm>>
      tpu.enqueue_dma source(%arg7 : memref<512xi32, #tpu.memory_space<vmem>>) target(%dma_start3A_28 : memref<512xi32, #tpu.memory_space<hbm>>) target_semaphore(%run_scoped3A : memref<!tpu.dma_semaphore, #tpu.memory_space<semaphore_mem>>)
      %dma_wait3A = tpu.memref_slice %arg4[%mul3A_27] : memref<16384xi32, #tpu.memory_space<hbm>> -> memref<512xi32, #tpu.memory_space<hbm>>
      %dma_wait3A_29 = tpu.memref_slice %arg4[%mul3A_27] : memref<16384xi32, #tpu.memory_space<hbm>> -> memref<512xi32, #tpu.memory_space<hbm>>
      tpu.wait_dma2 semaphore(%run_scoped3A : memref<!tpu.dma_semaphore, #tpu.memory_space<semaphore_mem>>) src(%arg7 : memref<512xi32, #tpu.memory_space<vmem>>) dst(%dma_wait3A_29 : memref<512xi32, #tpu.memory_space<hbm>>)
      tpu.yield
    }) : () -> ()
    return
  }
}

#map = affine_map<(d0, d1) -> (0)>
module attributes {stable_mosaic.version = 14 : i64} {
  func.func @_merge_kernel(%arg0: i32, %arg1: i32, %arg2: memref<9728xf32, #tpu.memory_space<hbm>>, %arg3: memref<9728xi32, #tpu.memory_space<hbm>>, %arg4: memref<9728xi32, #tpu.memory_space<hbm>>, %arg5: memref<512xi32, #tpu.memory_space<hbm>>, %arg6: memref<128xf32, #tpu.memory_space<hbm>>, %arg7: memref<640000xf32, #tpu.memory_space<hbm>>, %arg8: memref<2432xf32, #tpu.memory_space<hbm>>, %arg9: memref<2432xi32, #tpu.memory_space<hbm>>, %arg10: memref<9728xf32, #tpu.memory_space<hbm>>, %arg11: memref<80000xf32, #tpu.memory_space<vmem>>, %arg12: memref<320xf32, #tpu.memory_space<vmem>>, %arg13: memref<320xi32, #tpu.memory_space<vmem>>, %arg14: memref<320xf32, #tpu.memory_space<vmem>>, %arg15: memref<320xi32, #tpu.memory_space<vmem>>, %arg16: memref<16xf32, #tpu.memory_space<vmem>>, %arg17: memref<64xi32, #tpu.memory_space<vmem>>, %arg18: memref<304xf32, #tpu.memory_space<vmem>>, %arg19: memref<304xi32, #tpu.memory_space<vmem>>, %arg20: memref<304xi32, #tpu.memory_space<vmem>>, %arg21: memref<1216xf32, #tpu.memory_space<vmem>>) attributes {dimension_semantics = [#tpu.dimension_semantics<core_parallel>, #tpu.dimension_semantics<subcore_parallel>], iteration_bounds = array<i64: 2, 16>, scalar_prefetch = 0 : i64, scratch_operands = 11 : i64, tpu.core_type = #tpu.core_type<sc_vector_subcore>, window_params = [{transform_indices = #map}, {transform_indices = #map}, {transform_indices = #map}, {transform_indices = #map}, {transform_indices = #map}, {transform_indices = #map}, {transform_indices = #map}, {transform_indices = #map}, {transform_indices = #map}]} {
    %mul3A = arith.constant 2 : i32
    %mul3A_0 = arith.muli %arg1, %mul3A : i32
    %add3A = arith.addi %mul3A_0, %arg0 : i32
    %iota3A = tpu.iota {dimensions = array<i32: 0>} : vector<16xi32>
    %lt3A = arith.constant 8 : i32
    %lt3A_1 = arith.cmpi slt, %add3A, %lt3A : i32
    %convert_element_type3A = arith.extui %lt3A_1 : i1 to i32
    %cond3A = arith.constant 0 : i32
    %cond3A_2 = arith.cmpi ne, %convert_element_type3A, %cond3A : i32
    scf.if %cond3A_2 {
      %mul3A_3 = arith.constant 20000 : i32
      %mul3A_4 = arith.muli %add3A, %mul3A_3 : i32
      %mul3A_5 = arith.constant 4 : i32
      %mul3A_6 = arith.muli %mul3A_4, %mul3A_5 : i32
      "tpu.region"() ({
        %run_scoped3A = tpu.sem_alloc : memref<!tpu.dma_semaphore, #tpu.memory_space<semaphore_mem>>
        %dma_start3A = tpu.memref_slice %arg7[%mul3A_6] : memref<640000xf32, #tpu.memory_space<hbm>> -> memref<80000xf32, #tpu.memory_space<hbm>>
        %dma_start3A_234 = tpu.memref_slice %arg7[%mul3A_6] : memref<640000xf32, #tpu.memory_space<hbm>> -> memref<80000xf32, #tpu.memory_space<hbm>>
        tpu.enqueue_dma source(%dma_start3A_234 : memref<80000xf32, #tpu.memory_space<hbm>>) target(%arg11 : memref<80000xf32, #tpu.memory_space<vmem>>) target_semaphore(%run_scoped3A : memref<!tpu.dma_semaphore, #tpu.memory_space<semaphore_mem>>)
        %dma_wait3A = tpu.memref_slice %arg7[%mul3A_6] : memref<640000xf32, #tpu.memory_space<hbm>> -> memref<80000xf32, #tpu.memory_space<hbm>>
        %dma_wait3A_235 = tpu.memref_slice %arg7[%mul3A_6] : memref<640000xf32, #tpu.memory_space<hbm>> -> memref<80000xf32, #tpu.memory_space<hbm>>
        tpu.wait_dma2 semaphore(%run_scoped3A : memref<!tpu.dma_semaphore, #tpu.memory_space<semaphore_mem>>) src(%dma_wait3A_235 : memref<80000xf32, #tpu.memory_space<hbm>>) dst(%arg11 : memref<80000xf32, #tpu.memory_space<vmem>>)
        tpu.yield
      }) : () -> ()
      %mul3A_7 = arith.constant 16 : i32
      %mul3A_8 = arith.muli %add3A, %mul3A_7 : i32
      "tpu.region"() ({
        %run_scoped3A = tpu.sem_alloc : memref<!tpu.dma_semaphore, #tpu.memory_space<semaphore_mem>>
        %dma_start3A = tpu.memref_slice %arg6[%mul3A_8] : memref<128xf32, #tpu.memory_space<hbm>> -> memref<16xf32, #tpu.memory_space<hbm>>
        %dma_start3A_234 = tpu.memref_slice %arg6[%mul3A_8] : memref<128xf32, #tpu.memory_space<hbm>> -> memref<16xf32, #tpu.memory_space<hbm>>
        tpu.enqueue_dma source(%dma_start3A_234 : memref<16xf32, #tpu.memory_space<hbm>>) target(%arg16 : memref<16xf32, #tpu.memory_space<vmem>>) target_semaphore(%run_scoped3A : memref<!tpu.dma_semaphore, #tpu.memory_space<semaphore_mem>>)
        %dma_wait3A = tpu.memref_slice %arg6[%mul3A_8] : memref<128xf32, #tpu.memory_space<hbm>> -> memref<16xf32, #tpu.memory_space<hbm>>
        %dma_wait3A_235 = tpu.memref_slice %arg6[%mul3A_8] : memref<128xf32, #tpu.memory_space<hbm>> -> memref<16xf32, #tpu.memory_space<hbm>>
        tpu.wait_dma2 semaphore(%run_scoped3A : memref<!tpu.dma_semaphore, #tpu.memory_space<semaphore_mem>>) src(%dma_wait3A_235 : memref<16xf32, #tpu.memory_space<hbm>>) dst(%arg16 : memref<16xf32, #tpu.memory_space<vmem>>)
        tpu.yield
      }) : () -> ()
      %mul3A_9 = arith.constant 64 : i32
      %mul3A_10 = arith.muli %add3A, %mul3A_9 : i32
      "tpu.region"() ({
        %run_scoped3A = tpu.sem_alloc : memref<!tpu.dma_semaphore, #tpu.memory_space<semaphore_mem>>
        %dma_start3A = tpu.memref_slice %arg5[%mul3A_10] : memref<512xi32, #tpu.memory_space<hbm>> -> memref<64xi32, #tpu.memory_space<hbm>>
        %dma_start3A_234 = tpu.memref_slice %arg5[%mul3A_10] : memref<512xi32, #tpu.memory_space<hbm>> -> memref<64xi32, #tpu.memory_space<hbm>>
        tpu.enqueue_dma source(%dma_start3A_234 : memref<64xi32, #tpu.memory_space<hbm>>) target(%arg17 : memref<64xi32, #tpu.memory_space<vmem>>) target_semaphore(%run_scoped3A : memref<!tpu.dma_semaphore, #tpu.memory_space<semaphore_mem>>)
        %dma_wait3A = tpu.memref_slice %arg5[%mul3A_10] : memref<512xi32, #tpu.memory_space<hbm>> -> memref<64xi32, #tpu.memory_space<hbm>>
        %dma_wait3A_235 = tpu.memref_slice %arg5[%mul3A_10] : memref<512xi32, #tpu.memory_space<hbm>> -> memref<64xi32, #tpu.memory_space<hbm>>
        tpu.wait_dma2 semaphore(%run_scoped3A : memref<!tpu.dma_semaphore, #tpu.memory_space<semaphore_mem>>) src(%dma_wait3A_235 : memref<64xi32, #tpu.memory_space<hbm>>) dst(%arg17 : memref<64xi32, #tpu.memory_space<vmem>>)
        tpu.yield
      }) : () -> ()
      %get3A = arith.constant 0 : index
      %get3A_11 = tpu.vector_load %arg16[%get3A] {strides = array<i32>} : memref<16xf32, #tpu.memory_space<vmem>>, vector<16xf32>,
      %broadcast_in_dim3A = arith.constant -1.000000e+00 : f32
      %broadcast_in_dim3A_12 = vector.broadcast %broadcast_in_dim3A : f32 to vector<16xf32>
      %broadcast_in_dim3A_13 = arith.constant 0 : i32
      %broadcast_in_dim3A_14 = vector.broadcast %broadcast_in_dim3A_13 : i32 to vector<16xi32>
      %scan3A = arith.constant 0 : i32
      %scan3A_15 = arith.constant 0 : i32
      %scan3A_16 = arith.constant 20 : i32
      %scan3A_17 = arith.addi %scan3A_15, %scan3A_16 : i32
      %scan3A_18 = arith.constant 1 : i32
      %scan3A_19 = scf.for %scan3A_234 = %scan3A_15 to %scan3A_17 step %scan3A_18 iter_args(%scan3A_235 = %scan3A) -> (i32)  : i32 {
        %mul3A_236 = arith.constant 16 : i32
        %mul3A_237 = arith.muli %scan3A_234, %mul3A_236 : i32
        %swap3A = arith.index_cast %mul3A_237 : i32 to index
        %swap3A_238 = tpu.vector_load %arg12[%swap3A] {strides = array<i32>} : memref<320xf32, #tpu.memory_space<vmem>>, vector<16xf32>,
        tpu.vector_store %arg12[%swap3A], %broadcast_in_dim3A_12 {strides = array<i32>} : memref<320xf32, #tpu.memory_space<vmem>>, vector<16xf32>,
        %mul3A_239 = arith.constant 16 : i32
        %mul3A_240 = arith.muli %scan3A_234, %mul3A_239 : i32
        %swap3A_241 = arith.index_cast %mul3A_240 : i32 to index
        %swap3A_242 = tpu.vector_load %arg13[%swap3A_241] {strides = array<i32>} : memref<320xi32, #tpu.memory_space<vmem>>, vector<16xi32>,
        tpu.vector_store %arg13[%swap3A_241], %broadcast_in_dim3A_14 {strides = array<i32>} : memref<320xi32, #tpu.memory_space<vmem>>, vector<16xi32>,
        %scan3A_243 = arith.constant 0 : i32
        scf.yield %scan3A_243 : i32
      }
      %scan3A_20 = arith.constant 20 : i32
      %scan3A_21 = arith.constant 0 : i32
      %scan3A_22 = arith.constant 0 : i32
      %scan3A_23 = arith.constant 19 : i32
      %scan3A_24 = arith.addi %scan3A_22, %scan3A_23 : i32
      %scan3A_25 = arith.constant 1 : i32
      %scan3A_26 = scf.for %scan3A_234 = %scan3A_22 to %scan3A_24 step %scan3A_25 iter_args(%scan3A_235 = %scan3A_21) -> (i32)  : i32 {
        %mul3A_236 = arith.constant 16 : i32
        %mul3A_237 = arith.muli %scan3A_234, %mul3A_236 : i32
        %swap3A = arith.index_cast %mul3A_237 : i32 to index
        %swap3A_238 = tpu.vector_load %arg20[%swap3A] {strides = array<i32>} : memref<304xi32, #tpu.memory_space<vmem>>, vector<16xi32>,
        tpu.vector_store %arg20[%swap3A], %broadcast_in_dim3A_14 {strides = array<i32>} : memref<304xi32, #tpu.memory_space<vmem>>, vector<16xi32>,
        %broadcast_in_dim3A_239 = arith.constant 0.000000e+00 : f32
        %broadcast_in_dim3A_240 = vector.broadcast %broadcast_in_dim3A_239 : f32 to vector<16xf32>
        %mul3A_241 = arith.constant 16 : i32
        %mul3A_242 = arith.muli %scan3A_234, %mul3A_241 : i32
        %swap3A_243 = arith.index_cast %mul3A_242 : i32 to index
        %swap3A_244 = tpu.vector_load %arg18[%swap3A_243] {strides = array<i32>} : memref<304xf32, #tpu.memory_space<vmem>>, vector<16xf32>,
        tpu.vector_store %arg18[%swap3A_243], %broadcast_in_dim3A_240 {strides = array<i32>} : memref<304xf32, #tpu.memory_space<vmem>>, vector<16xf32>,
        %mul3A_245 = arith.constant 16 : i32
        %mul3A_246 = arith.muli %scan3A_234, %mul3A_245 : i32
        %swap3A_247 = arith.index_cast %mul3A_246 : i32 to index
        %swap3A_248 = tpu.vector_load %arg19[%swap3A_247] {strides = array<i32>} : memref<304xi32, #tpu.memory_space<vmem>>, vector<16xi32>,
        tpu.vector_store %arg19[%swap3A_247], %broadcast_in_dim3A_14 {strides = array<i32>} : memref<304xi32, #tpu.memory_space<vmem>>, vector<16xi32>,
        %scan3A_249 = arith.constant 0 : i32
        scf.yield %scan3A_249 : i32
      }
      %scan3A_27 = arith.constant 19 : i32
      %get3A_28 = arith.constant 0 : index
      %get3A_29 = tpu.vector_load %arg17[%get3A_28] {strides = array<i32>} : memref<64xi32, #tpu.memory_space<vmem>>, vector<16xi32>,
      %slice3A = vector.extract_strided_slice %get3A_29 {offsets = [0], sizes = [1], strides = [1]} : vector<16xi32> to vector<1xi32>
      %squeeze3A = vector.extract %slice3A[0] : i32 from vector<1xi32>
      %mul3A_30 = arith.constant 4 : i32
      %mul3A_31 = arith.muli %mul3A_30, %add3A : i32
      %add3A_32 = arith.constant 0 : i32
      %add3A_33 = arith.addi %mul3A_31, %add3A_32 : i32
      %mul3A_34 = arith.constant 304 : i32
      %mul3A_35 = arith.muli %add3A_33, %mul3A_34 : i32
      "tpu.region"() ({
        %run_scoped3A = tpu.sem_alloc : memref<!tpu.dma_semaphore, #tpu.memory_space<semaphore_mem>>
        %dma_start3A = arith.constant 0 : i32
        %dma_start3A_234 = tpu.memref_slice %arg14[%dma_start3A] : memref<320xf32, #tpu.memory_space<vmem>> -> memref<304xf32, #tpu.memory_space<vmem>>
        %dma_start3A_235 = tpu.memref_slice %arg2[%mul3A_35] : memref<9728xf32, #tpu.memory_space<hbm>> -> memref<304xf32, #tpu.memory_space<hbm>>
        %dma_start3A_236 = arith.constant 0 : i32
        %dma_start3A_237 = tpu.memref_slice %arg14[%dma_start3A_236] : memref<320xf32, #tpu.memory_space<vmem>> -> memref<304xf32, #tpu.memory_space<vmem>>
        %dma_start3A_238 = tpu.memref_slice %arg2[%mul3A_35] : memref<9728xf32, #tpu.memory_space<hbm>> -> memref<304xf32, #tpu.memory_space<hbm>>
        tpu.enqueue_dma source(%dma_start3A_238 : memref<304xf32, #tpu.memory_space<hbm>>) target(%dma_start3A_237 : memref<304xf32, #tpu.memory_space<vmem>>) target_semaphore(%run_scoped3A : memref<!tpu.dma_semaphore, #tpu.memory_space<semaphore_mem>>)
        %dma_wait3A = arith.constant 0 : i32
        %dma_wait3A_239 = tpu.memref_slice %arg14[%dma_wait3A] : memref<320xf32, #tpu.memory_space<vmem>> -> memref<304xf32, #tpu.memory_space<vmem>>
        %dma_wait3A_240 = tpu.memref_slice %arg2[%mul3A_35] : memref<9728xf32, #tpu.memory_space<hbm>> -> memref<304xf32, #tpu.memory_space<hbm>>
        %dma_wait3A_241 = arith.constant 0 : i32
        %dma_wait3A_242 = tpu.memref_slice %arg14[%dma_wait3A_241] : memref<320xf32, #tpu.memory_space<vmem>> -> memref<304xf32, #tpu.memory_space<vmem>>
        %dma_wait3A_243 = tpu.memref_slice %arg2[%mul3A_35] : memref<9728xf32, #tpu.memory_space<hbm>> -> memref<304xf32, #tpu.memory_space<hbm>>
        tpu.wait_dma2 semaphore(%run_scoped3A : memref<!tpu.dma_semaphore, #tpu.memory_space<semaphore_mem>>) src(%dma_wait3A_243 : memref<304xf32, #tpu.memory_space<hbm>>) dst(%dma_wait3A_242 : memref<304xf32, #tpu.memory_space<vmem>>)
        tpu.yield
      }) : () -> ()
      %scan3A_36 = arith.constant 0 : i32
      %scan3A_37 = arith.constant 0 : i32
      %scan3A_38 = arith.constant 19 : i32
      %scan3A_39 = arith.addi %scan3A_37, %scan3A_38 : i32
      %scan3A_40 = arith.constant 1 : i32
      %scan3A_41 = scf.for %scan3A_234 = %scan3A_37 to %scan3A_39 step %scan3A_40 iter_args(%scan3A_235 = %scan3A_36) -> (i32)  : i32 {
        %mul3A_236 = arith.constant 16 : i32
        %mul3A_237 = arith.muli %scan3A_234, %mul3A_236 : i32
        %sub3A_238 = arith.subi %squeeze3A, %mul3A_237 : i32
        %lt3A_239 = vector.broadcast %sub3A_238 : i32 to vector<16xi32>
        %lt3A_240 = arith.cmpi slt, %iota3A, %lt3A_239 : vector<16xi32>
        %mul3A_241 = arith.constant 16 : i32
        %mul3A_242 = arith.muli %scan3A_234, %mul3A_241 : i32
        %get3A_243 = arith.index_cast %mul3A_242 : i32 to index
        %get3A_244 = tpu.vector_load %arg14[%get3A_243] {strides = array<i32>} : memref<320xf32, #tpu.memory_space<vmem>>, vector<16xf32>,
        %add3A_245 = vector.broadcast %scan3A_235 : i32 to vector<16xi32>
        %add3A_246 = arith.addi %add3A_245, %iota3A : vector<16xi32>
        tpu.vector_store_idx %arg12[%add3A_246], %get3A_244 masked %lt3A_240 : memref<320xf32, #tpu.memory_space<vmem>>[vector<16xi32>], vector<16xf32>, vector<16xi1>
        %mul3A_247 = arith.constant 16 : i32
        %mul3A_248 = arith.muli %scan3A_234, %mul3A_247 : i32
        %sub3A_249 = arith.subi %squeeze3A, %mul3A_248 : i32
        %max3A = arith.constant 0 : i32
        %max3A_250 = arith.maxsi %sub3A_249, %max3A : i32
        %min3A_251 = arith.constant 16 : i32
        %min3A_252 = arith.minsi %max3A_250, %min3A_251 : i32
        %add3A_253 = arith.addi %scan3A_235, %min3A_252 : i32
        scf.yield %add3A_253 : i32
      }
      %scan3A_42 = arith.constant 19 : i32
      %mul3A_43 = arith.constant 4 : i32
      %mul3A_44 = arith.muli %mul3A_43, %add3A : i32
      %add3A_45 = arith.constant 0 : i32
      %add3A_46 = arith.addi %mul3A_44, %add3A_45 : i32
      %mul3A_47 = arith.constant 304 : i32
      %mul3A_48 = arith.muli %add3A_46, %mul3A_47 : i32
      "tpu.region"() ({
        %run_scoped3A = tpu.sem_alloc : memref<!tpu.dma_semaphore, #tpu.memory_space<semaphore_mem>>
        %dma_start3A = arith.constant 0 : i32
        %dma_start3A_234 = tpu.memref_slice %arg15[%dma_start3A] : memref<320xi32, #tpu.memory_space<vmem>> -> memref<304xi32, #tpu.memory_space<vmem>>
        %dma_start3A_235 = tpu.memref_slice %arg3[%mul3A_48] : memref<9728xi32, #tpu.memory_space<hbm>> -> memref<304xi32, #tpu.memory_space<hbm>>
        %dma_start3A_236 = arith.constant 0 : i32
        %dma_start3A_237 = tpu.memref_slice %arg15[%dma_start3A_236] : memref<320xi32, #tpu.memory_space<vmem>> -> memref<304xi32, #tpu.memory_space<vmem>>
        %dma_start3A_238 = tpu.memref_slice %arg3[%mul3A_48] : memref<9728xi32, #tpu.memory_space<hbm>> -> memref<304xi32, #tpu.memory_space<hbm>>
        tpu.enqueue_dma source(%dma_start3A_238 : memref<304xi32, #tpu.memory_space<hbm>>) target(%dma_start3A_237 : memref<304xi32, #tpu.memory_space<vmem>>) target_semaphore(%run_scoped3A : memref<!tpu.dma_semaphore, #tpu.memory_space<semaphore_mem>>)
        %dma_wait3A = arith.constant 0 : i32
        %dma_wait3A_239 = tpu.memref_slice %arg15[%dma_wait3A] : memref<320xi32, #tpu.memory_space<vmem>> -> memref<304xi32, #tpu.memory_space<vmem>>
        %dma_wait3A_240 = tpu.memref_slice %arg3[%mul3A_48] : memref<9728xi32, #tpu.memory_space<hbm>> -> memref<304xi32, #tpu.memory_space<hbm>>
        %dma_wait3A_241 = arith.constant 0 : i32
        %dma_wait3A_242 = tpu.memref_slice %arg15[%dma_wait3A_241] : memref<320xi32, #tpu.memory_space<vmem>> -> memref<304xi32, #tpu.memory_space<vmem>>
        %dma_wait3A_243 = tpu.memref_slice %arg3[%mul3A_48] : memref<9728xi32, #tpu.memory_space<hbm>> -> memref<304xi32, #tpu.memory_space<hbm>>
        tpu.wait_dma2 semaphore(%run_scoped3A : memref<!tpu.dma_semaphore, #tpu.memory_space<semaphore_mem>>) src(%dma_wait3A_243 : memref<304xi32, #tpu.memory_space<hbm>>) dst(%dma_wait3A_242 : memref<304xi32, #tpu.memory_space<vmem>>)
        tpu.yield
      }) : () -> ()
      %scan3A_49 = arith.constant 0 : i32
      %scan3A_50 = arith.constant 0 : i32
      %scan3A_51 = arith.constant 19 : i32
      %scan3A_52 = arith.addi %scan3A_50, %scan3A_51 : i32
      %scan3A_53 = arith.constant 1 : i32
      %scan3A_54 = scf.for %scan3A_234 = %scan3A_50 to %scan3A_52 step %scan3A_53 iter_args(%scan3A_235 = %scan3A_49) -> (i32)  : i32 {
        %mul3A_236 = arith.constant 16 : i32
        %mul3A_237 = arith.muli %scan3A_234, %mul3A_236 : i32
        %sub3A_238 = arith.subi %squeeze3A, %mul3A_237 : i32
        %lt3A_239 = vector.broadcast %sub3A_238 : i32 to vector<16xi32>
        %lt3A_240 = arith.cmpi slt, %iota3A, %lt3A_239 : vector<16xi32>
        %mul3A_241 = arith.constant 16 : i32
        %mul3A_242 = arith.muli %scan3A_234, %mul3A_241 : i32
        %get3A_243 = arith.index_cast %mul3A_242 : i32 to index
        %get3A_244 = tpu.vector_load %arg15[%get3A_243] {strides = array<i32>} : memref<320xi32, #tpu.memory_space<vmem>>, vector<16xi32>,
        %add3A_245 = vector.broadcast %scan3A_235 : i32 to vector<16xi32>
        %add3A_246 = arith.addi %add3A_245, %iota3A : vector<16xi32>
        tpu.vector_store_idx %arg13[%add3A_246], %get3A_244 masked %lt3A_240 : memref<320xi32, #tpu.memory_space<vmem>>[vector<16xi32>], vector<16xi32>, vector<16xi1>
        %mul3A_247 = arith.constant 16 : i32
        %mul3A_248 = arith.muli %scan3A_234, %mul3A_247 : i32
        %sub3A_249 = arith.subi %squeeze3A, %mul3A_248 : i32
        %max3A = arith.constant 0 : i32
        %max3A_250 = arith.maxsi %sub3A_249, %max3A : i32
        %min3A_251 = arith.constant 16 : i32
        %min3A_252 = arith.minsi %max3A_250, %min3A_251 : i32
        %add3A_253 = arith.addi %scan3A_235, %min3A_252 : i32
        scf.yield %add3A_253 : i32
      }
      %scan3A_55 = arith.constant 19 : i32
      %get3A_56 = arith.constant 16 : index
      %get3A_57 = tpu.vector_load %arg17[%get3A_56] {strides = array<i32>} : memref<64xi32, #tpu.memory_space<vmem>>, vector<16xi32>,
      %slice3A_58 = vector.extract_strided_slice %get3A_57 {offsets = [0], sizes = [1], strides = [1]} : vector<16xi32> to vector<1xi32>
      %squeeze3A_59 = vector.extract %slice3A_58[0] : i32 from vector<1xi32>
      %mul3A_60 = arith.constant 4 : i32
      %mul3A_61 = arith.muli %mul3A_60, %add3A : i32
      %add3A_62 = arith.constant 1 : i32
      %add3A_63 = arith.addi %mul3A_61, %add3A_62 : i32
      %mul3A_64 = arith.constant 304 : i32
      %mul3A_65 = arith.muli %add3A_63, %mul3A_64 : i32
      "tpu.region"() ({
        %run_scoped3A = tpu.sem_alloc : memref<!tpu.dma_semaphore, #tpu.memory_space<semaphore_mem>>
        %dma_start3A = arith.constant 0 : i32
        %dma_start3A_234 = tpu.memref_slice %arg14[%dma_start3A] : memref<320xf32, #tpu.memory_space<vmem>> -> memref<304xf32, #tpu.memory_space<vmem>>
        %dma_start3A_235 = tpu.memref_slice %arg2[%mul3A_65] : memref<9728xf32, #tpu.memory_space<hbm>> -> memref<304xf32, #tpu.memory_space<hbm>>
        %dma_start3A_236 = arith.constant 0 : i32
        %dma_start3A_237 = tpu.memref_slice %arg14[%dma_start3A_236] : memref<320xf32, #tpu.memory_space<vmem>> -> memref<304xf32, #tpu.memory_space<vmem>>
        %dma_start3A_238 = tpu.memref_slice %arg2[%mul3A_65] : memref<9728xf32, #tpu.memory_space<hbm>> -> memref<304xf32, #tpu.memory_space<hbm>>
        tpu.enqueue_dma source(%dma_start3A_238 : memref<304xf32, #tpu.memory_space<hbm>>) target(%dma_start3A_237 : memref<304xf32, #tpu.memory_space<vmem>>) target_semaphore(%run_scoped3A : memref<!tpu.dma_semaphore, #tpu.memory_space<semaphore_mem>>)
        %dma_wait3A = arith.constant 0 : i32
        %dma_wait3A_239 = tpu.memref_slice %arg14[%dma_wait3A] : memref<320xf32, #tpu.memory_space<vmem>> -> memref<304xf32, #tpu.memory_space<vmem>>
        %dma_wait3A_240 = tpu.memref_slice %arg2[%mul3A_65] : memref<9728xf32, #tpu.memory_space<hbm>> -> memref<304xf32, #tpu.memory_space<hbm>>
        %dma_wait3A_241 = arith.constant 0 : i32
        %dma_wait3A_242 = tpu.memref_slice %arg14[%dma_wait3A_241] : memref<320xf32, #tpu.memory_space<vmem>> -> memref<304xf32, #tpu.memory_space<vmem>>
        %dma_wait3A_243 = tpu.memref_slice %arg2[%mul3A_65] : memref<9728xf32, #tpu.memory_space<hbm>> -> memref<304xf32, #tpu.memory_space<hbm>>
        tpu.wait_dma2 semaphore(%run_scoped3A : memref<!tpu.dma_semaphore, #tpu.memory_space<semaphore_mem>>) src(%dma_wait3A_243 : memref<304xf32, #tpu.memory_space<hbm>>) dst(%dma_wait3A_242 : memref<304xf32, #tpu.memory_space<vmem>>)
        tpu.yield
      }) : () -> ()
      %scan3A_66 = arith.constant 0 : i32
      %scan3A_67 = arith.constant 19 : i32
      %scan3A_68 = arith.addi %scan3A_66, %scan3A_67 : i32
      %scan3A_69 = arith.constant 1 : i32
      %scan3A_70 = scf.for %scan3A_234 = %scan3A_66 to %scan3A_68 step %scan3A_69 iter_args(%scan3A_235 = %scan3A_41) -> (i32)  : i32 {
        %mul3A_236 = arith.constant 16 : i32
        %mul3A_237 = arith.muli %scan3A_234, %mul3A_236 : i32
        %sub3A_238 = arith.subi %squeeze3A_59, %mul3A_237 : i32
        %lt3A_239 = vector.broadcast %sub3A_238 : i32 to vector<16xi32>
        %lt3A_240 = arith.cmpi slt, %iota3A, %lt3A_239 : vector<16xi32>
        %mul3A_241 = arith.constant 16 : i32
        %mul3A_242 = arith.muli %scan3A_234, %mul3A_241 : i32
        %get3A_243 = arith.index_cast %mul3A_242 : i32 to index
        %get3A_244 = tpu.vector_load %arg14[%get3A_243] {strides = array<i32>} : memref<320xf32, #tpu.memory_space<vmem>>, vector<16xf32>,
        %add3A_245 = vector.broadcast %scan3A_235 : i32 to vector<16xi32>
        %add3A_246 = arith.addi %add3A_245, %iota3A : vector<16xi32>
        tpu.vector_store_idx %arg12[%add3A_246], %get3A_244 masked %lt3A_240 : memref<320xf32, #tpu.memory_space<vmem>>[vector<16xi32>], vector<16xf32>, vector<16xi1>
        %mul3A_247 = arith.constant 16 : i32
        %mul3A_248 = arith.muli %scan3A_234, %mul3A_247 : i32
        %sub3A_249 = arith.subi %squeeze3A_59, %mul3A_248 : i32
        %max3A = arith.constant 0 : i32
        %max3A_250 = arith.maxsi %sub3A_249, %max3A : i32
        %min3A_251 = arith.constant 16 : i32
        %min3A_252 = arith.minsi %max3A_250, %min3A_251 : i32
        %add3A_253 = arith.addi %scan3A_235, %min3A_252 : i32
        scf.yield %add3A_253 : i32
      }
      %scan3A_71 = arith.constant 19 : i32
      %mul3A_72 = arith.constant 4 : i32
      %mul3A_73 = arith.muli %mul3A_72, %add3A : i32
      %add3A_74 = arith.constant 1 : i32
      %add3A_75 = arith.addi %mul3A_73, %add3A_74 : i32
      %mul3A_76 = arith.constant 304 : i32
      %mul3A_77 = arith.muli %add3A_75, %mul3A_76 : i32
      "tpu.region"() ({
        %run_scoped3A = tpu.sem_alloc : memref<!tpu.dma_semaphore, #tpu.memory_space<semaphore_mem>>
        %dma_start3A = arith.constant 0 : i32
        %dma_start3A_234 = tpu.memref_slice %arg15[%dma_start3A] : memref<320xi32, #tpu.memory_space<vmem>> -> memref<304xi32, #tpu.memory_space<vmem>>
        %dma_start3A_235 = tpu.memref_slice %arg3[%mul3A_77] : memref<9728xi32, #tpu.memory_space<hbm>> -> memref<304xi32, #tpu.memory_space<hbm>>
        %dma_start3A_236 = arith.constant 0 : i32
        %dma_start3A_237 = tpu.memref_slice %arg15[%dma_start3A_236] : memref<320xi32, #tpu.memory_space<vmem>> -> memref<304xi32, #tpu.memory_space<vmem>>
        %dma_start3A_238 = tpu.memref_slice %arg3[%mul3A_77] : memref<9728xi32, #tpu.memory_space<hbm>> -> memref<304xi32, #tpu.memory_space<hbm>>
        tpu.enqueue_dma source(%dma_start3A_238 : memref<304xi32, #tpu.memory_space<hbm>>) target(%dma_start3A_237 : memref<304xi32, #tpu.memory_space<vmem>>) target_semaphore(%run_scoped3A : memref<!tpu.dma_semaphore, #tpu.memory_space<semaphore_mem>>)
        %dma_wait3A = arith.constant 0 : i32
        %dma_wait3A_239 = tpu.memref_slice %arg15[%dma_wait3A] : memref<320xi32, #tpu.memory_space<vmem>> -> memref<304xi32, #tpu.memory_space<vmem>>
        %dma_wait3A_240 = tpu.memref_slice %arg3[%mul3A_77] : memref<9728xi32, #tpu.memory_space<hbm>> -> memref<304xi32, #tpu.memory_space<hbm>>
        %dma_wait3A_241 = arith.constant 0 : i32
        %dma_wait3A_242 = tpu.memref_slice %arg15[%dma_wait3A_241] : memref<320xi32, #tpu.memory_space<vmem>> -> memref<304xi32, #tpu.memory_space<vmem>>
        %dma_wait3A_243 = tpu.memref_slice %arg3[%mul3A_77] : memref<9728xi32, #tpu.memory_space<hbm>> -> memref<304xi32, #tpu.memory_space<hbm>>
        tpu.wait_dma2 semaphore(%run_scoped3A : memref<!tpu.dma_semaphore, #tpu.memory_space<semaphore_mem>>) src(%dma_wait3A_243 : memref<304xi32, #tpu.memory_space<hbm>>) dst(%dma_wait3A_242 : memref<304xi32, #tpu.memory_space<vmem>>)
        tpu.yield
      }) : () -> ()
      %scan3A_78 = arith.constant 0 : i32
      %scan3A_79 = arith.constant 19 : i32
      %scan3A_80 = arith.addi %scan3A_78, %scan3A_79 : i32
      %scan3A_81 = arith.constant 1 : i32
      %scan3A_82 = scf.for %scan3A_234 = %scan3A_78 to %scan3A_80 step %scan3A_81 iter_args(%scan3A_235 = %scan3A_41) -> (i32)  : i32 {
        %mul3A_236 = arith.constant 16 : i32
        %mul3A_237 = arith.muli %scan3A_234, %mul3A_236 : i32
        %sub3A_238 = arith.subi %squeeze3A_59, %mul3A_237 : i32
        %lt3A_239 = vector.broadcast %sub3A_238 : i32 to vector<16xi32>
        %lt3A_240 = arith.cmpi slt, %iota3A, %lt3A_239 : vector<16xi32>
        %mul3A_241 = arith.constant 16 : i32
        %mul3A_242 = arith.muli %scan3A_234, %mul3A_241 : i32
        %get3A_243 = arith.index_cast %mul3A_242 : i32 to index
        %get3A_244 = tpu.vector_load %arg15[%get3A_243] {strides = array<i32>} : memref<320xi32, #tpu.memory_space<vmem>>, vector<16xi32>,
        %add3A_245 = vector.broadcast %scan3A_235 : i32 to vector<16xi32>
        %add3A_246 = arith.addi %add3A_245, %iota3A : vector<16xi32>
        tpu.vector_store_idx %arg13[%add3A_246], %get3A_244 masked %lt3A_240 : memref<320xi32, #tpu.memory_space<vmem>>[vector<16xi32>], vector<16xi32>, vector<16xi1>
        %mul3A_247 = arith.constant 16 : i32
        %mul3A_248 = arith.muli %scan3A_234, %mul3A_247 : i32
        %sub3A_249 = arith.subi %squeeze3A_59, %mul3A_248 : i32
        %max3A = arith.constant 0 : i32
        %max3A_250 = arith.maxsi %sub3A_249, %max3A : i32
        %min3A_251 = arith.constant 16 : i32
        %min3A_252 = arith.minsi %max3A_250, %min3A_251 : i32
        %add3A_253 = arith.addi %scan3A_235, %min3A_252 : i32
        scf.yield %add3A_253 : i32
      }
      %scan3A_83 = arith.constant 19 : i32
      %get3A_84 = arith.constant 32 : index
      %get3A_85 = tpu.vector_load %arg17[%get3A_84] {strides = array<i32>} : memref<64xi32, #tpu.memory_space<vmem>>, vector<16xi32>,
      %slice3A_86 = vector.extract_strided_slice %get3A_85 {offsets = [0], sizes = [1], strides = [1]} : vector<16xi32> to vector<1xi32>
      %squeeze3A_87 = vector.extract %slice3A_86[0] : i32 from vector<1xi32>
      %mul3A_88 = arith.constant 4 : i32
      %mul3A_89 = arith.muli %mul3A_88, %add3A : i32
      %add3A_90 = arith.constant 2 : i32
      %add3A_91 = arith.addi %mul3A_89, %add3A_90 : i32
      %mul3A_92 = arith.constant 304 : i32
      %mul3A_93 = arith.muli %add3A_91, %mul3A_92 : i32
      "tpu.region"() ({
        %run_scoped3A = tpu.sem_alloc : memref<!tpu.dma_semaphore, #tpu.memory_space<semaphore_mem>>
        %dma_start3A = arith.constant 0 : i32
        %dma_start3A_234 = tpu.memref_slice %arg14[%dma_start3A] : memref<320xf32, #tpu.memory_space<vmem>> -> memref<304xf32, #tpu.memory_space<vmem>>
        %dma_start3A_235 = tpu.memref_slice %arg2[%mul3A_93] : memref<9728xf32, #tpu.memory_space<hbm>> -> memref<304xf32, #tpu.memory_space<hbm>>
        %dma_start3A_236 = arith.constant 0 : i32
        %dma_start3A_237 = tpu.memref_slice %arg14[%dma_start3A_236] : memref<320xf32, #tpu.memory_space<vmem>> -> memref<304xf32, #tpu.memory_space<vmem>>
        %dma_start3A_238 = tpu.memref_slice %arg2[%mul3A_93] : memref<9728xf32, #tpu.memory_space<hbm>> -> memref<304xf32, #tpu.memory_space<hbm>>
        tpu.enqueue_dma source(%dma_start3A_238 : memref<304xf32, #tpu.memory_space<hbm>>) target(%dma_start3A_237 : memref<304xf32, #tpu.memory_space<vmem>>) target_semaphore(%run_scoped3A : memref<!tpu.dma_semaphore, #tpu.memory_space<semaphore_mem>>)
        %dma_wait3A = arith.constant 0 : i32
        %dma_wait3A_239 = tpu.memref_slice %arg14[%dma_wait3A] : memref<320xf32, #tpu.memory_space<vmem>> -> memref<304xf32, #tpu.memory_space<vmem>>
        %dma_wait3A_240 = tpu.memref_slice %arg2[%mul3A_93] : memref<9728xf32, #tpu.memory_space<hbm>> -> memref<304xf32, #tpu.memory_space<hbm>>
        %dma_wait3A_241 = arith.constant 0 : i32
        %dma_wait3A_242 = tpu.memref_slice %arg14[%dma_wait3A_241] : memref<320xf32, #tpu.memory_space<vmem>> -> memref<304xf32, #tpu.memory_space<vmem>>
        %dma_wait3A_243 = tpu.memref_slice %arg2[%mul3A_93] : memref<9728xf32, #tpu.memory_space<hbm>> -> memref<304xf32, #tpu.memory_space<hbm>>
        tpu.wait_dma2 semaphore(%run_scoped3A : memref<!tpu.dma_semaphore, #tpu.memory_space<semaphore_mem>>) src(%dma_wait3A_243 : memref<304xf32, #tpu.memory_space<hbm>>) dst(%dma_wait3A_242 : memref<304xf32, #tpu.memory_space<vmem>>)
        tpu.yield
      }) : () -> ()
      %scan3A_94 = arith.constant 0 : i32
      %scan3A_95 = arith.constant 19 : i32
      %scan3A_96 = arith.addi %scan3A_94, %scan3A_95 : i32
      %scan3A_97 = arith.constant 1 : i32
      %scan3A_98 = scf.for %scan3A_234 = %scan3A_94 to %scan3A_96 step %scan3A_97 iter_args(%scan3A_235 = %scan3A_70) -> (i32)  : i32 {
        %mul3A_236 = arith.constant 16 : i32
        %mul3A_237 = arith.muli %scan3A_234, %mul3A_236 : i32
        %sub3A_238 = arith.subi %squeeze3A_87, %mul3A_237 : i32
        %lt3A_239 = vector.broadcast %sub3A_238 : i32 to vector<16xi32>
        %lt3A_240 = arith.cmpi slt, %iota3A, %lt3A_239 : vector<16xi32>
        %mul3A_241 = arith.constant 16 : i32
        %mul3A_242 = arith.muli %scan3A_234, %mul3A_241 : i32
        %get3A_243 = arith.index_cast %mul3A_242 : i32 to index
        %get3A_244 = tpu.vector_load %arg14[%get3A_243] {strides = array<i32>} : memref<320xf32, #tpu.memory_space<vmem>>, vector<16xf32>,
        %add3A_245 = vector.broadcast %scan3A_235 : i32 to vector<16xi32>
        %add3A_246 = arith.addi %add3A_245, %iota3A : vector<16xi32>
        tpu.vector_store_idx %arg12[%add3A_246], %get3A_244 masked %lt3A_240 : memref<320xf32, #tpu.memory_space<vmem>>[vector<16xi32>], vector<16xf32>, vector<16xi1>
        %mul3A_247 = arith.constant 16 : i32
        %mul3A_248 = arith.muli %scan3A_234, %mul3A_247 : i32
        %sub3A_249 = arith.subi %squeeze3A_87, %mul3A_248 : i32
        %max3A = arith.constant 0 : i32
        %max3A_250 = arith.maxsi %sub3A_249, %max3A : i32
        %min3A_251 = arith.constant 16 : i32
        %min3A_252 = arith.minsi %max3A_250, %min3A_251 : i32
        %add3A_253 = arith.addi %scan3A_235, %min3A_252 : i32
        scf.yield %add3A_253 : i32
      }
      %scan3A_99 = arith.constant 19 : i32
      %mul3A_100 = arith.constant 4 : i32
      %mul3A_101 = arith.muli %mul3A_100, %add3A : i32
      %add3A_102 = arith.constant 2 : i32
      %add3A_103 = arith.addi %mul3A_101, %add3A_102 : i32
      %mul3A_104 = arith.constant 304 : i32
      %mul3A_105 = arith.muli %add3A_103, %mul3A_104 : i32
      "tpu.region"() ({
        %run_scoped3A = tpu.sem_alloc : memref<!tpu.dma_semaphore, #tpu.memory_space<semaphore_mem>>
        %dma_start3A = arith.constant 0 : i32
        %dma_start3A_234 = tpu.memref_slice %arg15[%dma_start3A] : memref<320xi32, #tpu.memory_space<vmem>> -> memref<304xi32, #tpu.memory_space<vmem>>
        %dma_start3A_235 = tpu.memref_slice %arg3[%mul3A_105] : memref<9728xi32, #tpu.memory_space<hbm>> -> memref<304xi32, #tpu.memory_space<hbm>>
        %dma_start3A_236 = arith.constant 0 : i32
        %dma_start3A_237 = tpu.memref_slice %arg15[%dma_start3A_236] : memref<320xi32, #tpu.memory_space<vmem>> -> memref<304xi32, #tpu.memory_space<vmem>>
        %dma_start3A_238 = tpu.memref_slice %arg3[%mul3A_105] : memref<9728xi32, #tpu.memory_space<hbm>> -> memref<304xi32, #tpu.memory_space<hbm>>
        tpu.enqueue_dma source(%dma_start3A_238 : memref<304xi32, #tpu.memory_space<hbm>>) target(%dma_start3A_237 : memref<304xi32, #tpu.memory_space<vmem>>) target_semaphore(%run_scoped3A : memref<!tpu.dma_semaphore, #tpu.memory_space<semaphore_mem>>)
        %dma_wait3A = arith.constant 0 : i32
        %dma_wait3A_239 = tpu.memref_slice %arg15[%dma_wait3A] : memref<320xi32, #tpu.memory_space<vmem>> -> memref<304xi32, #tpu.memory_space<vmem>>
        %dma_wait3A_240 = tpu.memref_slice %arg3[%mul3A_105] : memref<9728xi32, #tpu.memory_space<hbm>> -> memref<304xi32, #tpu.memory_space<hbm>>
        %dma_wait3A_241 = arith.constant 0 : i32
        %dma_wait3A_242 = tpu.memref_slice %arg15[%dma_wait3A_241] : memref<320xi32, #tpu.memory_space<vmem>> -> memref<304xi32, #tpu.memory_space<vmem>>
        %dma_wait3A_243 = tpu.memref_slice %arg3[%mul3A_105] : memref<9728xi32, #tpu.memory_space<hbm>> -> memref<304xi32, #tpu.memory_space<hbm>>
        tpu.wait_dma2 semaphore(%run_scoped3A : memref<!tpu.dma_semaphore, #tpu.memory_space<semaphore_mem>>) src(%dma_wait3A_243 : memref<304xi32, #tpu.memory_space<hbm>>) dst(%dma_wait3A_242 : memref<304xi32, #tpu.memory_space<vmem>>)
        tpu.yield
      }) : () -> ()
      %scan3A_106 = arith.constant 0 : i32
      %scan3A_107 = arith.constant 19 : i32
      %scan3A_108 = arith.addi %scan3A_106, %scan3A_107 : i32
      %scan3A_109 = arith.constant 1 : i32
      %scan3A_110 = scf.for %scan3A_234 = %scan3A_106 to %scan3A_108 step %scan3A_109 iter_args(%scan3A_235 = %scan3A_70) -> (i32)  : i32 {
        %mul3A_236 = arith.constant 16 : i32
        %mul3A_237 = arith.muli %scan3A_234, %mul3A_236 : i32
        %sub3A_238 = arith.subi %squeeze3A_87, %mul3A_237 : i32
        %lt3A_239 = vector.broadcast %sub3A_238 : i32 to vector<16xi32>
        %lt3A_240 = arith.cmpi slt, %iota3A, %lt3A_239 : vector<16xi32>
        %mul3A_241 = arith.constant 16 : i32
        %mul3A_242 = arith.muli %scan3A_234, %mul3A_241 : i32
        %get3A_243 = arith.index_cast %mul3A_242 : i32 to index
        %get3A_244 = tpu.vector_load %arg15[%get3A_243] {strides = array<i32>} : memref<320xi32, #tpu.memory_space<vmem>>, vector<16xi32>,
        %add3A_245 = vector.broadcast %scan3A_235 : i32 to vector<16xi32>
        %add3A_246 = arith.addi %add3A_245, %iota3A : vector<16xi32>
        tpu.vector_store_idx %arg13[%add3A_246], %get3A_244 masked %lt3A_240 : memref<320xi32, #tpu.memory_space<vmem>>[vector<16xi32>], vector<16xi32>, vector<16xi1>
        %mul3A_247 = arith.constant 16 : i32
        %mul3A_248 = arith.muli %scan3A_234, %mul3A_247 : i32
        %sub3A_249 = arith.subi %squeeze3A_87, %mul3A_248 : i32
        %max3A = arith.constant 0 : i32
        %max3A_250 = arith.maxsi %sub3A_249, %max3A : i32
        %min3A_251 = arith.constant 16 : i32
        %min3A_252 = arith.minsi %max3A_250, %min3A_251 : i32
        %add3A_253 = arith.addi %scan3A_235, %min3A_252 : i32
        scf.yield %add3A_253 : i32
      }
      %scan3A_111 = arith.constant 19 : i32
      %get3A_112 = arith.constant 48 : index
      %get3A_113 = tpu.vector_load %arg17[%get3A_112] {strides = array<i32>} : memref<64xi32, #tpu.memory_space<vmem>>, vector<16xi32>,
      %slice3A_114 = vector.extract_strided_slice %get3A_113 {offsets = [0], sizes = [1], strides = [1]} : vector<16xi32> to vector<1xi32>
      %squeeze3A_115 = vector.extract %slice3A_114[0] : i32 from vector<1xi32>
      %mul3A_116 = arith.constant 4 : i32
      %mul3A_117 = arith.muli %mul3A_116, %add3A : i32
      %add3A_118 = arith.constant 3 : i32
      %add3A_119 = arith.addi %mul3A_117, %add3A_118 : i32
      %mul3A_120 = arith.constant 304 : i32
      %mul3A_121 = arith.muli %add3A_119, %mul3A_120 : i32
      "tpu.region"() ({
        %run_scoped3A = tpu.sem_alloc : memref<!tpu.dma_semaphore, #tpu.memory_space<semaphore_mem>>
        %dma_start3A = arith.constant 0 : i32
        %dma_start3A_234 = tpu.memref_slice %arg14[%dma_start3A] : memref<320xf32, #tpu.memory_space<vmem>> -> memref<304xf32, #tpu.memory_space<vmem>>
        %dma_start3A_235 = tpu.memref_slice %arg2[%mul3A_121] : memref<9728xf32, #tpu.memory_space<hbm>> -> memref<304xf32, #tpu.memory_space<hbm>>
        %dma_start3A_236 = arith.constant 0 : i32
        %dma_start3A_237 = tpu.memref_slice %arg14[%dma_start3A_236] : memref<320xf32, #tpu.memory_space<vmem>> -> memref<304xf32, #tpu.memory_space<vmem>>
        %dma_start3A_238 = tpu.memref_slice %arg2[%mul3A_121] : memref<9728xf32, #tpu.memory_space<hbm>> -> memref<304xf32, #tpu.memory_space<hbm>>
        tpu.enqueue_dma source(%dma_start3A_238 : memref<304xf32, #tpu.memory_space<hbm>>) target(%dma_start3A_237 : memref<304xf32, #tpu.memory_space<vmem>>) target_semaphore(%run_scoped3A : memref<!tpu.dma_semaphore, #tpu.memory_space<semaphore_mem>>)
        %dma_wait3A = arith.constant 0 : i32
        %dma_wait3A_239 = tpu.memref_slice %arg14[%dma_wait3A] : memref<320xf32, #tpu.memory_space<vmem>> -> memref<304xf32, #tpu.memory_space<vmem>>
        %dma_wait3A_240 = tpu.memref_slice %arg2[%mul3A_121] : memref<9728xf32, #tpu.memory_space<hbm>> -> memref<304xf32, #tpu.memory_space<hbm>>
        %dma_wait3A_241 = arith.constant 0 : i32
        %dma_wait3A_242 = tpu.memref_slice %arg14[%dma_wait3A_241] : memref<320xf32, #tpu.memory_space<vmem>> -> memref<304xf32, #tpu.memory_space<vmem>>
        %dma_wait3A_243 = tpu.memref_slice %arg2[%mul3A_121] : memref<9728xf32, #tpu.memory_space<hbm>> -> memref<304xf32, #tpu.memory_space<hbm>>
        tpu.wait_dma2 semaphore(%run_scoped3A : memref<!tpu.dma_semaphore, #tpu.memory_space<semaphore_mem>>) src(%dma_wait3A_243 : memref<304xf32, #tpu.memory_space<hbm>>) dst(%dma_wait3A_242 : memref<304xf32, #tpu.memory_space<vmem>>)
        tpu.yield
      }) : () -> ()
      %scan3A_122 = arith.constant 0 : i32
      %scan3A_123 = arith.constant 19 : i32
      %scan3A_124 = arith.addi %scan3A_122, %scan3A_123 : i32
      %scan3A_125 = arith.constant 1 : i32
      %scan3A_126 = scf.for %scan3A_234 = %scan3A_122 to %scan3A_124 step %scan3A_125 iter_args(%scan3A_235 = %scan3A_98) -> (i32)  : i32 {
        %mul3A_236 = arith.constant 16 : i32
        %mul3A_237 = arith.muli %scan3A_234, %mul3A_236 : i32
        %sub3A_238 = arith.subi %squeeze3A_115, %mul3A_237 : i32
        %lt3A_239 = vector.broadcast %sub3A_238 : i32 to vector<16xi32>
        %lt3A_240 = arith.cmpi slt, %iota3A, %lt3A_239 : vector<16xi32>
        %mul3A_241 = arith.constant 16 : i32
        %mul3A_242 = arith.muli %scan3A_234, %mul3A_241 : i32
        %get3A_243 = arith.index_cast %mul3A_242 : i32 to index
        %get3A_244 = tpu.vector_load %arg14[%get3A_243] {strides = array<i32>} : memref<320xf32, #tpu.memory_space<vmem>>, vector<16xf32>,
        %add3A_245 = vector.broadcast %scan3A_235 : i32 to vector<16xi32>
        %add3A_246 = arith.addi %add3A_245, %iota3A : vector<16xi32>
        tpu.vector_store_idx %arg12[%add3A_246], %get3A_244 masked %lt3A_240 : memref<320xf32, #tpu.memory_space<vmem>>[vector<16xi32>], vector<16xf32>, vector<16xi1>
        %mul3A_247 = arith.constant 16 : i32
        %mul3A_248 = arith.muli %scan3A_234, %mul3A_247 : i32
        %sub3A_249 = arith.subi %squeeze3A_115, %mul3A_248 : i32
        %max3A = arith.constant 0 : i32
        %max3A_250 = arith.maxsi %sub3A_249, %max3A : i32
        %min3A_251 = arith.constant 16 : i32
        %min3A_252 = arith.minsi %max3A_250, %min3A_251 : i32
        %add3A_253 = arith.addi %scan3A_235, %min3A_252 : i32
        scf.yield %add3A_253 : i32
      }
      %scan3A_127 = arith.constant 19 : i32
      %mul3A_128 = arith.constant 4 : i32
      %mul3A_129 = arith.muli %mul3A_128, %add3A : i32
      %add3A_130 = arith.constant 3 : i32
      %add3A_131 = arith.addi %mul3A_129, %add3A_130 : i32
      %mul3A_132 = arith.constant 304 : i32
      %mul3A_133 = arith.muli %add3A_131, %mul3A_132 : i32
      "tpu.region"() ({
        %run_scoped3A = tpu.sem_alloc : memref<!tpu.dma_semaphore, #tpu.memory_space<semaphore_mem>>
        %dma_start3A = arith.constant 0 : i32
        %dma_start3A_234 = tpu.memref_slice %arg15[%dma_start3A] : memref<320xi32, #tpu.memory_space<vmem>> -> memref<304xi32, #tpu.memory_space<vmem>>
        %dma_start3A_235 = tpu.memref_slice %arg3[%mul3A_133] : memref<9728xi32, #tpu.memory_space<hbm>> -> memref<304xi32, #tpu.memory_space<hbm>>
        %dma_start3A_236 = arith.constant 0 : i32
        %dma_start3A_237 = tpu.memref_slice %arg15[%dma_start3A_236] : memref<320xi32, #tpu.memory_space<vmem>> -> memref<304xi32, #tpu.memory_space<vmem>>
        %dma_start3A_238 = tpu.memref_slice %arg3[%mul3A_133] : memref<9728xi32, #tpu.memory_space<hbm>> -> memref<304xi32, #tpu.memory_space<hbm>>
        tpu.enqueue_dma source(%dma_start3A_238 : memref<304xi32, #tpu.memory_space<hbm>>) target(%dma_start3A_237 : memref<304xi32, #tpu.memory_space<vmem>>) target_semaphore(%run_scoped3A : memref<!tpu.dma_semaphore, #tpu.memory_space<semaphore_mem>>)
        %dma_wait3A = arith.constant 0 : i32
        %dma_wait3A_239 = tpu.memref_slice %arg15[%dma_wait3A] : memref<320xi32, #tpu.memory_space<vmem>> -> memref<304xi32, #tpu.memory_space<vmem>>
        %dma_wait3A_240 = tpu.memref_slice %arg3[%mul3A_133] : memref<9728xi32, #tpu.memory_space<hbm>> -> memref<304xi32, #tpu.memory_space<hbm>>
        %dma_wait3A_241 = arith.constant 0 : i32
        %dma_wait3A_242 = tpu.memref_slice %arg15[%dma_wait3A_241] : memref<320xi32, #tpu.memory_space<vmem>> -> memref<304xi32, #tpu.memory_space<vmem>>
        %dma_wait3A_243 = tpu.memref_slice %arg3[%mul3A_133] : memref<9728xi32, #tpu.memory_space<hbm>> -> memref<304xi32, #tpu.memory_space<hbm>>
        tpu.wait_dma2 semaphore(%run_scoped3A : memref<!tpu.dma_semaphore, #tpu.memory_space<semaphore_mem>>) src(%dma_wait3A_243 : memref<304xi32, #tpu.memory_space<hbm>>) dst(%dma_wait3A_242 : memref<304xi32, #tpu.memory_space<vmem>>)
        tpu.yield
      }) : () -> ()
      %scan3A_134 = arith.constant 0 : i32
      %scan3A_135 = arith.constant 19 : i32
      %scan3A_136 = arith.addi %scan3A_134, %scan3A_135 : i32
      %scan3A_137 = arith.constant 1 : i32
      %scan3A_138 = scf.for %scan3A_234 = %scan3A_134 to %scan3A_136 step %scan3A_137 iter_args(%scan3A_235 = %scan3A_98) -> (i32)  : i32 {
        %mul3A_236 = arith.constant 16 : i32
        %mul3A_237 = arith.muli %scan3A_234, %mul3A_236 : i32
        %sub3A_238 = arith.subi %squeeze3A_115, %mul3A_237 : i32
        %lt3A_239 = vector.broadcast %sub3A_238 : i32 to vector<16xi32>
        %lt3A_240 = arith.cmpi slt, %iota3A, %lt3A_239 : vector<16xi32>
        %mul3A_241 = arith.constant 16 : i32
        %mul3A_242 = arith.muli %scan3A_234, %mul3A_241 : i32
        %get3A_243 = arith.index_cast %mul3A_242 : i32 to index
        %get3A_244 = tpu.vector_load %arg15[%get3A_243] {strides = array<i32>} : memref<320xi32, #tpu.memory_space<vmem>>, vector<16xi32>,
        %add3A_245 = vector.broadcast %scan3A_235 : i32 to vector<16xi32>
        %add3A_246 = arith.addi %add3A_245, %iota3A : vector<16xi32>
        tpu.vector_store_idx %arg13[%add3A_246], %get3A_244 masked %lt3A_240 : memref<320xi32, #tpu.memory_space<vmem>>[vector<16xi32>], vector<16xi32>, vector<16xi1>
        %mul3A_247 = arith.constant 16 : i32
        %mul3A_248 = arith.muli %scan3A_234, %mul3A_247 : i32
        %sub3A_249 = arith.subi %squeeze3A_115, %mul3A_248 : i32
        %max3A = arith.constant 0 : i32
        %max3A_250 = arith.maxsi %sub3A_249, %max3A : i32
        %min3A_251 = arith.constant 16 : i32
        %min3A_252 = arith.minsi %max3A_250, %min3A_251 : i32
        %add3A_253 = arith.addi %scan3A_235, %min3A_252 : i32
        scf.yield %add3A_253 : i32
      }
      %scan3A_139 = arith.constant 19 : i32
      %sub3A = arith.constant 300 : i32
      %sub3A_140 = arith.subi %sub3A, %scan3A_126 : i32
      %get3A_141 = arith.constant 0 : index
      %get3A_142 = tpu.vector_load %arg17[%get3A_141] {strides = array<i32>} : memref<64xi32, #tpu.memory_space<vmem>>, vector<16xi32>,
      %slice3A_143 = vector.extract_strided_slice %get3A_142 {offsets = [1], sizes = [1], strides = [1]} : vector<16xi32> to vector<1xi32>
      %squeeze3A_144 = vector.extract %slice3A_143[0] : i32 from vector<1xi32>
      %min3A = arith.minsi %squeeze3A_144, %sub3A_140 : i32
      %mul3A_145 = arith.constant 4 : i32
      %mul3A_146 = arith.muli %mul3A_145, %add3A : i32
      %add3A_147 = arith.constant 0 : i32
      %add3A_148 = arith.addi %mul3A_146, %add3A_147 : i32
      %mul3A_149 = arith.constant 304 : i32
      %mul3A_150 = arith.muli %add3A_148, %mul3A_149 : i32
      "tpu.region"() ({
        %run_scoped3A = tpu.sem_alloc : memref<!tpu.dma_semaphore, #tpu.memory_space<semaphore_mem>>
        %dma_start3A = arith.constant 0 : i32
        %dma_start3A_234 = tpu.memref_slice %arg15[%dma_start3A] : memref<320xi32, #tpu.memory_space<vmem>> -> memref<304xi32, #tpu.memory_space<vmem>>
        %dma_start3A_235 = tpu.memref_slice %arg4[%mul3A_150] : memref<9728xi32, #tpu.memory_space<hbm>> -> memref<304xi32, #tpu.memory_space<hbm>>
        %dma_start3A_236 = arith.constant 0 : i32
        %dma_start3A_237 = tpu.memref_slice %arg15[%dma_start3A_236] : memref<320xi32, #tpu.memory_space<vmem>> -> memref<304xi32, #tpu.memory_space<vmem>>
        %dma_start3A_238 = tpu.memref_slice %arg4[%mul3A_150] : memref<9728xi32, #tpu.memory_space<hbm>> -> memref<304xi32, #tpu.memory_space<hbm>>
        tpu.enqueue_dma source(%dma_start3A_238 : memref<304xi32, #tpu.memory_space<hbm>>) target(%dma_start3A_237 : memref<304xi32, #tpu.memory_space<vmem>>) target_semaphore(%run_scoped3A : memref<!tpu.dma_semaphore, #tpu.memory_space<semaphore_mem>>)
        %dma_wait3A = arith.constant 0 : i32
        %dma_wait3A_239 = tpu.memref_slice %arg15[%dma_wait3A] : memref<320xi32, #tpu.memory_space<vmem>> -> memref<304xi32, #tpu.memory_space<vmem>>
        %dma_wait3A_240 = tpu.memref_slice %arg4[%mul3A_150] : memref<9728xi32, #tpu.memory_space<hbm>> -> memref<304xi32, #tpu.memory_space<hbm>>
        %dma_wait3A_241 = arith.constant 0 : i32
        %dma_wait3A_242 = tpu.memref_slice %arg15[%dma_wait3A_241] : memref<320xi32, #tpu.memory_space<vmem>> -> memref<304xi32, #tpu.memory_space<vmem>>
        %dma_wait3A_243 = tpu.memref_slice %arg4[%mul3A_150] : memref<9728xi32, #tpu.memory_space<hbm>> -> memref<304xi32, #tpu.memory_space<hbm>>
        tpu.wait_dma2 semaphore(%run_scoped3A : memref<!tpu.dma_semaphore, #tpu.memory_space<semaphore_mem>>) src(%dma_wait3A_243 : memref<304xi32, #tpu.memory_space<hbm>>) dst(%dma_wait3A_242 : memref<304xi32, #tpu.memory_space<vmem>>)
        tpu.yield
      }) : () -> ()
      %scan3A_151 = arith.constant 0 : i32
      %scan3A_152 = arith.constant 19 : i32
      %scan3A_153 = arith.addi %scan3A_151, %scan3A_152 : i32
      %scan3A_154 = arith.constant 1 : i32
      %scan3A_155 = scf.for %scan3A_234 = %scan3A_151 to %scan3A_153 step %scan3A_154 iter_args(%scan3A_235 = %scan3A_126) -> (i32)  : i32 {
        %mul3A_236 = arith.constant 16 : i32
        %mul3A_237 = arith.muli %scan3A_234, %mul3A_236 : i32
        %sub3A_238 = arith.subi %min3A, %mul3A_237 : i32
        %lt3A_239 = vector.broadcast %sub3A_238 : i32 to vector<16xi32>
        %lt3A_240 = arith.cmpi slt, %iota3A, %lt3A_239 : vector<16xi32>
        %mul3A_241 = arith.constant 16 : i32
        %mul3A_242 = arith.muli %scan3A_234, %mul3A_241 : i32
        %get3A_243 = arith.index_cast %mul3A_242 : i32 to index
        %get3A_244 = tpu.vector_load %arg15[%get3A_243] {strides = array<i32>} : memref<320xi32, #tpu.memory_space<vmem>>, vector<16xi32>,
        %add3A_245 = vector.broadcast %scan3A_235 : i32 to vector<16xi32>
        %add3A_246 = arith.addi %add3A_245, %iota3A : vector<16xi32>
        tpu.vector_store_idx %arg13[%add3A_246], %get3A_244 masked %lt3A_240 : memref<320xi32, #tpu.memory_space<vmem>>[vector<16xi32>], vector<16xi32>, vector<16xi1>
        %add3A_247 = vector.broadcast %scan3A_235 : i32 to vector<16xi32>
        %add3A_248 = arith.addi %add3A_247, %iota3A : vector<16xi32>
        tpu.vector_store_idx %arg12[%add3A_248], %get3A_11 masked %lt3A_240 : memref<320xf32, #tpu.memory_space<vmem>>[vector<16xi32>], vector<16xf32>, vector<16xi1>
        %mul3A_249 = arith.constant 16 : i32
        %mul3A_250 = arith.muli %scan3A_234, %mul3A_249 : i32
        %sub3A_251 = arith.subi %min3A, %mul3A_250 : i32
        %max3A = arith.constant 0 : i32
        %max3A_252 = arith.maxsi %sub3A_251, %max3A : i32
        %min3A_253 = arith.constant 16 : i32
        %min3A_254 = arith.minsi %max3A_252, %min3A_253 : i32
        %add3A_255 = arith.addi %scan3A_235, %min3A_254 : i32
        scf.yield %add3A_255 : i32
      }
      %scan3A_156 = arith.constant 19 : i32
      %sub3A_157 = arith.subi %sub3A_140, %min3A : i32
      %get3A_158 = arith.constant 16 : index
      %get3A_159 = tpu.vector_load %arg17[%get3A_158] {strides = array<i32>} : memref<64xi32, #tpu.memory_space<vmem>>, vector<16xi32>,
      %slice3A_160 = vector.extract_strided_slice %get3A_159 {offsets = [1], sizes = [1], strides = [1]} : vector<16xi32> to vector<1xi32>
      %squeeze3A_161 = vector.extract %slice3A_160[0] : i32 from vector<1xi32>
      %min3A_162 = arith.minsi %squeeze3A_161, %sub3A_157 : i32
      %mul3A_163 = arith.constant 4 : i32
      %mul3A_164 = arith.muli %mul3A_163, %add3A : i32
      %add3A_165 = arith.constant 1 : i32
      %add3A_166 = arith.addi %mul3A_164, %add3A_165 : i32
      %mul3A_167 = arith.constant 304 : i32
      %mul3A_168 = arith.muli %add3A_166, %mul3A_167 : i32
      "tpu.region"() ({
        %run_scoped3A = tpu.sem_alloc : memref<!tpu.dma_semaphore, #tpu.memory_space<semaphore_mem>>
        %dma_start3A = arith.constant 0 : i32
        %dma_start3A_234 = tpu.memref_slice %arg15[%dma_start3A] : memref<320xi32, #tpu.memory_space<vmem>> -> memref<304xi32, #tpu.memory_space<vmem>>
        %dma_start3A_235 = tpu.memref_slice %arg4[%mul3A_168] : memref<9728xi32, #tpu.memory_space<hbm>> -> memref<304xi32, #tpu.memory_space<hbm>>
        %dma_start3A_236 = arith.constant 0 : i32
        %dma_start3A_237 = tpu.memref_slice %arg15[%dma_start3A_236] : memref<320xi32, #tpu.memory_space<vmem>> -> memref<304xi32, #tpu.memory_space<vmem>>
        %dma_start3A_238 = tpu.memref_slice %arg4[%mul3A_168] : memref<9728xi32, #tpu.memory_space<hbm>> -> memref<304xi32, #tpu.memory_space<hbm>>
        tpu.enqueue_dma source(%dma_start3A_238 : memref<304xi32, #tpu.memory_space<hbm>>) target(%dma_start3A_237 : memref<304xi32, #tpu.memory_space<vmem>>) target_semaphore(%run_scoped3A : memref<!tpu.dma_semaphore, #tpu.memory_space<semaphore_mem>>)
        %dma_wait3A = arith.constant 0 : i32
        %dma_wait3A_239 = tpu.memref_slice %arg15[%dma_wait3A] : memref<320xi32, #tpu.memory_space<vmem>> -> memref<304xi32, #tpu.memory_space<vmem>>
        %dma_wait3A_240 = tpu.memref_slice %arg4[%mul3A_168] : memref<9728xi32, #tpu.memory_space<hbm>> -> memref<304xi32, #tpu.memory_space<hbm>>
        %dma_wait3A_241 = arith.constant 0 : i32
        %dma_wait3A_242 = tpu.memref_slice %arg15[%dma_wait3A_241] : memref<320xi32, #tpu.memory_space<vmem>> -> memref<304xi32, #tpu.memory_space<vmem>>
        %dma_wait3A_243 = tpu.memref_slice %arg4[%mul3A_168] : memref<9728xi32, #tpu.memory_space<hbm>> -> memref<304xi32, #tpu.memory_space<hbm>>
        tpu.wait_dma2 semaphore(%run_scoped3A : memref<!tpu.dma_semaphore, #tpu.memory_space<semaphore_mem>>) src(%dma_wait3A_243 : memref<304xi32, #tpu.memory_space<hbm>>) dst(%dma_wait3A_242 : memref<304xi32, #tpu.memory_space<vmem>>)
        tpu.yield
      }) : () -> ()
      %scan3A_169 = arith.constant 0 : i32
      %scan3A_170 = arith.constant 19 : i32
      %scan3A_171 = arith.addi %scan3A_169, %scan3A_170 : i32
      %scan3A_172 = arith.constant 1 : i32
      %scan3A_173 = scf.for %scan3A_234 = %scan3A_169 to %scan3A_171 step %scan3A_172 iter_args(%scan3A_235 = %scan3A_155) -> (i32)  : i32 {
        %mul3A_236 = arith.constant 16 : i32
        %mul3A_237 = arith.muli %scan3A_234, %mul3A_236 : i32
        %sub3A_238 = arith.subi %min3A_162, %mul3A_237 : i32
        %lt3A_239 = vector.broadcast %sub3A_238 : i32 to vector<16xi32>
        %lt3A_240 = arith.cmpi slt, %iota3A, %lt3A_239 : vector<16xi32>
        %mul3A_241 = arith.constant 16 : i32
        %mul3A_242 = arith.muli %scan3A_234, %mul3A_241 : i32
        %get3A_243 = arith.index_cast %mul3A_242 : i32 to index
        %get3A_244 = tpu.vector_load %arg15[%get3A_243] {strides = array<i32>} : memref<320xi32, #tpu.memory_space<vmem>>, vector<16xi32>,
        %add3A_245 = vector.broadcast %scan3A_235 : i32 to vector<16xi32>
        %add3A_246 = arith.addi %add3A_245, %iota3A : vector<16xi32>
        tpu.vector_store_idx %arg13[%add3A_246], %get3A_244 masked %lt3A_240 : memref<320xi32, #tpu.memory_space<vmem>>[vector<16xi32>], vector<16xi32>, vector<16xi1>
        %add3A_247 = vector.broadcast %scan3A_235 : i32 to vector<16xi32>
        %add3A_248 = arith.addi %add3A_247, %iota3A : vector<16xi32>
        tpu.vector_store_idx %arg12[%add3A_248], %get3A_11 masked %lt3A_240 : memref<320xf32, #tpu.memory_space<vmem>>[vector<16xi32>], vector<16xf32>, vector<16xi1>
        %mul3A_249 = arith.constant 16 : i32
        %mul3A_250 = arith.muli %scan3A_234, %mul3A_249 : i32
        %sub3A_251 = arith.subi %min3A_162, %mul3A_250 : i32
        %max3A = arith.constant 0 : i32
        %max3A_252 = arith.maxsi %sub3A_251, %max3A : i32
        %min3A_253 = arith.constant 16 : i32
        %min3A_254 = arith.minsi %max3A_252, %min3A_253 : i32
        %add3A_255 = arith.addi %scan3A_235, %min3A_254 : i32
        scf.yield %add3A_255 : i32
      }
      %scan3A_174 = arith.constant 19 : i32
      %sub3A_175 = arith.subi %sub3A_157, %min3A_162 : i32
      %get3A_176 = arith.constant 32 : index
      %get3A_177 = tpu.vector_load %arg17[%get3A_176] {strides = array<i32>} : memref<64xi32, #tpu.memory_space<vmem>>, vector<16xi32>,
      %slice3A_178 = vector.extract_strided_slice %get3A_177 {offsets = [1], sizes = [1], strides = [1]} : vector<16xi32> to vector<1xi32>
      %squeeze3A_179 = vector.extract %slice3A_178[0] : i32 from vector<1xi32>
      %min3A_180 = arith.minsi %squeeze3A_179, %sub3A_175 : i32
      %mul3A_181 = arith.constant 4 : i32
      %mul3A_182 = arith.muli %mul3A_181, %add3A : i32
      %add3A_183 = arith.constant 2 : i32
      %add3A_184 = arith.addi %mul3A_182, %add3A_183 : i32
      %mul3A_185 = arith.constant 304 : i32
      %mul3A_186 = arith.muli %add3A_184, %mul3A_185 : i32
      "tpu.region"() ({
        %run_scoped3A = tpu.sem_alloc : memref<!tpu.dma_semaphore, #tpu.memory_space<semaphore_mem>>
        %dma_start3A = arith.constant 0 : i32
        %dma_start3A_234 = tpu.memref_slice %arg15[%dma_start3A] : memref<320xi32, #tpu.memory_space<vmem>> -> memref<304xi32, #tpu.memory_space<vmem>>
        %dma_start3A_235 = tpu.memref_slice %arg4[%mul3A_186] : memref<9728xi32, #tpu.memory_space<hbm>> -> memref<304xi32, #tpu.memory_space<hbm>>
        %dma_start3A_236 = arith.constant 0 : i32
        %dma_start3A_237 = tpu.memref_slice %arg15[%dma_start3A_236] : memref<320xi32, #tpu.memory_space<vmem>> -> memref<304xi32, #tpu.memory_space<vmem>>
        %dma_start3A_238 = tpu.memref_slice %arg4[%mul3A_186] : memref<9728xi32, #tpu.memory_space<hbm>> -> memref<304xi32, #tpu.memory_space<hbm>>
        tpu.enqueue_dma source(%dma_start3A_238 : memref<304xi32, #tpu.memory_space<hbm>>) target(%dma_start3A_237 : memref<304xi32, #tpu.memory_space<vmem>>) target_semaphore(%run_scoped3A : memref<!tpu.dma_semaphore, #tpu.memory_space<semaphore_mem>>)
        %dma_wait3A = arith.constant 0 : i32
        %dma_wait3A_239 = tpu.memref_slice %arg15[%dma_wait3A] : memref<320xi32, #tpu.memory_space<vmem>> -> memref<304xi32, #tpu.memory_space<vmem>>
        %dma_wait3A_240 = tpu.memref_slice %arg4[%mul3A_186] : memref<9728xi32, #tpu.memory_space<hbm>> -> memref<304xi32, #tpu.memory_space<hbm>>
        %dma_wait3A_241 = arith.constant 0 : i32
        %dma_wait3A_242 = tpu.memref_slice %arg15[%dma_wait3A_241] : memref<320xi32, #tpu.memory_space<vmem>> -> memref<304xi32, #tpu.memory_space<vmem>>
        %dma_wait3A_243 = tpu.memref_slice %arg4[%mul3A_186] : memref<9728xi32, #tpu.memory_space<hbm>> -> memref<304xi32, #tpu.memory_space<hbm>>
        tpu.wait_dma2 semaphore(%run_scoped3A : memref<!tpu.dma_semaphore, #tpu.memory_space<semaphore_mem>>) src(%dma_wait3A_243 : memref<304xi32, #tpu.memory_space<hbm>>) dst(%dma_wait3A_242 : memref<304xi32, #tpu.memory_space<vmem>>)
        tpu.yield
      }) : () -> ()
      %scan3A_187 = arith.constant 0 : i32
      %scan3A_188 = arith.constant 19 : i32
      %scan3A_189 = arith.addi %scan3A_187, %scan3A_188 : i32
      %scan3A_190 = arith.constant 1 : i32
      %scan3A_191 = scf.for %scan3A_234 = %scan3A_187 to %scan3A_189 step %scan3A_190 iter_args(%scan3A_235 = %scan3A_173) -> (i32)  : i32 {
        %mul3A_236 = arith.constant 16 : i32
        %mul3A_237 = arith.muli %scan3A_234, %mul3A_236 : i32
        %sub3A_238 = arith.subi %min3A_180, %mul3A_237 : i32
        %lt3A_239 = vector.broadcast %sub3A_238 : i32 to vector<16xi32>
        %lt3A_240 = arith.cmpi slt, %iota3A, %lt3A_239 : vector<16xi32>
        %mul3A_241 = arith.constant 16 : i32
        %mul3A_242 = arith.muli %scan3A_234, %mul3A_241 : i32
        %get3A_243 = arith.index_cast %mul3A_242 : i32 to index
        %get3A_244 = tpu.vector_load %arg15[%get3A_243] {strides = array<i32>} : memref<320xi32, #tpu.memory_space<vmem>>, vector<16xi32>,
        %add3A_245 = vector.broadcast %scan3A_235 : i32 to vector<16xi32>
        %add3A_246 = arith.addi %add3A_245, %iota3A : vector<16xi32>
        tpu.vector_store_idx %arg13[%add3A_246], %get3A_244 masked %lt3A_240 : memref<320xi32, #tpu.memory_space<vmem>>[vector<16xi32>], vector<16xi32>, vector<16xi1>
        %add3A_247 = vector.broadcast %scan3A_235 : i32 to vector<16xi32>
        %add3A_248 = arith.addi %add3A_247, %iota3A : vector<16xi32>
        tpu.vector_store_idx %arg12[%add3A_248], %get3A_11 masked %lt3A_240 : memref<320xf32, #tpu.memory_space<vmem>>[vector<16xi32>], vector<16xf32>, vector<16xi1>
        %mul3A_249 = arith.constant 16 : i32
        %mul3A_250 = arith.muli %scan3A_234, %mul3A_249 : i32
        %sub3A_251 = arith.subi %min3A_180, %mul3A_250 : i32
        %max3A = arith.constant 0 : i32
        %max3A_252 = arith.maxsi %sub3A_251, %max3A : i32
        %min3A_253 = arith.constant 16 : i32
        %min3A_254 = arith.minsi %max3A_252, %min3A_253 : i32
        %add3A_255 = arith.addi %scan3A_235, %min3A_254 : i32
        scf.yield %add3A_255 : i32
      }
      %scan3A_192 = arith.constant 19 : i32
      %sub3A_193 = arith.subi %sub3A_175, %min3A_180 : i32
      %get3A_194 = arith.constant 48 : index
      %get3A_195 = tpu.vector_load %arg17[%get3A_194] {strides = array<i32>} : memref<64xi32, #tpu.memory_space<vmem>>, vector<16xi32>,
      %slice3A_196 = vector.extract_strided_slice %get3A_195 {offsets = [1], sizes = [1], strides = [1]} : vector<16xi32> to vector<1xi32>
      %squeeze3A_197 = vector.extract %slice3A_196[0] : i32 from vector<1xi32>
      %min3A_198 = arith.minsi %squeeze3A_197, %sub3A_193 : i32
      %mul3A_199 = arith.constant 4 : i32
      %mul3A_200 = arith.muli %mul3A_199, %add3A : i32
      %add3A_201 = arith.constant 3 : i32
      %add3A_202 = arith.addi %mul3A_200, %add3A_201 : i32
      %mul3A_203 = arith.constant 304 : i32
      %mul3A_204 = arith.muli %add3A_202, %mul3A_203 : i32
      "tpu.region"() ({
        %run_scoped3A = tpu.sem_alloc : memref<!tpu.dma_semaphore, #tpu.memory_space<semaphore_mem>>
        %dma_start3A = arith.constant 0 : i32
        %dma_start3A_234 = tpu.memref_slice %arg15[%dma_start3A] : memref<320xi32, #tpu.memory_space<vmem>> -> memref<304xi32, #tpu.memory_space<vmem>>
        %dma_start3A_235 = tpu.memref_slice %arg4[%mul3A_204] : memref<9728xi32, #tpu.memory_space<hbm>> -> memref<304xi32, #tpu.memory_space<hbm>>
        %dma_start3A_236 = arith.constant 0 : i32
        %dma_start3A_237 = tpu.memref_slice %arg15[%dma_start3A_236] : memref<320xi32, #tpu.memory_space<vmem>> -> memref<304xi32, #tpu.memory_space<vmem>>
        %dma_start3A_238 = tpu.memref_slice %arg4[%mul3A_204] : memref<9728xi32, #tpu.memory_space<hbm>> -> memref<304xi32, #tpu.memory_space<hbm>>
        tpu.enqueue_dma source(%dma_start3A_238 : memref<304xi32, #tpu.memory_space<hbm>>) target(%dma_start3A_237 : memref<304xi32, #tpu.memory_space<vmem>>) target_semaphore(%run_scoped3A : memref<!tpu.dma_semaphore, #tpu.memory_space<semaphore_mem>>)
        %dma_wait3A = arith.constant 0 : i32
        %dma_wait3A_239 = tpu.memref_slice %arg15[%dma_wait3A] : memref<320xi32, #tpu.memory_space<vmem>> -> memref<304xi32, #tpu.memory_space<vmem>>
        %dma_wait3A_240 = tpu.memref_slice %arg4[%mul3A_204] : memref<9728xi32, #tpu.memory_space<hbm>> -> memref<304xi32, #tpu.memory_space<hbm>>
        %dma_wait3A_241 = arith.constant 0 : i32
        %dma_wait3A_242 = tpu.memref_slice %arg15[%dma_wait3A_241] : memref<320xi32, #tpu.memory_space<vmem>> -> memref<304xi32, #tpu.memory_space<vmem>>
        %dma_wait3A_243 = tpu.memref_slice %arg4[%mul3A_204] : memref<9728xi32, #tpu.memory_space<hbm>> -> memref<304xi32, #tpu.memory_space<hbm>>
        tpu.wait_dma2 semaphore(%run_scoped3A : memref<!tpu.dma_semaphore, #tpu.memory_space<semaphore_mem>>) src(%dma_wait3A_243 : memref<304xi32, #tpu.memory_space<hbm>>) dst(%dma_wait3A_242 : memref<304xi32, #tpu.memory_space<vmem>>)
        tpu.yield
      }) : () -> ()
      %scan3A_205 = arith.constant 0 : i32
      %scan3A_206 = arith.constant 19 : i32
      %scan3A_207 = arith.addi %scan3A_205, %scan3A_206 : i32
      %scan3A_208 = arith.constant 1 : i32
      %scan3A_209 = scf.for %scan3A_234 = %scan3A_205 to %scan3A_207 step %scan3A_208 iter_args(%scan3A_235 = %scan3A_191) -> (i32)  : i32 {
        %mul3A_236 = arith.constant 16 : i32
        %mul3A_237 = arith.muli %scan3A_234, %mul3A_236 : i32
        %sub3A_238 = arith.subi %min3A_198, %mul3A_237 : i32
        %lt3A_239 = vector.broadcast %sub3A_238 : i32 to vector<16xi32>
        %lt3A_240 = arith.cmpi slt, %iota3A, %lt3A_239 : vector<16xi32>
        %mul3A_241 = arith.constant 16 : i32
        %mul3A_242 = arith.muli %scan3A_234, %mul3A_241 : i32
        %get3A_243 = arith.index_cast %mul3A_242 : i32 to index
        %get3A_244 = tpu.vector_load %arg15[%get3A_243] {strides = array<i32>} : memref<320xi32, #tpu.memory_space<vmem>>, vector<16xi32>,
        %add3A_245 = vector.broadcast %scan3A_235 : i32 to vector<16xi32>
        %add3A_246 = arith.addi %add3A_245, %iota3A : vector<16xi32>
        tpu.vector_store_idx %arg13[%add3A_246], %get3A_244 masked %lt3A_240 : memref<320xi32, #tpu.memory_space<vmem>>[vector<16xi32>], vector<16xi32>, vector<16xi1>
        %add3A_247 = vector.broadcast %scan3A_235 : i32 to vector<16xi32>
        %add3A_248 = arith.addi %add3A_247, %iota3A : vector<16xi32>
        tpu.vector_store_idx %arg12[%add3A_248], %get3A_11 masked %lt3A_240 : memref<320xf32, #tpu.memory_space<vmem>>[vector<16xi32>], vector<16xf32>, vector<16xi1>
        %mul3A_249 = arith.constant 16 : i32
        %mul3A_250 = arith.muli %scan3A_234, %mul3A_249 : i32
        %sub3A_251 = arith.subi %min3A_198, %mul3A_250 : i32
        %max3A = arith.constant 0 : i32
        %max3A_252 = arith.maxsi %sub3A_251, %max3A : i32
        %min3A_253 = arith.constant 16 : i32
        %min3A_254 = arith.minsi %max3A_252, %min3A_253 : i32
        %add3A_255 = arith.addi %scan3A_235, %min3A_254 : i32
        scf.yield %add3A_255 : i32
      }
      %scan3A_210 = arith.constant 19 : i32
      %sub3A_211 = arith.subi %sub3A_193, %min3A_198 : i32
      %scan3A_212 = arith.constant 0 : i32
      %scan3A_213 = arith.constant 0 : i32
      %scan3A_214 = arith.constant 300 : i32
      %scan3A_215 = arith.addi %scan3A_213, %scan3A_214 : i32
      %scan3A_216 = arith.constant 1 : i32
      %scan3A_217 = scf.for %scan3A_234 = %scan3A_213 to %scan3A_215 step %scan3A_216 iter_args(%scan3A_235 = %scan3A_212) -> (i32)  : i32 {
        %broadcast_in_dim3A_236 = vector.broadcast %scan3A_234 : i32 to vector<16xi32>
        %gather3A = tpu.vector_load_idx %arg12[%broadcast_in_dim3A_236] : memref<320xf32, #tpu.memory_space<vmem>>[vector<16xi32>], vector<16xf32>,
        %gather3A_237 = tpu.vector_load_idx %arg13[%broadcast_in_dim3A_236] : memref<320xi32, #tpu.memory_space<vmem>>[vector<16xi32>], vector<16xi32>,
        %broadcast_in_dim3A_238 = arith.constant 0 : i32
        %broadcast_in_dim3A_239 = vector.broadcast %broadcast_in_dim3A_238 : i32 to vector<16xi32>
        %scan3A_240 = arith.constant 0 : i32
        %scan3A_241 = arith.constant 20 : i32
        %scan3A_242 = arith.addi %scan3A_240, %scan3A_241 : i32
        %scan3A_243 = arith.constant 1 : i32
        %scan3A_244 = scf.for %scan3A_277 = %scan3A_240 to %scan3A_242 step %scan3A_243 iter_args(%scan3A_278 = %broadcast_in_dim3A_239) -> (vector<16xi32>)  : i32 {
          %mul3A_279 = arith.constant 16 : i32
          %mul3A_280 = arith.muli %scan3A_277, %mul3A_279 : i32
          %get3A_281 = arith.index_cast %mul3A_280 : i32 to index
          %get3A_282 = tpu.vector_load %arg12[%get3A_281] {strides = array<i32>} : memref<320xf32, #tpu.memory_space<vmem>>, vector<16xf32>,
          %mul3A_283 = arith.constant 16 : i32
          %mul3A_284 = arith.muli %scan3A_277, %mul3A_283 : i32
          %get3A_285 = arith.index_cast %mul3A_284 : i32 to index
          %get3A_286 = tpu.vector_load %arg13[%get3A_285] {strides = array<i32>} : memref<320xi32, #tpu.memory_space<vmem>>, vector<16xi32>,
          %gt3A = arith.cmpf ogt, %get3A_282, %gather3A : vector<16xf32>
          %eq3A_287 = arith.cmpf oeq, %get3A_282, %gather3A : vector<16xf32>
          %lt3A_288 = arith.cmpi slt, %get3A_286, %gather3A_237 : vector<16xi32>
          %and3A_289 = arith.andi %eq3A_287, %lt3A_288 : vector<16xi1>
          %or3A = arith.ori %gt3A, %and3A_289 : vector<16xi1>
          %all_reduce_population_count3A = tpu.all_reduce %or3A {dim = 0 : i64, kind = #tpu.reduction_kind<sum>} : vector<16xi1> -> vector<16xi32>
          %add3A_290 = arith.addi %scan3A_278, %all_reduce_population_count3A : vector<16xi32>
          scf.yield %add3A_290 : vector<16xi32>
        }
        %scan3A_245 = arith.constant 20 : i32
        %eq3A = arith.constant 0 : i32
        %eq3A_246 = vector.broadcast %eq3A : i32 to vector<16xi32>
        %eq3A_247 = arith.cmpi eq, %iota3A, %eq3A_246 : vector<16xi32>
        %jit3A = arith.constant 80 : i32
        %div3A = vector.broadcast %jit3A : i32 to vector<16xi32>
        %div3A_248 = arith.divsi %gather3A_237, %div3A : vector<16xi32>
        %sign3A = arith.constant 0 : i32
        %sign3A_249 = vector.broadcast %sign3A : i32 to vector<16xi32>
        %sign3A_250 = arith.cmpi sgt, %gather3A_237, %sign3A_249 : vector<16xi32>
        %sign3A_251 = arith.extui %sign3A_250 : vector<16xi1> to vector<16xi32>
        %sign3A_252 = arith.constant 0 : i32
        %sign3A_253 = vector.broadcast %sign3A_252 : i32 to vector<16xi32>
        %sign3A_254 = arith.cmpi slt, %gather3A_237, %sign3A_253 : vector<16xi32>
        %sign3A_255 = arith.extui %sign3A_254 : vector<16xi1> to vector<16xi32>
        %sign3A_256 = arith.subi %sign3A_251, %sign3A_255 : vector<16xi32>
        %sign3A_257 = arith.constant 0 : i32
        %sign3A_258 = arith.cmpi sgt, %jit3A, %sign3A_257 : i32
        %sign3A_259 = arith.extui %sign3A_258 : i1 to i32
        %sign3A_260 = arith.constant 0 : i32
        %sign3A_261 = arith.cmpi slt, %jit3A, %sign3A_260 : i32
        %sign3A_262 = arith.extui %sign3A_261 : i1 to i32
        %sign3A_263 = arith.subi %sign3A_259, %sign3A_262 : i32
        %ne3A = vector.broadcast %sign3A_263 : i32 to vector<16xi32>
        %ne3A_264 = arith.cmpi ne, %sign3A_256, %ne3A : vector<16xi32>
        %rem3A = vector.broadcast %jit3A : i32 to vector<16xi32>
        %rem3A_265 = arith.remsi %gather3A_237, %rem3A : vector<16xi32>
        %ne3A_266 = arith.constant 0 : i32
        %ne3A_267 = vector.broadcast %ne3A_266 : i32 to vector<16xi32>
        %ne3A_268 = arith.cmpi ne, %rem3A_265, %ne3A_267 : vector<16xi32>
        %and3A = arith.andi %ne3A_264, %ne3A_268 : vector<16xi1>
        %sub3A_269 = arith.constant 1 : i32
        %sub3A_270 = vector.broadcast %sub3A_269 : i32 to vector<16xi32>
        %sub3A_271 = arith.subi %div3A_248, %sub3A_270 : vector<16xi32>
        %select_n3A = arith.select %and3A, %sub3A_271, %div3A_248 : vector<16xi1>, vector<16xi32>
        tpu.vector_store_idx %arg18[%scan3A_244], %gather3A masked %eq3A_247 : memref<304xf32, #tpu.memory_space<vmem>>[vector<16xi32>], vector<16xf32>, vector<16xi1>
        %mul3A_272 = arith.constant 80 : i32
        %mul3A_273 = vector.broadcast %mul3A_272 : i32 to vector<16xi32>
        %mul3A_274 = arith.muli %select_n3A, %mul3A_273 : vector<16xi32>
        %sub3A_275 = arith.subi %gather3A_237, %mul3A_274 : vector<16xi32>
        tpu.vector_store_idx %arg19[%scan3A_244], %sub3A_275 masked %eq3A_247 : memref<304xi32, #tpu.memory_space<vmem>>[vector<16xi32>], vector<16xi32>, vector<16xi1>
        tpu.vector_store_idx %arg20[%scan3A_244], %select_n3A masked %eq3A_247 : memref<304xi32, #tpu.memory_space<vmem>>[vector<16xi32>], vector<16xi32>, vector<16xi1>
        %scan3A_276 = arith.constant 0 : i32
        scf.yield %scan3A_276 : i32
      }
      %scan3A_218 = arith.constant 300 : i32
      %scan3A_219 = arith.constant 0 : i32
      %scan3A_220 = arith.constant 0 : i32
      %scan3A_221 = arith.constant 19 : i32
      %scan3A_222 = arith.addi %scan3A_220, %scan3A_221 : i32
      %scan3A_223 = arith.constant 1 : i32
      %scan3A_224 = scf.for %scan3A_234 = %scan3A_220 to %scan3A_222 step %scan3A_223 iter_args(%scan3A_235 = %scan3A_219) -> (i32)  : i32 {
        %mul3A_236 = arith.constant 16 : i32
        %mul3A_237 = arith.muli %scan3A_234, %mul3A_236 : i32
        %get3A_238 = arith.index_cast %mul3A_237 : i32 to index
        %get3A_239 = tpu.vector_load %arg20[%get3A_238] {strides = array<i32>} : memref<304xi32, #tpu.memory_space<vmem>>, vector<16xi32>,
        %mul3A_240 = arith.constant 4 : i32
        %mul3A_241 = vector.broadcast %mul3A_240 : i32 to vector<16xi32>
        %mul3A_242 = arith.muli %get3A_239, %mul3A_241 : vector<16xi32>
        %add3A_243 = arith.constant 0 : i32
        %add3A_244 = vector.broadcast %add3A_243 : i32 to vector<16xi32>
        %add3A_245 = arith.addi %mul3A_242, %add3A_244 : vector<16xi32>
        %gather3A = tpu.vector_load_idx %arg11[%add3A_245] : memref<80000xf32, #tpu.memory_space<vmem>>[vector<16xi32>], vector<16xf32>,
        %mul3A_246 = arith.constant 16 : i32
        %mul3A_247 = arith.muli %scan3A_234, %mul3A_246 : i32
        %add3A_248 = vector.broadcast %mul3A_247 : i32 to vector<16xi32>
        %add3A_249 = arith.addi %add3A_248, %iota3A : vector<16xi32>
        %mul3A_250 = arith.constant 4 : i32
        %mul3A_251 = vector.broadcast %mul3A_250 : i32 to vector<16xi32>
        %mul3A_252 = arith.muli %add3A_249, %mul3A_251 : vector<16xi32>
        %add3A_253 = arith.constant 0 : i32
        %add3A_254 = vector.broadcast %add3A_253 : i32 to vector<16xi32>
        %add3A_255 = arith.addi %mul3A_252, %add3A_254 : vector<16xi32>
        tpu.vector_store_idx %arg21[%add3A_255], %gather3A : memref<1216xf32, #tpu.memory_space<vmem>>[vector<16xi32>], vector<16xf32>,
        %mul3A_256 = arith.constant 4 : i32
        %mul3A_257 = vector.broadcast %mul3A_256 : i32 to vector<16xi32>
        %mul3A_258 = arith.muli %get3A_239, %mul3A_257 : vector<16xi32>
        %add3A_259 = arith.constant 1 : i32
        %add3A_260 = vector.broadcast %add3A_259 : i32 to vector<16xi32>
        %add3A_261 = arith.addi %mul3A_258, %add3A_260 : vector<16xi32>
        %gather3A_262 = tpu.vector_load_idx %arg11[%add3A_261] : memref<80000xf32, #tpu.memory_space<vmem>>[vector<16xi32>], vector<16xf32>,
        %mul3A_263 = arith.constant 16 : i32
        %mul3A_264 = arith.muli %scan3A_234, %mul3A_263 : i32
        %add3A_265 = vector.broadcast %mul3A_264 : i32 to vector<16xi32>
        %add3A_266 = arith.addi %add3A_265, %iota3A : vector<16xi32>
        %mul3A_267 = arith.constant 4 : i32
        %mul3A_268 = vector.broadcast %mul3A_267 : i32 to vector<16xi32>
        %mul3A_269 = arith.muli %add3A_266, %mul3A_268 : vector<16xi32>
        %add3A_270 = arith.constant 1 : i32
        %add3A_271 = vector.broadcast %add3A_270 : i32 to vector<16xi32>
        %add3A_272 = arith.addi %mul3A_269, %add3A_271 : vector<16xi32>
        tpu.vector_store_idx %arg21[%add3A_272], %gather3A_262 : memref<1216xf32, #tpu.memory_space<vmem>>[vector<16xi32>], vector<16xf32>,
        %mul3A_273 = arith.constant 4 : i32
        %mul3A_274 = vector.broadcast %mul3A_273 : i32 to vector<16xi32>
        %mul3A_275 = arith.muli %get3A_239, %mul3A_274 : vector<16xi32>
        %add3A_276 = arith.constant 2 : i32
        %add3A_277 = vector.broadcast %add3A_276 : i32 to vector<16xi32>
        %add3A_278 = arith.addi %mul3A_275, %add3A_277 : vector<16xi32>
        %gather3A_279 = tpu.vector_load_idx %arg11[%add3A_278] : memref<80000xf32, #tpu.memory_space<vmem>>[vector<16xi32>], vector<16xf32>,
        %mul3A_280 = arith.constant 16 : i32
        %mul3A_281 = arith.muli %scan3A_234, %mul3A_280 : i32
        %add3A_282 = vector.broadcast %mul3A_281 : i32 to vector<16xi32>
        %add3A_283 = arith.addi %add3A_282, %iota3A : vector<16xi32>
        %mul3A_284 = arith.constant 4 : i32
        %mul3A_285 = vector.broadcast %mul3A_284 : i32 to vector<16xi32>
        %mul3A_286 = arith.muli %add3A_283, %mul3A_285 : vector<16xi32>
        %add3A_287 = arith.constant 2 : i32
        %add3A_288 = vector.broadcast %add3A_287 : i32 to vector<16xi32>
        %add3A_289 = arith.addi %mul3A_286, %add3A_288 : vector<16xi32>
        tpu.vector_store_idx %arg21[%add3A_289], %gather3A_279 : memref<1216xf32, #tpu.memory_space<vmem>>[vector<16xi32>], vector<16xf32>,
        %mul3A_290 = arith.constant 4 : i32
        %mul3A_291 = vector.broadcast %mul3A_290 : i32 to vector<16xi32>
        %mul3A_292 = arith.muli %get3A_239, %mul3A_291 : vector<16xi32>
        %add3A_293 = arith.constant 3 : i32
        %add3A_294 = vector.broadcast %add3A_293 : i32 to vector<16xi32>
        %add3A_295 = arith.addi %mul3A_292, %add3A_294 : vector<16xi32>
        %gather3A_296 = tpu.vector_load_idx %arg11[%add3A_295] : memref<80000xf32, #tpu.memory_space<vmem>>[vector<16xi32>], vector<16xf32>,
        %mul3A_297 = arith.constant 16 : i32
        %mul3A_298 = arith.muli %scan3A_234, %mul3A_297 : i32
        %add3A_299 = vector.broadcast %mul3A_298 : i32 to vector<16xi32>
        %add3A_300 = arith.addi %add3A_299, %iota3A : vector<16xi32>
        %mul3A_301 = arith.constant 4 : i32
        %mul3A_302 = vector.broadcast %mul3A_301 : i32 to vector<16xi32>
        %mul3A_303 = arith.muli %add3A_300, %mul3A_302 : vector<16xi32>
        %add3A_304 = arith.constant 3 : i32
        %add3A_305 = vector.broadcast %add3A_304 : i32 to vector<16xi32>
        %add3A_306 = arith.addi %mul3A_303, %add3A_305 : vector<16xi32>
        tpu.vector_store_idx %arg21[%add3A_306], %gather3A_296 : memref<1216xf32, #tpu.memory_space<vmem>>[vector<16xi32>], vector<16xf32>,
        %scan3A_307 = arith.constant 0 : i32
        scf.yield %scan3A_307 : i32
      }
      %scan3A_225 = arith.constant 19 : i32
      %mul3A_226 = arith.constant 304 : i32
      %mul3A_227 = arith.muli %add3A, %mul3A_226 : i32
      "tpu.region"() ({
        %run_scoped3A = tpu.sem_alloc : memref<!tpu.dma_semaphore, #tpu.memory_space<semaphore_mem>>
        %dma_start3A = tpu.memref_slice %arg8[%mul3A_227] : memref<2432xf32, #tpu.memory_space<hbm>> -> memref<304xf32, #tpu.memory_space<hbm>>
        %dma_start3A_234 = tpu.memref_slice %arg8[%mul3A_227] : memref<2432xf32, #tpu.memory_space<hbm>> -> memref<304xf32, #tpu.memory_space<hbm>>
        tpu.enqueue_dma source(%arg18 : memref<304xf32, #tpu.memory_space<vmem>>) target(%dma_start3A_234 : memref<304xf32, #tpu.memory_space<hbm>>) target_semaphore(%run_scoped3A : memref<!tpu.dma_semaphore, #tpu.memory_space<semaphore_mem>>)
        %dma_wait3A = tpu.memref_slice %arg8[%mul3A_227] : memref<2432xf32, #tpu.memory_space<hbm>> -> memref<304xf32, #tpu.memory_space<hbm>>
        %dma_wait3A_235 = tpu.memref_slice %arg8[%mul3A_227] : memref<2432xf32, #tpu.memory_space<hbm>> -> memref<304xf32, #tpu.memory_space<hbm>>
        tpu.wait_dma2 semaphore(%run_scoped3A : memref<!tpu.dma_semaphore, #tpu.memory_space<semaphore_mem>>) src(%arg18 : memref<304xf32, #tpu.memory_space<vmem>>) dst(%dma_wait3A_235 : memref<304xf32, #tpu.memory_space<hbm>>)
        tpu.yield
      }) : () -> ()
      %mul3A_228 = arith.constant 304 : i32
      %mul3A_229 = arith.muli %add3A, %mul3A_228 : i32
      "tpu.region"() ({
        %run_scoped3A = tpu.sem_alloc : memref<!tpu.dma_semaphore, #tpu.memory_space<semaphore_mem>>
        %dma_start3A = tpu.memref_slice %arg9[%mul3A_229] : memref<2432xi32, #tpu.memory_space<hbm>> -> memref<304xi32, #tpu.memory_space<hbm>>
        %dma_start3A_234 = tpu.memref_slice %arg9[%mul3A_229] : memref<2432xi32, #tpu.memory_space<hbm>> -> memref<304xi32, #tpu.memory_space<hbm>>
        tpu.enqueue_dma source(%arg19 : memref<304xi32, #tpu.memory_space<vmem>>) target(%dma_start3A_234 : memref<304xi32, #tpu.memory_space<hbm>>) target_semaphore(%run_scoped3A : memref<!tpu.dma_semaphore, #tpu.memory_space<semaphore_mem>>)
        %dma_wait3A = tpu.memref_slice %arg9[%mul3A_229] : memref<2432xi32, #tpu.memory_space<hbm>> -> memref<304xi32, #tpu.memory_space<hbm>>
        %dma_wait3A_235 = tpu.memref_slice %arg9[%mul3A_229] : memref<2432xi32, #tpu.memory_space<hbm>> -> memref<304xi32, #tpu.memory_space<hbm>>
        tpu.wait_dma2 semaphore(%run_scoped3A : memref<!tpu.dma_semaphore, #tpu.memory_space<semaphore_mem>>) src(%arg19 : memref<304xi32, #tpu.memory_space<vmem>>) dst(%dma_wait3A_235 : memref<304xi32, #tpu.memory_space<hbm>>)
        tpu.yield
      }) : () -> ()
      %mul3A_230 = arith.constant 304 : i32
      %mul3A_231 = arith.muli %add3A, %mul3A_230 : i32
      %mul3A_232 = arith.constant 4 : i32
      %mul3A_233 = arith.muli %mul3A_231, %mul3A_232 : i32
      "tpu.region"() ({
        %run_scoped3A = tpu.sem_alloc : memref<!tpu.dma_semaphore, #tpu.memory_space<semaphore_mem>>
        %dma_start3A = tpu.memref_slice %arg10[%mul3A_233] : memref<9728xf32, #tpu.memory_space<hbm>> -> memref<1216xf32, #tpu.memory_space<hbm>>
        %dma_start3A_234 = tpu.memref_slice %arg10[%mul3A_233] : memref<9728xf32, #tpu.memory_space<hbm>> -> memref<1216xf32, #tpu.memory_space<hbm>>
        tpu.enqueue_dma source(%arg21 : memref<1216xf32, #tpu.memory_space<vmem>>) target(%dma_start3A_234 : memref<1216xf32, #tpu.memory_space<hbm>>) target_semaphore(%run_scoped3A : memref<!tpu.dma_semaphore, #tpu.memory_space<semaphore_mem>>)
        %dma_wait3A = tpu.memref_slice %arg10[%mul3A_233] : memref<9728xf32, #tpu.memory_space<hbm>> -> memref<1216xf32, #tpu.memory_space<hbm>>
        %dma_wait3A_235 = tpu.memref_slice %arg10[%mul3A_233] : memref<9728xf32, #tpu.memory_space<hbm>> -> memref<1216xf32, #tpu.memory_space<hbm>>
        tpu.wait_dma2 semaphore(%run_scoped3A : memref<!tpu.dma_semaphore, #tpu.memory_space<semaphore_mem>>) src(%arg21 : memref<1216xf32, #tpu.memory_space<vmem>>) dst(%dma_wait3A_235 : memref<1216xf32, #tpu.memory_space<hbm>>)
        tpu.yield
      }) : () -> ()
    } else {
    }
    return
  }
}

module attributes {stable_mosaic.version = 14 : i64} {
  func.func @_sigmoid_body(%arg0: i32, %arg1: memref<10000x128xf32, #tpu.memory_space<vmem>>, %arg2: memref<10000x128xf32, #tpu.memory_space<vmem>>) attributes {dimension_semantics = [#tpu.dimension_semantics<arbitrary>], iteration_bounds = array<i64: 10>, scalar_prefetch = 0 : i64, scratch_operands = 0 : i64, tpu.core_type = #tpu.core_type<tc>, window_params = [{transform_indices = @transform_0, window_bounds = array<i64: 10000, 128>}, {transform_indices = @transform_1, window_bounds = array<i64: 10000, 128>}]} {
    %get3A = arith.constant 0 : index
    %get3A_0 = arith.constant 0 : index
    %get3A_1 = vector.load %arg1[%get3A, %get3A_0] : memref<10000x128xf32, #tpu.memory_space<vmem>>, vector<10000x128xf32>
    %logistic3A = arith.negf %get3A_1 : vector<10000x128xf32>
    %logistic3A_2 = math.exp %logistic3A : vector<10000x128xf32>
    %logistic3A_3 = arith.constant 1.000000e+00 : f32
    %logistic3A_4 = vector.broadcast %logistic3A_3 : f32 to vector<10000x128xf32>
    %logistic3A_5 = arith.addf %logistic3A_4, %logistic3A_2 : vector<10000x128xf32>
    %logistic3A_6 = arith.divf %logistic3A_4, %logistic3A_5 : vector<10000x128xf32>
    %swap3A = arith.constant 0 : index
    %swap3A_7 = arith.constant 0 : index
    %swap3A_8 = vector.load %arg2[%swap3A, %swap3A_7] : memref<10000x128xf32, #tpu.memory_space<vmem>>, vector<10000x128xf32>
    tpu.vector_store %arg2[%swap3A, %swap3A_7], %logistic3A_6 {strides = array<i32>} : memref<10000x128xf32, #tpu.memory_space<vmem>>, vector<10000x128xf32>,
    return
  }
  func.func @transform_0(%arg0: i32) -> (i32, i32) {
    %c0_i32 = arith.constant 0 : i32
    %c0_i32_0 = arith.constant 0 : i32
    return %arg0, %c0_i32 : i32, i32
  }
  func.func @transform_1(%arg0: i32) -> (i32, i32) {
    %c0_i32 = arith.constant 0 : i32
    %c0_i32_0 = arith.constant 0 : i32
    return %arg0, %c0_i32 : i32, i32
  }
}

</mosaic_0001>

<sc_bundles>
// kernel: kernel.11.cloned.1.call-start
scs
__scs_entry_jumppad:
0x0: {  	(pc) =	sbr.rel $0x88, $3  }
0x1: {  	(tag) =	ssettag $0x0;
	lr =	simm.s32 $0x1  }
0x2: {  	[smem:$0x3F9F] =	sst lr;
	_ =	strace $0xD0000000  }
0x3: {  	_ = 	snop  }
0x4: {  	_ = 	snop  }
0x5: {  	_ = 	snop  }
0x6: {  	_ = 	snop  }
0x7: {  	_ = 	snop  }
__scs_overlays_trampoline_lowered:
0x8: {  	[smem:$0x3FAE] =	sst s0  }
0x9: {  	[smem:$0x3FAF] =	sst s1  }
0xa: {  	[smem:$0x3FB0] =	sst s2  }
0xb: {  	[smem:$0x3FB1] =	sst s3  }
0xc: {  	[smem:$0x3FB2] =	sst s4  }
0xd: {  	[smem:$0x3FB3] =	sst s5  }
0xe: {  	[smem:$0x3FB4] =	sst s6  }
0xf: {  	[smem:$0x3FB5] =	sst s7  }
0x10: {  	[smem:$0x3FB6] =	sst s8  }
0x11: {  	[smem:$0x3FB7] =	sst s9;
	s0 =	simm.s32 @!p0 $0x0  }
0x12: {  	s1 =	sld [smem:$0x3F9D];
	s0 =	simm.s32 @p0 $0x1  }
0x13: {  	[smem:$0x3FB8] =	sst s0;
	s0 =	simm.s32 @!p1 $0x0  }
0x14: {  	s2 =	sld [smem:$0x3F9C];
	s0 =	simm.s32 @p1 $0x1  }
0x15: {  	[smem:$0x3FB9] =	sst s0;
	s0 =	simm.s32 @!p2 $0x0  }
0x16: {  	s3 =	sld [smem:$0x3FDB];
	s0 =	simm.s32 @p2 $0x1  }
0x17: {  	s4 =	simm.s32 $0x1BF5;
	[smem:$0x3FBB] =	sst s0  }
0x18: {  	s0 =	sld [smem:$0x3F9E];
	_ =	swait.ge [sflag:s4], $0x0  }
0x19: {  	s7 =	sld [smem:$0x3F9F]  }
0x1a: {  	s8 =	sadd.s32 $0xFFFFE003, lr  }
0x1b: {  	s9 =	sadd.s32 $0xFFFFFEF7, lr;
	s5 =	simm.s32 $0xFFFFFFFF;
	p2 =	slt.u32 s8, $0xFFFFF086  }
0x1c: {  	p1 =	slt.u32 s9, $0xF7A;
	s5 =	simm.s32 @!p2 $0x0  }
0x1d: {  	s5 =	simm.s32 @p1 $0x1;
	p0 =	seq.s32 s7, s2  }
0x1e: {  	s7 =	smul.u32 @!p0 $0xF7A, s2;
	p2 =	seq.s32 @!p0 s5, $0x0  }
0x1f: {  	s9 =	smul.u32 $0xF7A, s1;
	s8 =	simm.s32 @!p0 $0x1BF5;
	p2 =	por !p2, p0  }
0x20: {  	[sflag:s8] =	ssyncset.s32 @!p0 $0xFFFFF086;
	s6 =	sadd.s32 @!p0 s3, s7;
	s7 =	simm.s32 @!p0 $0x108  }
0x21: {  	s3 =	sadd.s32 s3, s9;
	s6 =	sadd.s32 @!p0 $0x88, s6;
	s7 =	simm.s32 @p2 $0x1082  }
0x22: {  	[simem:s7], [sflag:s8] =	dma.local @!p0 [hbm:s6], $0xF7A  }
0x23: {  	s9 =	sor.u32 $0xD0000000, s2;
	s6 =	simm.s32 $0x108;
	_ =	swait.ge @!p0 [sflag:s8], $0x0  }
0x24: {  	s3 =	sadd.s32 $0x88, s3;
	s6 =	simm.s32 @!p1 $0x1082;
	[sflag:s4] =	ssyncset.s32 $0xFFFFF086  }
0x25: {  	[simem:s6], [sflag:s4] =	dma.local [hbm:s3], $0xF7A  }
0x26: {  	[smem:$0x3F9F] =	sst s1;
	(tag) =	ssettag s2;
	_ =	strace s9  }
0x27: {  	s1 =	sld [smem:$0x3FAF]  }
0x28: {  	s2 =	sld [smem:$0x3FB0]  }
0x29: {  	s4 =	sld [smem:$0x3FB2]  }
0x2a: {  	p0 =	seq.s32 s5, $0x0;
	s5 =	sld [smem:$0x3FB3]  }
0x2b: {  	s6 =	sld [smem:$0x3FB4]  }
0x2c: {  	s7 =	sld [smem:$0x3FB5]  }
0x2d: {  	s3 =	simm.s32 $0x108;
	s8 =	sld [smem:$0x3FB6]  }
0x2e: {  	s3 =	simm.s32 @!p0 $0x1082;
	s9 =	sld [smem:$0x3FB7]  }
0x2f: {  	lr =	sadd.s32 s0, s3;
	s0 =	sld [smem:$0x3FAE]  }
0x30: {  	s3 =	sld [smem:$0x3FB1]  }
0x31: {  	[smem:$0x3FBA] =	sst s10  }
0x32: {  	s10 =	sld [smem:$0x3FB8];
	_ =	sdelay $0x3  }
0x33: {  	p0 =	seq.s32 s10, $0x1;
	s10 =	sld [smem:$0x3FBA];
	_ =	sdelay $0x3  }
0x34: {  	[smem:$0x3FBA] =	sst s10  }
0x35: {  	s10 =	sld [smem:$0x3FB9];
	_ =	sdelay $0x3  }
0x36: {  	p1 =	seq.s32 s10, $0x1;
	s10 =	sld [smem:$0x3FBA];
	_ =	sdelay $0x3  }
0x37: {  	[smem:$0x3FBA] =	sst s10  }
0x38: {  	s10 =	sld [smem:$0x3FBB]  }
0x39: {  	_ = 	snop;
	(pc) =	sbr.ind lr, $3  }
0x3a: {  	_ = 	snop  }
0x3b: {  	_ = 	snop  }
0x3c: {  	p2 =	seq.s32 s10, $0x1;
	s10 =	sld [smem:$0x3FBA]  }
0x3d: {  	_ =	shalt  }
0x3e: {  	_ =	shalt  }
0x3f: {  	_ =	shalt  }
0x40: {  	_ =	shalt  }
0x41: {  	_ =	shalt  }
0x42: {  	_ =	shalt  }
0x43: {  	_ =	shalt  }
0x44: {  	_ =	shalt  }
0x45: {  	_ =	shalt  }
0x46: {  	_ =	shalt  }
0x47: {  	_ =	shalt  }
0x48: {  	_ =	shalt  }
0x49: {  	_ =	shalt  }
0x4a: {  	_ =	shalt  }
0x4b: {  	_ =	shalt  }
0x4c: {  	_ =	shalt  }
0x4d: {  	_ =	shalt  }
0x4e: {  	_ =	shalt  }
0x4f: {  	_ =	shalt  }
0x50: {  	_ =	shalt  }
0x51: {  	_ =	shalt  }
0x52: {  	_ =	shalt  }
0x53: {  	_ =	shalt  }
0x54: {  	_ =	shalt  }
0x55: {  	_ =	shalt  }
0x56: {  	_ =	shalt  }
0x57: {  	_ =	shalt  }
0x58: {  	_ =	shalt  }
0x59: {  	_ =	shalt  }
0x5a: {  	_ =	shalt  }
0x5b: {  	_ =	shalt  }
0x5c: {  	_ =	shalt  }
0x5d: {  	_ =	shalt  }
0x5e: {  	_ =	shalt  }
0x5f: {  	_ =	shalt  }
0x60: {  	_ =	shalt  }
0x61: {  	_ =	shalt  }
0x62: {  	_ =	shalt  }
0x63: {  	_ =	shalt  }
0x64: {  	_ =	shalt  }
0x65: {  	_ =	shalt  }
0x66: {  	_ =	shalt  }
0x67: {  	_ =	shalt  }
0x68: {  	_ =	shalt  }
0x69: {  	_ =	shalt  }
0x6a: {  	_ =	shalt  }
0x6b: {  	_ =	shalt  }
0x6c: {  	_ =	shalt  }
0x6d: {  	_ =	shalt  }
0x6e: {  	_ =	shalt  }
0x6f: {  	_ =	shalt  }
0x70: {  	_ =	shalt  }
0x71: {  	_ =	shalt  }
0x72: {  	_ =	shalt  }
0x73: {  	_ =	shalt  }
0x74: {  	_ =	shalt  }
0x75: {  	_ =	shalt  }
0x76: {  	_ =	shalt  }
0x77: {  	_ =	shalt  }
0x78: {  	_ =	shalt  }
0x79: {  	_ =	shalt  }
0x7a: {  	_ =	shalt  }
0x7b: {  	_ =	shalt  }
0x7c: {  	_ =	shalt  }
0x7d: {  	_ =	shalt  }
0x7e: {  	_ =	shalt  }
0x7f: {  	_ =	shalt  }
0x80: {  	_ =	shalt  }
0x81: {  	_ =	shalt  }
0x82: {  	_ =	shalt  }
0x83: {  	_ =	shalt  }
0x84: {  	_ =	shalt  }
0x85: {  	_ =	shalt  }
0x86: {  	_ =	shalt  }
0x87: {  	_ =	shalt  }
.Lfunc_end0:
.L_simem_size_0:
called_computation.1_lowered:
.L_overlay_start_0:
0x88: {  	s2 =	sld [smem:$0x3FD9]  }
0x89: {  	s3 =	sld [smem:$0x3FFE];
	_ =	sdelay $0x1  }
0x8a: {  	s1 =	srdreg.scid  }
0x8b: {  	s0 =	sand.u32 $0x1, s1  }
0x8c: {  	s14 =	sshll.u32 s0, $0xA;
	s2 =	sadd.s32 s3, s2  }
0x8d: {  	s2 =	sadd.s32 s2, s14  }
0x8e: {  	[smem:$0x3FC6] =	sst s2  }
0x8f: {  	_ = 	snop  }
0x90: {  	s2 =	sld [smem:$0x3FD0];
	_ =	sdelay $0x2  }
0x91: {  	s15 =	simm.s32 $0xA;
	s4 =	simm.s32 $0x10  }
0x92: {  	[smem:s4], [sflag:s15] =	dma.local [hbm:s2], $0x1  }
0x93: {  	_ =	swait.eq [sflag:s15], $0x1  }
0x94: {  	[sflag:s15] =	ssyncset.done $0x0  }
0x95: {  	[sflag:s15] =	ssyncadd.s32 $0xFFFFFFFF  }
0x96: {  	s16 =	sld [smem:$0x11];
	(tm) =	ssettm $0x1  }
0x97: {  	s17 =	sld [smem:$0x3FFB];
	_ =	sdelay $0x3  }
0x98: {  	_ =	strace s17  }
0x99: {  	s3 =	sld [smem:$0x3FFC];
	_ =	sdelay $0x3  }
0x9a: {  	_ =	strace s3  }
0x9b: {  	s3 =	sld [smem:$0x3FFD];
	_ =	sdelay $0x3  }
0x9c: {  	_ =	strace s3  }
0x9d: {  	_ =	strace $0x8FFFFFFF  }
0x9e: {  	s18 =	sld [smem:$0x3FDB];
	_ =	sdelay $0x1  }
0x9f: {  	s19 =	simm.s32 $_scs_section_size  }
0xa0: {  	s5 =	simm.s32 $_size__tile_overlayer_lowered;
	s6 =	simm.s32 $_tile_overlayer_lowered  }
0xa1: {  	s22 =	simm.s32 $0x1BFF;
	s21 =	sshll.u32 s6, $0x1;
	s3 =	sadd.s32 s19, s18  }
0xa2: {  	s7 =	simm.s32 $0x0;
	s20 =	sshll.u32 s5, $0x1;
	s5 =	sadd.s32 s21, s3  }
0xa3: {  	[timem:s7], [sflag:s22] =	dma.local [hbm:s5], s20  }
0xa4: {  	_ =	swait.ge [sflag:s22], s20  }
0xa5: {  	s4 =	ssub.s32 $0x0, s20;
	[sflag:s22] =	ssyncset.done $0x0  }
0xa6: {  	[sflag:s22] =	ssyncadd.s32 s4;
	_ =	sdelay $0x1  }
0xa7: {  	s23 =	simm.s32 $0x1B8B  }
0xa8: {  	_ =	swait.ge [sflag:s23], $0x1  }
0xa9: {  	[sflag:s23] =	ssyncset.done $0x0  }
0xaa: {  	s25 =	simm.s32 $0x1B8E;
	s24 =	sld [smem:$0x3FFE];
	[sflag:s23] =	ssyncadd.s32 $0xFFFFFFFF  }
0xab: {  	s26 =	simm.s32 $execute0_lowered;
	[smem:$0x3FD2] =	sst s25  }
0xac: {  	s5 =	sshll.u32 s26, $0x1;
	_ =	strace $0x80000049;
	[dreg:$0x1] =	wrdreg $0xFFFFFFFF  }
0xad: {  	s28 =	simm.s32 $_size_execute0_lowered;
	s3 =	sadd.s32 s3, s5;
	[dreg:$0x0] =	wrdreg $0x0  }
0xae: {  	s5 =	sshll.u32 s28, $0x1;
	[dreg:$0x2] =	wrdreg s3  }
0xaf: {  	[dreg:$0x3] =	wrdreg s5  }
0xb0: {  	[dreg:$0x4] =	wrdreg $0xC0  }
0xb1: {  	_ =	task [dreg:s7], $0x5FFFF  }
0xb2: {  	[dreg:$0x1] =	wrdreg $0xFFFFFFFF  }
0xb3: {  	[dreg:$0x0] =	wrdreg $0x60  }
0xb4: {  	[dreg:$0x2] =	wrdreg s24  }
0xb5: {  	[dreg:$0x3] =	wrdreg s16  }
0xb6: {  	[dreg:$0x4] =	wrdreg $0x9  }
0xb7: {  	_ =	task.clear_ibuf [dreg:s7], $0x5FFFF;
	_ =	strace $0x90000049  }
0xb8: {  	s29 =	simm.s32 $0x9;
	_ =	strace $0x8000004B  }
0xb9: {  	_ =	swait.ge [sflag:s29], $0x1  }
0xba: {  	[sflag:s29] =	ssyncadd.s32 $0xFFFFFFFF  }
0xbb: {  	_ =	strace $0x9000004B  }
0xbc: {  	_ =	sfence  }
0xbd: {  	s30 =	sld [smem:$0x0];
	_ =	sdelay $0x2  }
0xbe: {  	s31 =	sshll.u32 s1, $0xD;
	s1 =	sshrl.u32 s1, $0x2  }
0xbf: {  	s3 =	sand.u32 $0x4000, s31;
	s1 =	sadd.s32 s1, s30  }
0xc0: {  	s0 =	sor.u32 s3, s0;
	s1 =	sshll.u32 s1, $0x11  }
0xc1: {  	s0 =	sor.u32 s1, s0  }
0xc2: {  	s0 =	sadd.s32 $0x8F2B, s0  }
0xc3: {  	[sflag:s0] =	ssyncadd.remote.s32 $0x1  }
0xc4: {  	_ =	sfence.sel $0xFFFF  }
0xc5: {  	[dreg:$0x0] =	wrdreg $0xFFFFFFFF;
	(pc) =	sbr.abs _section_cstart, $3  }
0xc6: {  	[dreg:$0x1] =	wrdreg $0xFFFFFFFF  }
0xc7: {  	_ =	task.clear_ibuf [dreg:s7], $0x2FFFF;
	_ =	strace $0x9FFFFFFF  }
0xc8: {  	(tm) =	ssettm $0x7FFFFFFF  }
0xc9: {  	_ =	shalt  }
tec
execute0_lowered:
.L_overlay_start_1:
0x0: {  	(tag) =	ssettag $0x1  }
0x1: {  	s2 =	rddreg [dreg:$0x0]  }
0x2: {  	s5 =	rddreg [dreg:$0x1]  }
0x3: {  	s0 =	rddreg [dreg:$0x2]  }
0x4: {  	s4 =	srdreg.scid;
	s1 =	stileid.u32  }
0x5: {  	s3 =	simm.s32 $0x0;
	s10 =	simm.s32 $0x4E80;
	s11 =	simm.s32 $0xCE80  }
0x6: {  	s12 =	simm.s32 $0x0;
	s4 =	sand.u32 $0x1, s4;
	s6 =	sshll.u32 s1, $0x1  }
0x7: {  	[smem:$0x7FF] =	sst s3;
	s6 =	sor.u32 s4, s6;
	s4 =	ssub.s32 $0x2, s4  }
0x8: {  	_ =	strace $0x8000004A;
	s7 =	sshll.u32 s6, $0x8;
	s8 =	sshrl.u32 s4, $0x1  }
0x9: {  	s9 =	sshll.u32 s6, $0x1;
	s7 =	sadd.s32 s7, s2;
	s8 =	ssub.s32 s4, s8  }
0xa: {  	v1 =	vlaneseq.u32;
	s4 =	smul.u32 $0x61A80, s6;
	s5 =	sadd.s32 s5, s9;
	s9 =	simm.s32 $0x1  }
0xb: {  	v0 =	vimm.s32 $0x0;
	v2 =	vimm.s32 $0x1;
	v1 =	vmul.u32 $0x800, v1;
	s6 =	sadd.s32 $0x186A00, s7;
	s7 =	smax.u32 s8, $0x1;
	s8 =	simm.s32 $0xD680  }
.LBB2_1:
0xc: {  	s13 =	simm.s32 $0x40;
	s14 =	simm.s32 $0x0  }
.LBB2_2:
0xd: {  	p0 =	sne.s32 s13, $0x1FFC0;
	[tilespmem:s14+$0x4E80] =	vst v0;
	s14 =	smov.u32 s13;
	s13 =	sadd.s32 $0x40, s13  }
.Ltmp0:
0xe: {  	(pc) =	sbr.rel @p0 .LBB2_2-.Ltmp0, $2  }
0xf: {  	_ =	sdelay $0x2  }
0x10: {  	s14 =	sshra.s32 s14, $0x2  }
0x11: {  	[tilespmem:s14+$0x4E80] =	vst v0;
	s13 =	simm.s32 $0x0  }
0x12: {  	[tilespmem:s8], [sflag:$0x1] =	stream.linear.gather [hbm4b:s5+s13], $0x10, $0x38;
	[tilespmem:$0xD700] =	vst v63  }
0x13: {  	_ =	swait.ge [sflag:s9], $0x10  }
0x14: {  	[sflag:s9] =	ssyncset.done $0x0  }
0x15: {  	[sflag:s9] =	ssyncadd.s32 $0xFFFFFFF0  }
0x16: {  	s14 =	simm.s32 $0x0;
	v3 =	vld [tilespmem:$0xD680]  }
.LBB2_4:
0x17: {  	s15 =	smul.u32 $0x4E20, s14;
	_ =	sdelay $0x1  }
0x18: {  	s15 =	sadd.s32 s4, s15  }
0x19: {  	s15 =	sshrl.u32 s15, $0x3  }
0x1a: {  	s15 =	sadd.s32 s2, s15  }
0x1b: {  	[tilespmem:s13], [sflag:$0x1] =	stream.linear.gather [hbm4b:s15+s13], $0x4E20, $0x38;
	[tilespmem:$0xD700] =	vst v63  }
0x1c: {  	_ =	swait.ge [sflag:s9], $0x4E20  }
0x1d: {  	[sflag:s9] =	ssyncset.done $0x0  }
0x1e: {  	s16 =	simm.s32 $0x0;
	s15 =	simm.s32 $0x40;
	[sflag:s9] =	ssyncadd.s32 $0xFFFFB1E0  }
.LBB2_5:
0x1f: {  	p0 =	sne.s32 s15, $0x13840;
	v4 =	vld [tilespmem:s16+$0x0];
	_ =	sdelay $0x4  }
0x20: {  	v5 =	vshrl.u32 v4, $0xA;
	v4 =	vshrl.u32 v4, $0x15  }
0x21: {  	vm0 =	veq.s32 v4, v3;
	v4 =	vand.u32 $0x7FF, v5  }
0x22: {  	v4 =	vor.u32 v1, v4  }
.Ltmp1:
0x23: {  	(pc) =	sbr.rel @p0 .LBB2_5-.Ltmp1, $2  }
0x24: {  	_ =	sdelay $0x2  }
0x25: {  	s16 =	sshra.s32 s15, $0x2;
	s15 =	sadd.s32 $0x40, s15;
	[tilespmem:v4+s10+$0x0] =	vst.idx.add.s32.msk vm0, v2  }
0x26: {  	v4 =	vld [tilespmem:s16+$0x0];
	_ =	sdelay $0x4  }
0x27: {  	v5 =	vshrl.u32 v4, $0xA;
	v4 =	vshrl.u32 v4, $0x15  }
0x28: {  	s14 =	sadd.s32 $0x1, s14;
	vm0 =	veq.s32 v4, v3;
	v4 =	vand.u32 $0x7FF, v5  }
0x29: {  	p0 =	sne.s32 s14, $0x14;
	v4 =	vor.u32 v1, v4  }
.Ltmp2:
0x2a: {  	_ = 	snop;
	(pc) =	sbr.rel @p0 .LBB2_4-.Ltmp2, $2  }
0x2b: {  	_ =	sdelay $0x2  }
0x2c: {  	[tilespmem:v4+s10+$0x0] =	vst.idx.add.s32.msk vm0, v2  }
0x2d: {  	s13 =	simm.s32 $0x0;
	s14 =	simm.s32 $0x4E80  }
0x2e: {  	s13 =	sand.u32 $0x7F0, s13;
	v4 =	vld [tilespmem:s14+$0x0]  }
0x2f: {  	v3 =	vld [tilespmem:s13+$0x5680]  }
0x30: {  	v5 =	vld [tilespmem:s13+$0x5E80]  }
0x31: {  	v6 =	vld [tilespmem:s13+$0x6680]  }
0x32: {  	v7 =	vld [tilespmem:s13+$0x6E80]  }
0x33: {  	v8 =	vld [tilespmem:s13+$0x7680]  }
0x34: {  	v3 =	vadd.s32 v4, v3;
	v4 =	vld [tilespmem:s13+$0x7E80]  }
0x35: {  	v3 =	vadd.s32 v5, v3;
	v5 =	vld [tilespmem:s13+$0x8680]  }
0x36: {  	v58 =	vld [tilespmem:s13+$0x8E80];
	v3 =	vadd.s32 v6, v3  }
0x37: {  	v59 =	vld [tilespmem:s13+$0x9680];
	v3 =	vadd.s32 v7, v3  }
0x38: {  	v60 =	vld [tilespmem:s13+$0x9E80];
	v3 =	vadd.s32 v8, v3  }
0x39: {  	v3 =	vadd.s32 v4, v3;
	v4 =	vld [tilespmem:s13+$0xA680]  }
0x3a: {  	v3 =	vadd.s32 v5, v3;
	v5 =	vld [tilespmem:s13+$0xAE80]  }
0x3b: {  	v61 =	vld [tilespmem:s13+$0xB680];
	v3 =	vadd.s32 v58, v3  }
0x3c: {  	v62 =	vld [tilespmem:s13+$0xBE80];
	v3 =	vadd.s32 v59, v3  }
0x3d: {  	v63 =	vld [tilespmem:s13+$0xC680];
	v3 =	vadd.s32 v60, v3  }
0x3e: {  	v3 =	vadd.s32 v4, v3  }
0x3f: {  	v3 =	vadd.s32 v5, v3  }
0x40: {  	v3 =	vadd.s32 v61, v3  }
0x41: {  	v3 =	vadd.s32 v62, v3  }
0x42: {  	s31 =	simm.s32 $0x10;
	s13 =	simm.s32 $0xCE80;
	v3 =	vadd.s32 v63, v3  }
0x43: {  	s14 =	sand.u32 $0x7F0, s31;
	[tilespmem:s13+$0x0] =	vst v3  }
0x44: {  	s16 =	simm.s32 $0x20;
	s15 =	simm.s32 $0x4E90;
	v3 =	vld [tilespmem:s14+$0x5680]  }
.LBB2_8:
0x45: {  	p0 =	sne.s32 s16, $0x7F0;
	v4 =	vld [tilespmem:s15+$0x0]  }
0x46: {  	v5 =	vld [tilespmem:s14+$0x5E80]  }
0x47: {  	v6 =	vld [tilespmem:s14+$0x6680]  }
0x48: {  	v7 =	vld [tilespmem:s14+$0x6E80]  }
0x49: {  	v8 =	vld [tilespmem:s14+$0x7680]  }
0x4a: {  	v3 =	vadd.s32 v4, v3;
	v4 =	vld [tilespmem:s14+$0x7E80]  }
0x4b: {  	v3 =	vadd.s32 v5, v3;
	v5 =	vld [tilespmem:s14+$0x8680]  }
0x4c: {  	v3 =	vadd.s32 v6, v3;
	v6 =	vld [tilespmem:s14+$0x8E80]  }
0x4d: {  	v3 =	vadd.s32 v7, v3;
	v7 =	vld [tilespmem:s14+$0x9680]  }
0x4e: {  	v3 =	vadd.s32 v8, v3;
	v8 =	vld [tilespmem:s14+$0x9E80]  }
0x4f: {  	v3 =	vadd.s32 v4, v3;
	v4 =	vld [tilespmem:s14+$0xA680]  }
0x50: {  	v3 =	vadd.s32 v5, v3;
	v5 =	vld [tilespmem:s14+$0xAE80]  }
0x51: {  	v3 =	vadd.s32 v6, v3;
	v6 =	vld [tilespmem:s14+$0xB680]  }
0x52: {  	v3 =	vadd.s32 v7, v3;
	v7 =	vld [tilespmem:s14+$0xBE80]  }
0x53: {  	v3 =	vadd.s32 v8, v3;
	v8 =	vld [tilespmem:s14+$0xC680]  }
0x54: {  	v3 =	vadd.s32 v4, v3  }
0x55: {  	v3 =	vadd.s32 v5, v3  }
.Ltmp3:
0x56: {  	v3 =	vadd.s32 v6, v3;
	(pc) =	sbr.rel @p0 .LBB2_8-.Ltmp3, $4  }
0x57: {  	v3 =	vadd.s32 v7, v3  }
0x58: {  	s13 =	sadd.s32 $0x10, s13;
	v3 =	vadd.s32 v8, v3  }
0x59: {  	s14 =	sand.u32 $0x7F0, s16;
	[tilespmem:s13+$0x0] =	vst v3  }
0x5a: {  	s15 =	sadd.s32 $0x10, s15;
	s16 =	sadd.s32 $0x10, s16;
	v3 =	vld [tilespmem:s14+$0x5680]  }
0x5b: {  	v4 =	vld [tilespmem:s15+$0x0]  }
0x5c: {  	v5 =	vld [tilespmem:s14+$0x5E80]  }
0x5d: {  	v6 =	vld [tilespmem:s14+$0x6680]  }
0x5e: {  	v7 =	vld [tilespmem:s14+$0x6E80]  }
0x5f: {  	v8 =	vld [tilespmem:s14+$0x7680]  }
0x60: {  	v54 =	vld [tilespmem:s14+$0x7E80];
	v3 =	vadd.s32 v4, v3  }
0x61: {  	v55 =	vld [tilespmem:s14+$0x8680];
	v3 =	vadd.s32 v5, v3  }
0x62: {  	v56 =	vld [tilespmem:s14+$0x8E80];
	v3 =	vadd.s32 v6, v3  }
0x63: {  	v57 =	vld [tilespmem:s14+$0x9680];
	v3 =	vadd.s32 v7, v3  }
0x64: {  	v58 =	vld [tilespmem:s14+$0x9E80];
	v3 =	vadd.s32 v8, v3  }
0x65: {  	v59 =	vld [tilespmem:s14+$0xA680];
	v3 =	vadd.s32 v54, v3  }
0x66: {  	v60 =	vld [tilespmem:s14+$0xAE80];
	v3 =	vadd.s32 v55, v3  }
0x67: {  	v61 =	vld [tilespmem:s14+$0xB680];
	v3 =	vadd.s32 v56, v3  }
0x68: {  	v62 =	vld [tilespmem:s14+$0xBE80];
	v3 =	vadd.s32 v57, v3  }
0x69: {  	v63 =	vld [tilespmem:s14+$0xC680];
	v3 =	vadd.s32 v58, v3  }
0x6a: {  	v3 =	vadd.s32 v59, v3  }
0x6b: {  	v3 =	vadd.s32 v60, v3  }
0x6c: {  	v3 =	vadd.s32 v61, v3  }
0x6d: {  	s12 =	sadd.s32 $0x1, s12;
	v3 =	vadd.s32 v62, v3  }
0x6e: {  	s13 =	sadd.s32 $0x10, s13;
	p0 =	sne.s32 s12, s7;
	v3 =	vadd.s32 v63, v3  }
.Ltmp4:
0x6f: {  	[tilespmem:s13+$0x0] =	vst v3;
	(pc) =	sbr.rel @p0 .LBB2_1-.Ltmp4, $4  }
0x70: {  	[hbm4b:s6+s3] =	stream.linear.scatter [tilespmem:s11], [sflag:$0x1], $0x800, $0x38;
	[tilespmem:$0xD700] =	vst v63  }
0x71: {  	_ =	swait.ge [sflag:s9], $0x800  }
0x72: {  	[sflag:s9] =	ssyncset.done $0x0  }
0x73: {  	[sflag:s9] =	ssyncadd.s32 $0xFFFFF800  }
0x74: {  	_ =	sfence.sel $0x180000  }
0x75: {  	[bflag:$0x0] =	sbarrier.arrive $0xFFFF  }
0x76: {  	p0 =	sne.s32 s1, $0x0;
	_ =	strace $0x9000004A  }
0x77: {  	s0 =	sadd.s32 @!p0 $0x100000, s0;
	[bflag:$0x2] =	sbarrier.arrive $0xFFFF  }
0x78: {  	[sflag:s0] =	ssyncadd.tile.s32 @!p0 $0x1;
	_ =	shalt  }
.Lfunc_end2:
_tile_overlayer_lowered:
.L_overlay_start_2:
0x79: {  	(tag) =	ssettag $0x2  }
0x7a: {  	s0 =	rddreg [dreg:$0x0];
	s2 =	stileid.u32  }
0x7b: {  	s1 =	rddreg [dreg:$0x1];
	p0 =	sne.s32 s2, $0x0  }
0x7c: {  	s3 =	rddreg [dreg:$0x2];
	[bflag:$0x3] =	sbarrier.arrive $0xFFFF;
	s2 =	simm.s32 @!p0 $0x1C01  }
0x7d: {  	[timem:s3], [sflag:s2] =	dma.local @!p0 [hbm:s0], s1  }
0x7e: {  	s0 =	simm.s32 @!p0 $0x1  }
0x7f: {  	_ =	swait.ge @!p0 [sflag:s0], s1  }
0x80: {  	s1 =	ssub.s32 @!p0 $0x0, s1;
	[sflag:s0] =	ssyncset.done @!p0 $0x0  }
0x81: {  	[sflag:s0] =	ssyncadd.s32 @!p0 s1  }
0x82: {  	[bflag:$0x3] =	sbarrier.arrive $0xFFFF  }
0x83: {  	_ =	shalt  }

// kernel: kernel.14.cloned.1.call-start
scs
__scs_entry_jumppad:
0x0: {  	(pc) =	sbr.rel $0x88, $3  }
0x1: {  	(tag) =	ssettag $0x0;
	lr =	simm.s32 $0x1  }
0x2: {  	[smem:$0x3F9F] =	sst lr;
	_ =	strace $0xD0000000  }
0x3: {  	_ = 	snop  }
0x4: {  	_ = 	snop  }
0x5: {  	_ = 	snop  }
0x6: {  	_ = 	snop  }
0x7: {  	_ = 	snop  }
__scs_overlays_trampoline_lowered:
0x8: {  	[smem:$0x3FAE] =	sst s0  }
0x9: {  	[smem:$0x3FAF] =	sst s1  }
0xa: {  	[smem:$0x3FB0] =	sst s2  }
0xb: {  	[smem:$0x3FB1] =	sst s3  }
0xc: {  	[smem:$0x3FB2] =	sst s4  }
0xd: {  	[smem:$0x3FB3] =	sst s5  }
0xe: {  	[smem:$0x3FB4] =	sst s6  }
0xf: {  	[smem:$0x3FB5] =	sst s7  }
0x10: {  	[smem:$0x3FB6] =	sst s8  }
0x11: {  	[smem:$0x3FB7] =	sst s9;
	s0 =	simm.s32 @!p0 $0x0  }
0x12: {  	s1 =	sld [smem:$0x3F9D];
	s0 =	simm.s32 @p0 $0x1  }
0x13: {  	[smem:$0x3FB8] =	sst s0;
	s0 =	simm.s32 @!p1 $0x0  }
0x14: {  	s2 =	sld [smem:$0x3F9C];
	s0 =	simm.s32 @p1 $0x1  }
0x15: {  	[smem:$0x3FB9] =	sst s0;
	s0 =	simm.s32 @!p2 $0x0  }
0x16: {  	s3 =	sld [smem:$0x3FDB];
	s0 =	simm.s32 @p2 $0x1  }
0x17: {  	s4 =	simm.s32 $0x1BF5;
	[smem:$0x3FBB] =	sst s0  }
0x18: {  	s0 =	sld [smem:$0x3F9E];
	_ =	swait.ge [sflag:s4], $0x0  }
0x19: {  	s7 =	sld [smem:$0x3F9F]  }
0x1a: {  	s8 =	sadd.s32 $0xFFFFE003, lr  }
0x1b: {  	s9 =	sadd.s32 $0xFFFFFEF7, lr;
	s5 =	simm.s32 $0xFFFFFFFF;
	p2 =	slt.u32 s8, $0xFFFFF086  }
0x1c: {  	p1 =	slt.u32 s9, $0xF7A;
	s5 =	simm.s32 @!p2 $0x0  }
0x1d: {  	s5 =	simm.s32 @p1 $0x1;
	p0 =	seq.s32 s7, s2  }
0x1e: {  	s7 =	smul.u32 @!p0 $0xF7A, s2;
	p2 =	seq.s32 @!p0 s5, $0x0  }
0x1f: {  	s9 =	smul.u32 $0xF7A, s1;
	s8 =	simm.s32 @!p0 $0x1BF5;
	p2 =	por !p2, p0  }
0x20: {  	[sflag:s8] =	ssyncset.s32 @!p0 $0xFFFFF086;
	s6 =	sadd.s32 @!p0 s3, s7;
	s7 =	simm.s32 @!p0 $0x108  }
0x21: {  	s3 =	sadd.s32 s3, s9;
	s6 =	sadd.s32 @!p0 $0x88, s6;
	s7 =	simm.s32 @p2 $0x1082  }
0x22: {  	[simem:s7], [sflag:s8] =	dma.local @!p0 [hbm:s6], $0xF7A  }
0x23: {  	s9 =	sor.u32 $0xD0000000, s2;
	s6 =	simm.s32 $0x108;
	_ =	swait.ge @!p0 [sflag:s8], $0x0  }
0x24: {  	s3 =	sadd.s32 $0x88, s3;
	s6 =	simm.s32 @!p1 $0x1082;
	[sflag:s4] =	ssyncset.s32 $0xFFFFF086  }
0x25: {  	[simem:s6], [sflag:s4] =	dma.local [hbm:s3], $0xF7A  }
0x26: {  	[smem:$0x3F9F] =	sst s1;
	(tag) =	ssettag s2;
	_ =	strace s9  }
0x27: {  	s1 =	sld [smem:$0x3FAF]  }
0x28: {  	s2 =	sld [smem:$0x3FB0]  }
0x29: {  	s4 =	sld [smem:$0x3FB2]  }
0x2a: {  	p0 =	seq.s32 s5, $0x0;
	s5 =	sld [smem:$0x3FB3]  }
0x2b: {  	s6 =	sld [smem:$0x3FB4]  }
0x2c: {  	s7 =	sld [smem:$0x3FB5]  }
0x2d: {  	s3 =	simm.s32 $0x108;
	s8 =	sld [smem:$0x3FB6]  }
0x2e: {  	s3 =	simm.s32 @!p0 $0x1082;
	s9 =	sld [smem:$0x3FB7]  }
0x2f: {  	lr =	sadd.s32 s0, s3;
	s0 =	sld [smem:$0x3FAE]  }
0x30: {  	s3 =	sld [smem:$0x3FB1]  }
0x31: {  	[smem:$0x3FBA] =	sst s10  }
0x32: {  	s10 =	sld [smem:$0x3FB8];
	_ =	sdelay $0x3  }
0x33: {  	p0 =	seq.s32 s10, $0x1;
	s10 =	sld [smem:$0x3FBA];
	_ =	sdelay $0x3  }
0x34: {  	[smem:$0x3FBA] =	sst s10  }
0x35: {  	s10 =	sld [smem:$0x3FB9];
	_ =	sdelay $0x3  }
0x36: {  	p1 =	seq.s32 s10, $0x1;
	s10 =	sld [smem:$0x3FBA];
	_ =	sdelay $0x3  }
0x37: {  	[smem:$0x3FBA] =	sst s10  }
0x38: {  	s10 =	sld [smem:$0x3FBB]  }
0x39: {  	_ = 	snop;
	(pc) =	sbr.ind lr, $3  }
0x3a: {  	_ = 	snop  }
0x3b: {  	_ = 	snop  }
0x3c: {  	p2 =	seq.s32 s10, $0x1;
	s10 =	sld [smem:$0x3FBA]  }
0x3d: {  	_ =	shalt  }
0x3e: {  	_ =	shalt  }
0x3f: {  	_ =	shalt  }
0x40: {  	_ =	shalt  }
0x41: {  	_ =	shalt  }
0x42: {  	_ =	shalt  }
0x43: {  	_ =	shalt  }
0x44: {  	_ =	shalt  }
0x45: {  	_ =	shalt  }
0x46: {  	_ =	shalt  }
0x47: {  	_ =	shalt  }
0x48: {  	_ =	shalt  }
0x49: {  	_ =	shalt  }
0x4a: {  	_ =	shalt  }
0x4b: {  	_ =	shalt  }
0x4c: {  	_ =	shalt  }
0x4d: {  	_ =	shalt  }
0x4e: {  	_ =	shalt  }
0x4f: {  	_ =	shalt  }
0x50: {  	_ =	shalt  }
0x51: {  	_ =	shalt  }
0x52: {  	_ =	shalt  }
0x53: {  	_ =	shalt  }
0x54: {  	_ =	shalt  }
0x55: {  	_ =	shalt  }
0x56: {  	_ =	shalt  }
0x57: {  	_ =	shalt  }
0x58: {  	_ =	shalt  }
0x59: {  	_ =	shalt  }
0x5a: {  	_ =	shalt  }
0x5b: {  	_ =	shalt  }
0x5c: {  	_ =	shalt  }
0x5d: {  	_ =	shalt  }
0x5e: {  	_ =	shalt  }
0x5f: {  	_ =	shalt  }
0x60: {  	_ =	shalt  }
0x61: {  	_ =	shalt  }
0x62: {  	_ =	shalt  }
0x63: {  	_ =	shalt  }
0x64: {  	_ =	shalt  }
0x65: {  	_ =	shalt  }
0x66: {  	_ =	shalt  }
0x67: {  	_ =	shalt  }
0x68: {  	_ =	shalt  }
0x69: {  	_ =	shalt  }
0x6a: {  	_ =	shalt  }
0x6b: {  	_ =	shalt  }
0x6c: {  	_ =	shalt  }
0x6d: {  	_ =	shalt  }
0x6e: {  	_ =	shalt  }
0x6f: {  	_ =	shalt  }
0x70: {  	_ =	shalt  }
0x71: {  	_ =	shalt  }
0x72: {  	_ =	shalt  }
0x73: {  	_ =	shalt  }
0x74: {  	_ =	shalt  }
0x75: {  	_ =	shalt  }
0x76: {  	_ =	shalt  }
0x77: {  	_ =	shalt  }
0x78: {  	_ =	shalt  }
0x79: {  	_ =	shalt  }
0x7a: {  	_ =	shalt  }
0x7b: {  	_ =	shalt  }
0x7c: {  	_ =	shalt  }
0x7d: {  	_ =	shalt  }
0x7e: {  	_ =	shalt  }
0x7f: {  	_ =	shalt  }
0x80: {  	_ =	shalt  }
0x81: {  	_ =	shalt  }
0x82: {  	_ =	shalt  }
0x83: {  	_ =	shalt  }
0x84: {  	_ =	shalt  }
0x85: {  	_ =	shalt  }
0x86: {  	_ =	shalt  }
0x87: {  	_ =	shalt  }
.Lfunc_end0:
.L_simem_size_0:
called_computation.2_lowered:
.L_overlay_start_0:
0x88: {  	s2 =	sld [smem:$0x3FD9]  }
0x89: {  	s3 =	sld [smem:$0x3FFE];
	_ =	sdelay $0x1  }
0x8a: {  	s1 =	srdreg.scid  }
0x8b: {  	s0 =	sand.u32 $0x1, s1  }
0x8c: {  	s14 =	sshll.u32 s0, $0xA;
	s2 =	sadd.s32 s3, s2  }
0x8d: {  	s2 =	sadd.s32 s2, s14  }
0x8e: {  	[smem:$0x3FC6] =	sst s2  }
0x8f: {  	_ = 	snop  }
0x90: {  	s2 =	sld [smem:$0x3FD0];
	_ =	sdelay $0x2  }
0x91: {  	s15 =	simm.s32 $0xA;
	s4 =	simm.s32 $0x10  }
0x92: {  	[smem:s4], [sflag:s15] =	dma.local [hbm:s2], $0x1  }
0x93: {  	_ =	swait.eq [sflag:s15], $0x1  }
0x94: {  	[sflag:s15] =	ssyncset.done $0x0  }
0x95: {  	[sflag:s15] =	ssyncadd.s32 $0xFFFFFFFF  }
0x96: {  	s16 =	sld [smem:$0x11];
	(tm) =	ssettm $0x1  }
0x97: {  	s17 =	sld [smem:$0x3FFB];
	_ =	sdelay $0x3  }
0x98: {  	_ =	strace s17  }
0x99: {  	s3 =	sld [smem:$0x3FFC];
	_ =	sdelay $0x3  }
0x9a: {  	_ =	strace s3  }
0x9b: {  	s3 =	sld [smem:$0x3FFD];
	_ =	sdelay $0x3  }
0x9c: {  	_ =	strace s3  }
0x9d: {  	_ =	strace $0x8FFFFFFF  }
0x9e: {  	s18 =	sld [smem:$0x3FDB];
	_ =	sdelay $0x1  }
0x9f: {  	s19 =	simm.s32 $_scs_section_size  }
0xa0: {  	s5 =	simm.s32 $_size__tile_overlayer_lowered;
	s6 =	simm.s32 $_tile_overlayer_lowered  }
0xa1: {  	s22 =	simm.s32 $0x1BFF;
	s21 =	sshll.u32 s6, $0x1;
	s3 =	sadd.s32 s19, s18  }
0xa2: {  	s7 =	simm.s32 $0x0;
	s20 =	sshll.u32 s5, $0x1;
	s5 =	sadd.s32 s21, s3  }
0xa3: {  	[timem:s7], [sflag:s22] =	dma.local [hbm:s5], s20  }
0xa4: {  	_ =	swait.ge [sflag:s22], s20  }
0xa5: {  	s4 =	ssub.s32 $0x0, s20;
	[sflag:s22] =	ssyncset.done $0x0  }
0xa6: {  	[sflag:s22] =	ssyncadd.s32 s4;
	_ =	sdelay $0x1  }
0xa7: {  	s23 =	simm.s32 $0x1B8B  }
0xa8: {  	_ =	swait.ge [sflag:s23], $0x1  }
0xa9: {  	[sflag:s23] =	ssyncset.done $0x0  }
0xaa: {  	s25 =	simm.s32 $0x1B8E;
	s24 =	sld [smem:$0x3FFE];
	[sflag:s23] =	ssyncadd.s32 $0xFFFFFFFF  }
0xab: {  	s26 =	simm.s32 $execute0_lowered;
	[smem:$0x3FD2] =	sst s25  }
0xac: {  	s5 =	sshll.u32 s26, $0x1;
	_ =	strace $0x8000004C;
	[dreg:$0x1] =	wrdreg $0xFFFFFFFF  }
0xad: {  	s28 =	simm.s32 $_size_execute0_lowered;
	s3 =	sadd.s32 s3, s5;
	[dreg:$0x0] =	wrdreg $0x0  }
0xae: {  	s5 =	sshll.u32 s28, $0x1;
	[dreg:$0x2] =	wrdreg s3  }
0xaf: {  	[dreg:$0x3] =	wrdreg s5  }
0xb0: {  	[dreg:$0x4] =	wrdreg $0xC0  }
0xb1: {  	_ =	task [dreg:s7], $0x5FFFF  }
0xb2: {  	[dreg:$0x1] =	wrdreg $0xFFFFFFFF  }
0xb3: {  	[dreg:$0x0] =	wrdreg $0x60  }
0xb4: {  	[dreg:$0x2] =	wrdreg s24  }
0xb5: {  	[dreg:$0x3] =	wrdreg s16  }
0xb6: {  	[dreg:$0x4] =	wrdreg $0x9  }
0xb7: {  	_ =	task.clear_ibuf [dreg:s7], $0x5FFFF;
	_ =	strace $0x9000004C  }
0xb8: {  	s29 =	simm.s32 $0x9;
	_ =	strace $0x8000004E  }
0xb9: {  	_ =	swait.ge [sflag:s29], $0x1  }
0xba: {  	[sflag:s29] =	ssyncadd.s32 $0xFFFFFFFF  }
0xbb: {  	_ =	strace $0x9000004E  }
0xbc: {  	_ =	sfence  }
0xbd: {  	s30 =	sld [smem:$0x0];
	_ =	sdelay $0x2  }
0xbe: {  	s31 =	sshll.u32 s1, $0xD;
	s1 =	sshrl.u32 s1, $0x2  }
0xbf: {  	s3 =	sand.u32 $0x4000, s31;
	s1 =	sadd.s32 s1, s30  }
0xc0: {  	s0 =	sor.u32 s3, s0;
	s1 =	sshll.u32 s1, $0x11  }
0xc1: {  	s0 =	sor.u32 s1, s0  }
0xc2: {  	s0 =	sadd.s32 $0x8F2B, s0  }
0xc3: {  	[sflag:s0] =	ssyncadd.remote.s32 $0x1  }
0xc4: {  	_ =	sfence.sel $0xFFFF  }
0xc5: {  	[dreg:$0x0] =	wrdreg $0xFFFFFFFF;
	(pc) =	sbr.abs _section_cstart, $3  }
0xc6: {  	[dreg:$0x1] =	wrdreg $0xFFFFFFFF  }
0xc7: {  	_ =	task.clear_ibuf [dreg:s7], $0x2FFFF;
	_ =	strace $0x9FFFFFFF  }
0xc8: {  	(tm) =	ssettm $0x7FFFFFFF  }
0xc9: {  	_ =	shalt  }
tec
execute0_lowered:
.L_overlay_start_1:
0x0: {  	(tag) =	ssettag $0x1  }
0x1: {  	s2 =	rddreg [dreg:$0x0]  }
0x2: {  	s5 =	rddreg [dreg:$0x1]  }
0x3: {  	s0 =	rddreg [dreg:$0x2]  }
0x4: {  	s4 =	srdreg.scid;
	s1 =	stileid.u32  }
0x5: {  	s3 =	simm.s32 $0x0;
	s10 =	simm.s32 $0x4E80;
	s11 =	simm.s32 $0x8E80  }
0x6: {  	s12 =	simm.s32 $0x0;
	s4 =	sand.u32 $0x1, s4;
	s6 =	sshll.u32 s1, $0x1  }
0x7: {  	[smem:$0x7FF] =	sst s3;
	s6 =	sor.u32 s4, s6;
	s4 =	ssub.s32 $0x2, s4  }
0x8: {  	_ =	strace $0x8000004D;
	s7 =	sshll.u32 s6, $0x7;
	s8 =	sshrl.u32 s4, $0x1  }
0x9: {  	s9 =	sshll.u32 s6, $0x1;
	s7 =	sadd.s32 s7, s2;
	s8 =	ssub.s32 s4, s8  }
0xa: {  	v1 =	vlaneseq.u32;
	s4 =	smul.u32 $0x61A80, s6;
	s5 =	sadd.s32 s5, s9;
	s9 =	simm.s32 $0x1  }
0xb: {  	v0 =	vimm.s32 $0x0;
	v2 =	vimm.s32 $0x1;
	v1 =	vmul.u32 $0x400, v1;
	s6 =	sadd.s32 $0x186A00, s7;
	s7 =	smax.u32 s8, $0x1;
	s8 =	simm.s32 $0x9280  }
.LBB2_1:
0xc: {  	s13 =	simm.s32 $0x40;
	s14 =	simm.s32 $0x0  }
.LBB2_2:
0xd: {  	p0 =	sne.s32 s13, $0xFFC0;
	[tilespmem:s14+$0x4E80] =	vst v0;
	s14 =	smov.u32 s13;
	s13 =	sadd.s32 $0x40, s13  }
.Ltmp0:
0xe: {  	(pc) =	sbr.rel @p0 .LBB2_2-.Ltmp0, $2  }
0xf: {  	_ =	sdelay $0x2  }
0x10: {  	s14 =	sshra.s32 s14, $0x2  }
0x11: {  	[tilespmem:s14+$0x4E80] =	vst v0;
	s13 =	simm.s32 $0x0  }
0x12: {  	[tilespmem:s8], [sflag:$0x1] =	stream.linear.gather [hbm4b:s5+s13], $0x10, $0x38;
	[tilespmem:$0x9300] =	vst v63  }
0x13: {  	_ =	swait.ge [sflag:s9], $0x10  }
0x14: {  	[sflag:s9] =	ssyncset.done $0x0  }
0x15: {  	[sflag:s9] =	ssyncadd.s32 $0xFFFFFFF0  }
0x16: {  	s14 =	simm.s32 $0x0;
	v3 =	vld [tilespmem:$0x9280]  }
.LBB2_4:
0x17: {  	s15 =	smul.u32 $0x4E20, s14;
	_ =	sdelay $0x1  }
0x18: {  	s15 =	sadd.s32 s4, s15  }
0x19: {  	s15 =	sshrl.u32 s15, $0x3  }
0x1a: {  	s15 =	sadd.s32 s2, s15  }
0x1b: {  	[tilespmem:s13], [sflag:$0x1] =	stream.linear.gather [hbm4b:s15+s13], $0x4E20, $0x38;
	[tilespmem:$0x9300] =	vst v63  }
0x1c: {  	_ =	swait.ge [sflag:s9], $0x4E20  }
0x1d: {  	[sflag:s9] =	ssyncset.done $0x0  }
0x1e: {  	s16 =	simm.s32 $0x0;
	s15 =	simm.s32 $0x40;
	[sflag:s9] =	ssyncadd.s32 $0xFFFFB1E0  }
.LBB2_5:
0x1f: {  	p0 =	sne.s32 s15, $0x13840;
	v4 =	vld [tilespmem:s16+$0x0];
	_ =	sdelay $0x4  }
0x20: {  	v5 =	vshrl.u32 v4, $0xA  }
0x21: {  	v4 =	vand.u32 $0x3FF, v4;
	vm0 =	veq.s32 v5, v3  }
0x22: {  	v4 =	vor.u32 v1, v4  }
.Ltmp1:
0x23: {  	(pc) =	sbr.rel @p0 .LBB2_5-.Ltmp1, $2  }
0x24: {  	_ =	sdelay $0x2  }
0x25: {  	s16 =	sshra.s32 s15, $0x2;
	s15 =	sadd.s32 $0x40, s15;
	[tilespmem:v4+s10+$0x0] =	vst.idx.add.s32.msk vm0, v2  }
0x26: {  	v4 =	vld [tilespmem:s16+$0x0];
	_ =	sdelay $0x4  }
0x27: {  	v5 =	vshrl.u32 v4, $0xA  }
0x28: {  	s14 =	sadd.s32 $0x1, s14;
	v4 =	vand.u32 $0x3FF, v4;
	vm0 =	veq.s32 v5, v3  }
0x29: {  	p0 =	sne.s32 s14, $0x14;
	v4 =	vor.u32 v1, v4  }
.Ltmp2:
0x2a: {  	_ = 	snop;
	(pc) =	sbr.rel @p0 .LBB2_4-.Ltmp2, $2  }
0x2b: {  	_ =	sdelay $0x2  }
0x2c: {  	[tilespmem:v4+s10+$0x0] =	vst.idx.add.s32.msk vm0, v2  }
0x2d: {  	s13 =	simm.s32 $0x0;
	s14 =	simm.s32 $0x4E80  }
0x2e: {  	s13 =	sand.u32 $0x3F0, s13;
	v4 =	vld [tilespmem:s14+$0x0]  }
0x2f: {  	v3 =	vld [tilespmem:s13+$0x5280]  }
0x30: {  	v5 =	vld [tilespmem:s13+$0x5680]  }
0x31: {  	v6 =	vld [tilespmem:s13+$0x5A80]  }
0x32: {  	v7 =	vld [tilespmem:s13+$0x5E80]  }
0x33: {  	v8 =	vld [tilespmem:s13+$0x6280]  }
0x34: {  	v3 =	vadd.s32 v4, v3;
	v4 =	vld [tilespmem:s13+$0x6680]  }
0x35: {  	v3 =	vadd.s32 v5, v3;
	v5 =	vld [tilespmem:s13+$0x6A80]  }
0x36: {  	v58 =	vld [tilespmem:s13+$0x6E80];
	v3 =	vadd.s32 v6, v3  }
0x37: {  	v59 =	vld [tilespmem:s13+$0x7280];
	v3 =	vadd.s32 v7, v3  }
0x38: {  	v60 =	vld [tilespmem:s13+$0x7680];
	v3 =	vadd.s32 v8, v3  }
0x39: {  	v3 =	vadd.s32 v4, v3;
	v4 =	vld [tilespmem:s13+$0x7A80]  }
0x3a: {  	v3 =	vadd.s32 v5, v3;
	v5 =	vld [tilespmem:s13+$0x7E80]  }
0x3b: {  	v61 =	vld [tilespmem:s13+$0x8280];
	v3 =	vadd.s32 v58, v3  }
0x3c: {  	v62 =	vld [tilespmem:s13+$0x8680];
	v3 =	vadd.s32 v59, v3  }
0x3d: {  	v63 =	vld [tilespmem:s13+$0x8A80];
	v3 =	vadd.s32 v60, v3  }
0x3e: {  	v3 =	vadd.s32 v4, v3  }
0x3f: {  	v3 =	vadd.s32 v5, v3  }
0x40: {  	v3 =	vadd.s32 v61, v3  }
0x41: {  	v3 =	vadd.s32 v62, v3  }
0x42: {  	s31 =	simm.s32 $0x10;
	s13 =	simm.s32 $0x8E80;
	v3 =	vadd.s32 v63, v3  }
0x43: {  	s14 =	sand.u32 $0x3F0, s31;
	[tilespmem:s13+$0x0] =	vst v3  }
0x44: {  	s16 =	simm.s32 $0x20;
	s15 =	simm.s32 $0x4E90;
	v3 =	vld [tilespmem:s14+$0x5280]  }
.LBB2_8:
0x45: {  	p0 =	sne.s32 s16, $0x3F0;
	v4 =	vld [tilespmem:s15+$0x0]  }
0x46: {  	v5 =	vld [tilespmem:s14+$0x5680]  }
0x47: {  	v6 =	vld [tilespmem:s14+$0x5A80]  }
0x48: {  	v7 =	vld [tilespmem:s14+$0x5E80]  }
0x49: {  	v8 =	vld [tilespmem:s14+$0x6280]  }
0x4a: {  	v3 =	vadd.s32 v4, v3;
	v4 =	vld [tilespmem:s14+$0x6680]  }
0x4b: {  	v3 =	vadd.s32 v5, v3;
	v5 =	vld [tilespmem:s14+$0x6A80]  }
0x4c: {  	v3 =	vadd.s32 v6, v3;
	v6 =	vld [tilespmem:s14+$0x6E80]  }
0x4d: {  	v3 =	vadd.s32 v7, v3;
	v7 =	vld [tilespmem:s14+$0x7280]  }
0x4e: {  	v3 =	vadd.s32 v8, v3;
	v8 =	vld [tilespmem:s14+$0x7680]  }
0x4f: {  	v3 =	vadd.s32 v4, v3;
	v4 =	vld [tilespmem:s14+$0x7A80]  }
0x50: {  	v3 =	vadd.s32 v5, v3;
	v5 =	vld [tilespmem:s14+$0x7E80]  }
0x51: {  	v3 =	vadd.s32 v6, v3;
	v6 =	vld [tilespmem:s14+$0x8280]  }
0x52: {  	v3 =	vadd.s32 v7, v3;
	v7 =	vld [tilespmem:s14+$0x8680]  }
0x53: {  	v3 =	vadd.s32 v8, v3;
	v8 =	vld [tilespmem:s14+$0x8A80]  }
0x54: {  	v3 =	vadd.s32 v4, v3  }
0x55: {  	v3 =	vadd.s32 v5, v3  }
.Ltmp3:
0x56: {  	v3 =	vadd.s32 v6, v3;
	(pc) =	sbr.rel @p0 .LBB2_8-.Ltmp3, $4  }
0x57: {  	v3 =	vadd.s32 v7, v3  }
0x58: {  	s13 =	sadd.s32 $0x10, s13;
	v3 =	vadd.s32 v8, v3  }
0x59: {  	s14 =	sand.u32 $0x3F0, s16;
	[tilespmem:s13+$0x0] =	vst v3  }
0x5a: {  	s15 =	sadd.s32 $0x10, s15;
	s16 =	sadd.s32 $0x10, s16;
	v3 =	vld [tilespmem:s14+$0x5280]  }
0x5b: {  	v4 =	vld [tilespmem:s15+$0x0]  }
0x5c: {  	v5 =	vld [tilespmem:s14+$0x5680]  }
0x5d: {  	v6 =	vld [tilespmem:s14+$0x5A80]  }
0x5e: {  	v7 =	vld [tilespmem:s14+$0x5E80]  }
0x5f: {  	v8 =	vld [tilespmem:s14+$0x6280]  }
0x60: {  	v54 =	vld [tilespmem:s14+$0x6680];
	v3 =	vadd.s32 v4, v3  }
0x61: {  	v55 =	vld [tilespmem:s14+$0x6A80];
	v3 =	vadd.s32 v5, v3  }
0x62: {  	v56 =	vld [tilespmem:s14+$0x6E80];
	v3 =	vadd.s32 v6, v3  }
0x63: {  	v57 =	vld [tilespmem:s14+$0x7280];
	v3 =	vadd.s32 v7, v3  }
0x64: {  	v58 =	vld [tilespmem:s14+$0x7680];
	v3 =	vadd.s32 v8, v3  }
0x65: {  	v59 =	vld [tilespmem:s14+$0x7A80];
	v3 =	vadd.s32 v54, v3  }
0x66: {  	v60 =	vld [tilespmem:s14+$0x7E80];
	v3 =	vadd.s32 v55, v3  }
0x67: {  	v61 =	vld [tilespmem:s14+$0x8280];
	v3 =	vadd.s32 v56, v3  }
0x68: {  	v62 =	vld [tilespmem:s14+$0x8680];
	v3 =	vadd.s32 v57, v3  }
0x69: {  	v63 =	vld [tilespmem:s14+$0x8A80];
	v3 =	vadd.s32 v58, v3  }
0x6a: {  	v3 =	vadd.s32 v59, v3  }
0x6b: {  	v3 =	vadd.s32 v60, v3  }
0x6c: {  	v3 =	vadd.s32 v61, v3  }
0x6d: {  	s12 =	sadd.s32 $0x1, s12;
	v3 =	vadd.s32 v62, v3  }
0x6e: {  	s13 =	sadd.s32 $0x10, s13;
	p0 =	sne.s32 s12, s7;
	v3 =	vadd.s32 v63, v3  }
.Ltmp4:
0x6f: {  	[tilespmem:s13+$0x0] =	vst v3;
	(pc) =	sbr.rel @p0 .LBB2_1-.Ltmp4, $4  }
0x70: {  	[hbm4b:s6+s3] =	stream.linear.scatter [tilespmem:s11], [sflag:$0x1], $0x400, $0x38;
	[tilespmem:$0x9300] =	vst v63  }
0x71: {  	_ =	swait.ge [sflag:s9], $0x400  }
0x72: {  	[sflag:s9] =	ssyncset.done $0x0  }
0x73: {  	[sflag:s9] =	ssyncadd.s32 $0xFFFFFC00  }
0x74: {  	_ =	sfence.sel $0x180000  }
0x75: {  	[bflag:$0x0] =	sbarrier.arrive $0xFFFF  }
0x76: {  	p0 =	sne.s32 s1, $0x0;
	_ =	strace $0x9000004D  }
0x77: {  	s0 =	sadd.s32 @!p0 $0x100000, s0;
	[bflag:$0x2] =	sbarrier.arrive $0xFFFF  }
0x78: {  	[sflag:s0] =	ssyncadd.tile.s32 @!p0 $0x1;
	_ =	shalt  }
.Lfunc_end2:
_tile_overlayer_lowered:
.L_overlay_start_2:
0x79: {  	(tag) =	ssettag $0x2  }
0x7a: {  	s0 =	rddreg [dreg:$0x0];
	s2 =	stileid.u32  }
0x7b: {  	s1 =	rddreg [dreg:$0x1];
	p0 =	sne.s32 s2, $0x0  }
0x7c: {  	s3 =	rddreg [dreg:$0x2];
	[bflag:$0x3] =	sbarrier.arrive $0xFFFF;
	s2 =	simm.s32 @!p0 $0x1C01  }
0x7d: {  	[timem:s3], [sflag:s2] =	dma.local @!p0 [hbm:s0], s1  }
0x7e: {  	s0 =	simm.s32 @!p0 $0x1  }
0x7f: {  	_ =	swait.ge @!p0 [sflag:s0], s1  }
0x80: {  	s1 =	ssub.s32 @!p0 $0x0, s1;
	[sflag:s0] =	ssyncset.done @!p0 $0x0  }
0x81: {  	[sflag:s0] =	ssyncadd.s32 @!p0 s1  }
0x82: {  	[bflag:$0x3] =	sbarrier.arrive $0xFFFF  }
0x83: {  	_ =	shalt  }

// kernel: kernel.17.cloned.1.call-start
scs
__scs_entry_jumppad:
0x0: {  	(pc) =	sbr.rel $0x88, $3  }
0x1: {  	(tag) =	ssettag $0x0;
	lr =	simm.s32 $0x1  }
0x2: {  	[smem:$0x3F9F] =	sst lr;
	_ =	strace $0xD0000000  }
0x3: {  	_ = 	snop  }
0x4: {  	_ = 	snop  }
0x5: {  	_ = 	snop  }
0x6: {  	_ = 	snop  }
0x7: {  	_ = 	snop  }
__scs_overlays_trampoline_lowered:
0x8: {  	[smem:$0x3FAE] =	sst s0  }
0x9: {  	[smem:$0x3FAF] =	sst s1  }
0xa: {  	[smem:$0x3FB0] =	sst s2  }
0xb: {  	[smem:$0x3FB1] =	sst s3  }
0xc: {  	[smem:$0x3FB2] =	sst s4  }
0xd: {  	[smem:$0x3FB3] =	sst s5  }
0xe: {  	[smem:$0x3FB4] =	sst s6  }
0xf: {  	[smem:$0x3FB5] =	sst s7  }
0x10: {  	[smem:$0x3FB6] =	sst s8  }
0x11: {  	[smem:$0x3FB7] =	sst s9;
	s0 =	simm.s32 @!p0 $0x0  }
0x12: {  	s1 =	sld [smem:$0x3F9D];
	s0 =	simm.s32 @p0 $0x1  }
0x13: {  	[smem:$0x3FB8] =	sst s0;
	s0 =	simm.s32 @!p1 $0x0  }
0x14: {  	s2 =	sld [smem:$0x3F9C];
	s0 =	simm.s32 @p1 $0x1  }
0x15: {  	[smem:$0x3FB9] =	sst s0;
	s0 =	simm.s32 @!p2 $0x0  }
0x16: {  	s3 =	sld [smem:$0x3FDB];
	s0 =	simm.s32 @p2 $0x1  }
0x17: {  	s4 =	simm.s32 $0x1BF5;
	[smem:$0x3FBB] =	sst s0  }
0x18: {  	s0 =	sld [smem:$0x3F9E];
	_ =	swait.ge [sflag:s4], $0x0  }
0x19: {  	s7 =	sld [smem:$0x3F9F]  }
0x1a: {  	s8 =	sadd.s32 $0xFFFFE003, lr  }
0x1b: {  	s9 =	sadd.s32 $0xFFFFFEF7, lr;
	s5 =	simm.s32 $0xFFFFFFFF;
	p2 =	slt.u32 s8, $0xFFFFF086  }
0x1c: {  	p1 =	slt.u32 s9, $0xF7A;
	s5 =	simm.s32 @!p2 $0x0  }
0x1d: {  	s5 =	simm.s32 @p1 $0x1;
	p0 =	seq.s32 s7, s2  }
0x1e: {  	s7 =	smul.u32 @!p0 $0xF7A, s2;
	p2 =	seq.s32 @!p0 s5, $0x0  }
0x1f: {  	s9 =	smul.u32 $0xF7A, s1;
	s8 =	simm.s32 @!p0 $0x1BF5;
	p2 =	por !p2, p0  }
0x20: {  	[sflag:s8] =	ssyncset.s32 @!p0 $0xFFFFF086;
	s6 =	sadd.s32 @!p0 s3, s7;
	s7 =	simm.s32 @!p0 $0x108  }
0x21: {  	s3 =	sadd.s32 s3, s9;
	s6 =	sadd.s32 @!p0 $0x88, s6;
	s7 =	simm.s32 @p2 $0x1082  }
0x22: {  	[simem:s7], [sflag:s8] =	dma.local @!p0 [hbm:s6], $0xF7A  }
0x23: {  	s9 =	sor.u32 $0xD0000000, s2;
	s6 =	simm.s32 $0x108;
	_ =	swait.ge @!p0 [sflag:s8], $0x0  }
0x24: {  	s3 =	sadd.s32 $0x88, s3;
	s6 =	simm.s32 @!p1 $0x1082;
	[sflag:s4] =	ssyncset.s32 $0xFFFFF086  }
0x25: {  	[simem:s6], [sflag:s4] =	dma.local [hbm:s3], $0xF7A  }
0x26: {  	[smem:$0x3F9F] =	sst s1;
	(tag) =	ssettag s2;
	_ =	strace s9  }
0x27: {  	s1 =	sld [smem:$0x3FAF]  }
0x28: {  	s2 =	sld [smem:$0x3FB0]  }
0x29: {  	s4 =	sld [smem:$0x3FB2]  }
0x2a: {  	p0 =	seq.s32 s5, $0x0;
	s5 =	sld [smem:$0x3FB3]  }
0x2b: {  	s6 =	sld [smem:$0x3FB4]  }
0x2c: {  	s7 =	sld [smem:$0x3FB5]  }
0x2d: {  	s3 =	simm.s32 $0x108;
	s8 =	sld [smem:$0x3FB6]  }
0x2e: {  	s3 =	simm.s32 @!p0 $0x1082;
	s9 =	sld [smem:$0x3FB7]  }
0x2f: {  	lr =	sadd.s32 s0, s3;
	s0 =	sld [smem:$0x3FAE]  }
0x30: {  	s3 =	sld [smem:$0x3FB1]  }
0x31: {  	[smem:$0x3FBA] =	sst s10  }
0x32: {  	s10 =	sld [smem:$0x3FB8];
	_ =	sdelay $0x3  }
0x33: {  	p0 =	seq.s32 s10, $0x1;
	s10 =	sld [smem:$0x3FBA];
	_ =	sdelay $0x3  }
0x34: {  	[smem:$0x3FBA] =	sst s10  }
0x35: {  	s10 =	sld [smem:$0x3FB9];
	_ =	sdelay $0x3  }
0x36: {  	p1 =	seq.s32 s10, $0x1;
	s10 =	sld [smem:$0x3FBA];
	_ =	sdelay $0x3  }
0x37: {  	[smem:$0x3FBA] =	sst s10  }
0x38: {  	s10 =	sld [smem:$0x3FBB]  }
0x39: {  	_ = 	snop;
	(pc) =	sbr.ind lr, $3  }
0x3a: {  	_ = 	snop  }
0x3b: {  	_ = 	snop  }
0x3c: {  	p2 =	seq.s32 s10, $0x1;
	s10 =	sld [smem:$0x3FBA]  }
0x3d: {  	_ =	shalt  }
0x3e: {  	_ =	shalt  }
0x3f: {  	_ =	shalt  }
0x40: {  	_ =	shalt  }
0x41: {  	_ =	shalt  }
0x42: {  	_ =	shalt  }
0x43: {  	_ =	shalt  }
0x44: {  	_ =	shalt  }
0x45: {  	_ =	shalt  }
0x46: {  	_ =	shalt  }
0x47: {  	_ =	shalt  }
0x48: {  	_ =	shalt  }
0x49: {  	_ =	shalt  }
0x4a: {  	_ =	shalt  }
0x4b: {  	_ =	shalt  }
0x4c: {  	_ =	shalt  }
0x4d: {  	_ =	shalt  }
0x4e: {  	_ =	shalt  }
0x4f: {  	_ =	shalt  }
0x50: {  	_ =	shalt  }
0x51: {  	_ =	shalt  }
0x52: {  	_ =	shalt  }
0x53: {  	_ =	shalt  }
0x54: {  	_ =	shalt  }
0x55: {  	_ =	shalt  }
0x56: {  	_ =	shalt  }
0x57: {  	_ =	shalt  }
0x58: {  	_ =	shalt  }
0x59: {  	_ =	shalt  }
0x5a: {  	_ =	shalt  }
0x5b: {  	_ =	shalt  }
0x5c: {  	_ =	shalt  }
0x5d: {  	_ =	shalt  }
0x5e: {  	_ =	shalt  }
0x5f: {  	_ =	shalt  }
0x60: {  	_ =	shalt  }
0x61: {  	_ =	shalt  }
0x62: {  	_ =	shalt  }
0x63: {  	_ =	shalt  }
0x64: {  	_ =	shalt  }
0x65: {  	_ =	shalt  }
0x66: {  	_ =	shalt  }
0x67: {  	_ =	shalt  }
0x68: {  	_ =	shalt  }
0x69: {  	_ =	shalt  }
0x6a: {  	_ =	shalt  }
0x6b: {  	_ =	shalt  }
0x6c: {  	_ =	shalt  }
0x6d: {  	_ =	shalt  }
0x6e: {  	_ =	shalt  }
0x6f: {  	_ =	shalt  }
0x70: {  	_ =	shalt  }
0x71: {  	_ =	shalt  }
0x72: {  	_ =	shalt  }
0x73: {  	_ =	shalt  }
0x74: {  	_ =	shalt  }
0x75: {  	_ =	shalt  }
0x76: {  	_ =	shalt  }
0x77: {  	_ =	shalt  }
0x78: {  	_ =	shalt  }
0x79: {  	_ =	shalt  }
0x7a: {  	_ =	shalt  }
0x7b: {  	_ =	shalt  }
0x7c: {  	_ =	shalt  }
0x7d: {  	_ =	shalt  }
0x7e: {  	_ =	shalt  }
0x7f: {  	_ =	shalt  }
0x80: {  	_ =	shalt  }
0x81: {  	_ =	shalt  }
0x82: {  	_ =	shalt  }
0x83: {  	_ =	shalt  }
0x84: {  	_ =	shalt  }
0x85: {  	_ =	shalt  }
0x86: {  	_ =	shalt  }
0x87: {  	_ =	shalt  }
.Lfunc_end0:
.L_simem_size_0:
called_computation.3_lowered:
.L_overlay_start_0:
0x88: {  	s2 =	sld [smem:$0x3FD9]  }
0x89: {  	s3 =	sld [smem:$0x3FFE];
	_ =	sdelay $0x1  }
0x8a: {  	s1 =	srdreg.scid  }
0x8b: {  	s0 =	sand.u32 $0x1, s1  }
0x8c: {  	s14 =	sshll.u32 s0, $0xA;
	s2 =	sadd.s32 s3, s2  }
0x8d: {  	s2 =	sadd.s32 s2, s14  }
0x8e: {  	[smem:$0x3FC6] =	sst s2  }
0x8f: {  	_ = 	snop  }
0x90: {  	s2 =	sld [smem:$0x3FD0];
	_ =	sdelay $0x2  }
0x91: {  	s15 =	simm.s32 $0xA;
	s4 =	simm.s32 $0x10  }
0x92: {  	[smem:s4], [sflag:s15] =	dma.local [hbm:s2], $0x1  }
0x93: {  	_ =	swait.eq [sflag:s15], $0x1  }
0x94: {  	[sflag:s15] =	ssyncset.done $0x0  }
0x95: {  	s16 =	sld [smem:$0x10];
	[sflag:s15] =	ssyncadd.s32 $0xFFFFFFFF  }
0x96: {  	s17 =	sld [smem:$0x11];
	(tm) =	ssettm $0x1  }
0x97: {  	s18 =	sld [smem:$0x3FFB];
	_ =	sdelay $0x3  }
0x98: {  	_ =	strace s18  }
0x99: {  	s4 =	sld [smem:$0x3FFC];
	_ =	sdelay $0x3  }
0x9a: {  	_ =	strace s4  }
0x9b: {  	s4 =	sld [smem:$0x3FFD];
	_ =	sdelay $0x3  }
0x9c: {  	_ =	strace s4  }
0x9d: {  	_ =	strace $0x8FFFFFFF  }
0x9e: {  	s19 =	sld [smem:$0x3FDB];
	_ =	sdelay $0x1  }
0x9f: {  	s5 =	simm.s32 $_scs_section_size  }
0xa0: {  	s6 =	simm.s32 $_size__tile_overlayer_lowered;
	s7 =	simm.s32 $_tile_overlayer_lowered  }
0xa1: {  	s22 =	simm.s32 $0x1BFF;
	s21 =	sshll.u32 s7, $0x1;
	s4 =	sadd.s32 s5, s19  }
0xa2: {  	s8 =	simm.s32 $0x0;
	s20 =	sshll.u32 s6, $0x1;
	s6 =	sadd.s32 s21, s4  }
0xa3: {  	[timem:s8], [sflag:s22] =	dma.local [hbm:s6], s20  }
0xa4: {  	_ =	swait.ge [sflag:s22], s20  }
0xa5: {  	s5 =	ssub.s32 $0x0, s20;
	[sflag:s22] =	ssyncset.done $0x0  }
0xa6: {  	[sflag:s22] =	ssyncadd.s32 s5;
	_ =	sdelay $0x1  }
0xa7: {  	s23 =	simm.s32 $0x1B8B  }
0xa8: {  	_ =	swait.ge [sflag:s23], $0x1  }
0xa9: {  	[sflag:s23] =	ssyncset.done $0x0  }
0xaa: {  	s25 =	simm.s32 $0x1B8E;
	s24 =	sld [smem:$0x3FFE];
	[sflag:s23] =	ssyncadd.s32 $0xFFFFFFFF  }
0xab: {  	s26 =	simm.s32 $execute0_lowered;
	[smem:$0x3FD2] =	sst s25  }
0xac: {  	s6 =	sshll.u32 s26, $0x1;
	_ =	strace $0x8000004F;
	[dreg:$0x1] =	wrdreg $0xFFFFFFFF  }
0xad: {  	s28 =	simm.s32 $_size_execute0_lowered;
	s4 =	sadd.s32 s4, s6;
	[dreg:$0x0] =	wrdreg $0x0  }
0xae: {  	s6 =	sshll.u32 s28, $0x1;
	[dreg:$0x2] =	wrdreg s4  }
0xaf: {  	[dreg:$0x3] =	wrdreg s6  }
0xb0: {  	[dreg:$0x4] =	wrdreg $0xC0  }
0xb1: {  	_ =	task [dreg:s8], $0x5FFFF  }
0xb2: {  	[dreg:$0x1] =	wrdreg $0xFFFFFFFF  }
0xb3: {  	[dreg:$0x0] =	wrdreg $0x60  }
0xb4: {  	[dreg:$0x2] =	wrdreg s24  }
0xb5: {  	[dreg:$0x3] =	wrdreg s17  }
0xb6: {  	[dreg:$0x4] =	wrdreg s16  }
0xb7: {  	[dreg:$0x5] =	wrdreg $0x9  }
0xb8: {  	_ =	task.clear_ibuf [dreg:s8], $0x6FFFF;
	_ =	strace $0x9000004F  }
0xb9: {  	s29 =	simm.s32 $0x9;
	_ =	strace $0x80000051  }
0xba: {  	_ =	swait.ge [sflag:s29], $0x1  }
0xbb: {  	[sflag:s29] =	ssyncadd.s32 $0xFFFFFFFF  }
0xbc: {  	_ =	strace $0x90000051  }
0xbd: {  	_ =	sfence  }
0xbe: {  	s30 =	sld [smem:$0x0];
	_ =	sdelay $0x2  }
0xbf: {  	s31 =	sshll.u32 s1, $0xD;
	s1 =	sshrl.u32 s1, $0x2  }
0xc0: {  	s3 =	sand.u32 $0x4000, s31;
	s1 =	sadd.s32 s1, s30  }
0xc1: {  	s0 =	sor.u32 s3, s0;
	s1 =	sshll.u32 s1, $0x11  }
0xc2: {  	s0 =	sor.u32 s1, s0  }
0xc3: {  	s0 =	sadd.s32 $0x8F2B, s0  }
0xc4: {  	[sflag:s0] =	ssyncadd.remote.s32 $0x1  }
0xc5: {  	_ =	sfence.sel $0xFFFF  }
0xc6: {  	[dreg:$0x0] =	wrdreg $0xFFFFFFFF;
	(pc) =	sbr.abs _section_cstart, $3  }
0xc7: {  	[dreg:$0x1] =	wrdreg $0xFFFFFFFF  }
0xc8: {  	_ =	task.clear_ibuf [dreg:s8], $0x2FFFF;
	_ =	strace $0x9FFFFFFF  }
0xc9: {  	(tm) =	ssettm $0x7FFFFFFF  }
tec
execute0_lowered:
.L_overlay_start_1:
0x0: {  	(tag) =	ssettag $0x1  }
0x1: {  	s1 =	rddreg [dreg:$0x0]  }
0x2: {  	s5 =	rddreg [dreg:$0x1];
	s2 =	srdreg.scid  }
0x3: {  	s0 =	stileid.u32;
	s9 =	rddreg [dreg:$0x2]  }
0x4: {  	s3 =	simm.s32 $0x0;
	s15 =	simm.s32 $0x5000;
	s16 =	simm.s32 $0x5180  }
0x5: {  	s17 =	simm.s32 $0x5380;
	s4 =	sand.u32 $0x1, s2;
	s2 =	rddreg [dreg:$0x3]  }
0x6: {  	s18 =	simm.s32 $0x0;
	s6 =	sshll.u32 s0, $0x1;
	[smem:$0x7FF] =	sst s3  }
0x7: {  	s10 =	sor.u32 s4, s6;
	s4 =	ssub.s32 $0x2, s4;
	_ =	strace $0x80000050  }
0x8: {  	s13 =	sand.u32 $0x1C, s6;
	s7 =	smul.u32 $0x26, s10;
	s8 =	sshrl.u32 s4, $0x1  }
0x9: {  	s14 =	sshll.u32 s10, $0x1;
	s31 =	ssub.s32 s10, s13;
	s13 =	simm.s32 $0x1  }
0xa: {  	s12 =	ssub.s32 s4, s8;
	s4 =	smul.u32 $0x61A80, s10;
	s5 =	sadd.s32 s5, s14  }
0xb: {  	s9 =	sadd.s32 s9, s14;
	s14 =	simm.s32 $0x4E80;
	s11 =	sadd.s32 s7, s1  }
0xc: {  	v0 =	vimm.f32 $-1.000000000e+00;
	v1 =	vlaneseq.u32;
	s10 =	smax.u32 s12, $0x1;
	s12 =	simm.s32 $0x5300;
	s6 =	sadd.s32 $0x186A00, s11  }
0xd: {  	v2 =	vimm.s32 $0x0;
	vm0 =	vcmask $0x300;
	vm1 =	vcmask $0x704;
	s7 =	sadd.s32 $0x187000, s11;
	s8 =	sadd.s32 $0x187600, s11;
	s11 =	smul.u32 $0x61A80, s31  }
.LBB2_1:
0xe: {  	[tilespmem:s12], [sflag:$0x1] =	stream.linear.gather [hbm4b:s5+s3], $0x10, $0x38;
	[tilespmem:$0x5400] =	vst v63  }
0xf: {  	_ =	swait.ge [sflag:s13], $0x10  }
0x10: {  	[sflag:s13] =	ssyncset.done $0x0  }
0x11: {  	[sflag:s13] =	ssyncadd.s32 $0xFFFFFFF0  }
0x12: {  	[tilespmem:$0x4E80] =	vst v0  }
0x13: {  	[tilespmem:$0x4E90] =	vst v0  }
0x14: {  	[tilespmem:$0x4EA0] =	vst v0  }
0x15: {  	[tilespmem:$0x4EB0] =	vst v0  }
0x16: {  	[tilespmem:$0x4EC0] =	vst v0  }
0x17: {  	[tilespmem:$0x4ED0] =	vst v0  }
0x18: {  	[tilespmem:$0x4EE0] =	vst v0  }
0x19: {  	[tilespmem:$0x4EF0] =	vst v0  }
0x1a: {  	[tilespmem:$0x4F00] =	vst v0  }
0x1b: {  	[tilespmem:$0x4F10] =	vst v0  }
0x1c: {  	[tilespmem:$0x4F20] =	vst v0  }
0x1d: {  	[tilespmem:$0x4F30] =	vst v0  }
0x1e: {  	[tilespmem:$0x4F40] =	vst v0  }
0x1f: {  	[tilespmem:$0x4F50] =	vst v0  }
0x20: {  	[tilespmem:$0x4F60] =	vst v0  }
0x21: {  	[tilespmem:$0x4F70] =	vst v0  }
0x22: {  	[tilespmem:$0x4F80] =	vst v0  }
0x23: {  	[tilespmem:$0x4F90] =	vst v0;
	v3 =	vld [tilespmem:$0x5300]  }
0x24: {  	s22 =	simm.s32 $0x0;
	[tilespmem:$0x4FA0] =	vst v0  }
0x25: {  	s21 =	simm.s32 $0x0;
	s20 =	simm.s32 $0x0;
	s19 =	smov.u32 s11;
	[tilespmem:$0x4FB0] =	vst v0  }
.LBB2_2:
0x26: {  	s23 =	smul.u32 $0x4E20, s20;
	_ =	sdelay $0x1  }
0x27: {  	s23 =	sadd.s32 s4, s23  }
0x28: {  	s23 =	sshrl.u32 s23, $0x3  }
0x29: {  	s24 =	simm.s32 $0x0;
	s23 =	sadd.s32 s1, s23  }
0x2a: {  	[tilespmem:s24], [sflag:$0x1] =	stream.linear.gather [hbm4b:s23+s24], $0x4E20, $0x38;
	[tilespmem:$0x5400] =	vst v63  }
0x2b: {  	_ =	swait.ge [sflag:s13], $0x4E20  }
0x2c: {  	[sflag:s13] =	ssyncset.done $0x0  }
0x2d: {  	s29 =	simm.s32 $0x0;
	[sflag:s13] =	ssyncadd.s32 $0xFFFFB1E0  }
0x2e: {  	v4 =	vld [tilespmem:s29+$0x0];
	_ =	sdelay $0x4  }
0x2f: {  	vm2 =	vlt.s32 v3, v4  }
0x30: {  	v5 =	vmpcnt.ones.xlane vm2  }
0x31: {  	vm3 =	veq.s32 v3, v4  }
0x32: {  	v6 =	vmpcnt.ones.xlane vm3;
	(v2sf) =	vpush v5, $0x0;
	v5 =	vsel vm2, $0x1, v2  }
0x33: {  	(xrf0) =	vadd.scan.msk.s32 $0xffff, v5  }
0x34: {  	(v2sf) =	vpush v6, $0x0;
	v5 =	vsel vm3, $0x1, v2  }
0x35: {  	(xrf0) =	vadd.scan.msk.s32 $0xffff, v5;
	_ =	sdelay $0x2  }
0x36: {  	v5 =	vsel vm2, $0xFFFFFFFF, v2  }
0x37: {  	v5 =	vadd.s32 s21, v5;
	v6, _, _ =	vpop (xrf0)  }
0x38: {  	v7 =	vsel vm3, $0xFFFFFFFF, v2;
	v5 =	vadd.s32 v6, v5  }
0x39: {  	v7 =	vadd.s32 s22, v7;
	v6, _, _ =	vpop (xrf0)  }
0x3a: {  	v6 =	vadd.s32 v6, v7;
	_ =	sdelay $0x2  }
0x3b: {  	v7 =	vor.u32 s19, v1;
	[tilespmem:v5+s14+$0x0] =	vst.idx.msk vm2, v4  }
0x3c: {  	[tilespmem:v5+s15+$0x0] =	vst.idx.msk vm2, v7  }
0x3d: {  	s25 =	simm.s32 $0x10;
	[tilespmem:v6+s16+$0x0] =	vst.idx.msk vm3, v7  }
0x3e: {  	s30 =	spop (v2sf);
	v4 =	vld [tilespmem:s25+$0x0]  }
0x3f: {  	s24 =	simm.s32 $0x80;
	s21 =	sadd.s32 s21, s30;
	s31 =	spop (v2sf)  }
0x40: {  	s23 =	sadd.s32 $0x10, s19;
	p1 =	slt.s32 s21, $0x130;
	s22 =	sadd.s32 s22, s31  }
.LBB2_3:
0x41: {  	s21 =	simm.s32 @!p1 $0x130  }
0x42: {  	p1 =	slt.s32 s22, $0x130;
	s25 =	smov.u32 s24;
	s26 =	sadd.s32 $0x40, s24  }
0x43: {  	p0 =	sne.s32 s24, $0x13840;
	vm3 =	vlt.s32 v3, v4;
	vm2 =	veq.s32 v3, v4;
	s22 =	simm.s32 @!p1 $0x130  }
0x44: {  	v5 =	vsel vm3, $0x1, v2;
	v6 =	vmpcnt.ones.xlane vm3;
	v7 =	vmpcnt.ones.xlane vm2  }
0x45: {  	v8 =	vsel vm3, $0xFFFFFFFF, v2;
	v9 =	vsel vm2, $0xFFFFFFFF, v2;
	v10 =	vsel vm2, $0x1, v2;
	(xrf0) =	vadd.scan.msk.s32 $0xffff, v5  }
0x46: {  	(v2sf) =	vpush v6, $0x0;
	(xrf0) =	vadd.scan.msk.s32 $0xffff, v10  }
0x47: {  	(v2sf) =	vpush v7, $0x0;
	_ =	sdelay $0x3  }
0x48: {  	v5 =	vadd.s32 s21, v8;
	v6, _, _ =	vpop (xrf0)  }
0x49: {  	v5 =	vadd.s32 v6, v5;
	v6, _, _ =	vpop (xrf0)  }
0x4a: {  	v7 =	vadd.s32 s22, v9  }
0x4b: {  	v6 =	vadd.s32 v6, v7;
	_ =	sdelay $0x2  }
0x4c: {  	v7 =	vor.u32 s23, v1;
	[tilespmem:v5+s14+$0x0] =	vst.idx.msk vm3, v4  }
0x4d: {  	[tilespmem:v5+s15+$0x0] =	vst.idx.msk vm3, v7  }
.Ltmp0:
0x4e: {  	s24 =	sshra.s32 s25, $0x2;
	[tilespmem:v6+s16+$0x0] =	vst.idx.msk vm2, v7;
	(pc) =	sbr.rel @p0 .LBB2_3-.Ltmp0, $4  }
0x4f: {  	v4 =	vld [tilespmem:s24+$0x0]  }
0x50: {  	s24 =	spop (v2sf)  }
0x51: {  	s23 =	sadd.s32 $0x10, s23;
	s21 =	sadd.s32 s21, s24;
	s24 =	spop (v2sf)  }
0x52: {  	p1 =	slt.s32 s21, $0x130;
	s22 =	sadd.s32 s22, s24;
	s24 =	smov.u32 s26  }
0x53: {  	_ = 	snop  }
0x54: {  	vm3 =	vlt.s32 v3, v4  }
0x55: {  	vm2 =	veq.s32 v3, v4;
	v5 =	vmpcnt.ones.xlane vm3  }
0x56: {  	v6 =	vmpcnt.ones.xlane vm2  }
0x57: {  	(v2sf) =	vpush v5, $0x0  }
0x58: {  	(v2sf) =	vpush v6, $0x0;
	_ =	sdelay $0x2  }
0x59: {  	v5 =	vsel vm3, $0x1, v2  }
0x5a: {  	(xrf0) =	vadd.scan.msk.s32 $0xffff, v5  }
0x5b: {  	v5 =	vsel vm2, $0x1, v2  }
0x5c: {  	(xrf0) =	vadd.scan.msk.s32 $0xffff, v5;
	_ =	sdelay $0x2  }
0x5d: {  	s21 =	simm.s32 @!p1 $0x130;
	v5 =	vsel vm3, $0xFFFFFFFF, v2  }
0x5e: {  	p0 =	slt.s32 s22, $0x130;
	v5 =	vadd.s32 s21, v5;
	v61, _, _ =	vpop (xrf0)  }
0x5f: {  	s22 =	simm.s32 @!p0 $0x130;
	v7 =	vsel vm2, $0xFFFFFFFF, v2;
	v5 =	vadd.s32 v61, v5  }
0x60: {  	s20 =	sadd.s32 $0x1, s20;
	v7 =	vadd.s32 s22, v7;
	v62, _, _ =	vpop (xrf0)  }
0x61: {  	p2 =	sne.s32 s20, $0x14;
	v6 =	vadd.s32 v62, v7  }
.Ltmp1:
0x62: {  	s24 =	spop (v2sf);
	(pc) =	sbr.rel @p2 .LBB2_2-.Ltmp1, $4  }
0x63: {  	s25 =	spop (v2sf)  }
0x64: {  	v63 =	vor.u32 s23, v1;
	[tilespmem:v5+s14+$0x0] =	vst.idx.msk vm3, v4;
	s21 =	sadd.s32 s21, s24;
	s22 =	sadd.s32 s22, s25  }
0x65: {  	[tilespmem:v5+s15+$0x0] =	vst.idx.msk vm3, v63;
	p0 =	slt.s32 s21, $0x130;
	p1 =	slt.s32 s22, $0x130  }
0x66: {  	s19 =	sadd.s32 $0x4E20, s19;
	[tilespmem:v6+s16+$0x0] =	vst.idx.msk vm2, v63;
	s21 =	simm.s32 @!p0 $0x130;
	s22 =	simm.s32 @!p1 $0x130  }
0x67: {  	v3 =	vmov s21  }
0x68: {  	v3 =	vnsel vm0, $0x0, v3  }
0x69: {  	v3 =	vsel vm1, s22, v3  }
0x6a: {  	[tilespmem:$0x5380] =	vst v3  }
0x6b: {  	[hbm4b:s6+s3] =	stream.linear.scatter [tilespmem:s14], [sflag:$0x1], $0x130, $0x38;
	[tilespmem:$0x5400] =	vst v63  }
0x6c: {  	_ =	swait.ge [sflag:s13], $0x130  }
0x6d: {  	[sflag:s13] =	ssyncset.done $0x0  }
0x6e: {  	[sflag:s13] =	ssyncadd.s32 $0xFFFFFED0  }
0x6f: {  	[hbm4b:s7+s3] =	stream.linear.scatter [tilespmem:s15], [sflag:$0x1], $0x130, $0x38;
	[tilespmem:$0x5400] =	vst v63  }
0x70: {  	_ =	swait.ge [sflag:s13], $0x130  }
0x71: {  	[sflag:s13] =	ssyncset.done $0x0  }
0x72: {  	[sflag:s13] =	ssyncadd.s32 $0xFFFFFED0  }
0x73: {  	[hbm4b:s8+s3] =	stream.linear.scatter [tilespmem:s16], [sflag:$0x1], $0x130, $0x38;
	[tilespmem:$0x5400] =	vst v63  }
0x74: {  	s18 =	sadd.s32 $0x1, s18;
	_ =	swait.ge [sflag:s13], $0x130  }
0x75: {  	p0 =	sne.s32 s18, s10;
	[sflag:s13] =	ssyncset.done $0x0  }
.Ltmp2:
0x76: {  	[sflag:s13] =	ssyncadd.s32 $0xFFFFFED0;
	(pc) =	sbr.rel @p0 .LBB2_1-.Ltmp2, $4  }
0x77: {  	[hbm4b:s9+s3] =	stream.linear.scatter [tilespmem:s17], [sflag:$0x1], $0x10, $0x38;
	[tilespmem:$0x5400] =	vst v63  }
0x78: {  	_ =	swait.ge [sflag:s13], $0x10  }
0x79: {  	[sflag:s13] =	ssyncset.done $0x0  }
0x7a: {  	[sflag:s13] =	ssyncadd.s32 $0xFFFFFFF0  }
0x7b: {  	_ =	sfence.sel $0x180000  }
0x7c: {  	[bflag:$0x0] =	sbarrier.arrive $0xFFFF  }
0x7d: {  	p0 =	sne.s32 s0, $0x0;
	_ =	strace $0x90000050  }
0x7e: {  	s0 =	sadd.s32 @!p0 $0x100000, s2;
	[bflag:$0x2] =	sbarrier.arrive $0xFFFF  }
0x7f: {  	[sflag:s0] =	ssyncadd.tile.s32 @!p0 $0x1;
	_ =	shalt  }
.Lfunc_end2:
_tile_overlayer_lowered:
.L_overlay_start_2:
0x80: {  	(tag) =	ssettag $0x2  }
0x81: {  	s0 =	rddreg [dreg:$0x0];
	s2 =	stileid.u32  }
0x82: {  	s1 =	rddreg [dreg:$0x1];
	p0 =	sne.s32 s2, $0x0  }
0x83: {  	s3 =	rddreg [dreg:$0x2];
	[bflag:$0x3] =	sbarrier.arrive $0xFFFF;
	s2 =	simm.s32 @!p0 $0x1C01  }
0x84: {  	[timem:s3], [sflag:s2] =	dma.local @!p0 [hbm:s0], s1  }
0x85: {  	s0 =	simm.s32 @!p0 $0x1  }
0x86: {  	_ =	swait.ge @!p0 [sflag:s0], s1  }
0x87: {  	s1 =	ssub.s32 @!p0 $0x0, s1;
	[sflag:s0] =	ssyncset.done @!p0 $0x0  }
0x88: {  	[sflag:s0] =	ssyncadd.s32 @!p0 s1  }
0x89: {  	[bflag:$0x3] =	sbarrier.arrive $0xFFFF  }
0x8a: {  	_ =	shalt  }

// kernel: kernel.20.cloned.1.call-start
scs
__scs_entry_jumppad:
0x0: {  	(pc) =	sbr.rel $0x88, $3  }
0x1: {  	(tag) =	ssettag $0x0;
	lr =	simm.s32 $0x1  }
0x2: {  	[smem:$0x3F9F] =	sst lr;
	_ =	strace $0xD0000000  }
0x3: {  	_ = 	snop  }
0x4: {  	_ = 	snop  }
0x5: {  	_ = 	snop  }
0x6: {  	_ = 	snop  }
0x7: {  	_ = 	snop  }
__scs_overlays_trampoline_lowered:
0x8: {  	[smem:$0x3FAE] =	sst s0  }
0x9: {  	[smem:$0x3FAF] =	sst s1  }
0xa: {  	[smem:$0x3FB0] =	sst s2  }
0xb: {  	[smem:$0x3FB1] =	sst s3  }
0xc: {  	[smem:$0x3FB2] =	sst s4  }
0xd: {  	[smem:$0x3FB3] =	sst s5  }
0xe: {  	[smem:$0x3FB4] =	sst s6  }
0xf: {  	[smem:$0x3FB5] =	sst s7  }
0x10: {  	[smem:$0x3FB6] =	sst s8  }
0x11: {  	[smem:$0x3FB7] =	sst s9;
	s0 =	simm.s32 @!p0 $0x0  }
0x12: {  	s1 =	sld [smem:$0x3F9D];
	s0 =	simm.s32 @p0 $0x1  }
0x13: {  	[smem:$0x3FB8] =	sst s0;
	s0 =	simm.s32 @!p1 $0x0  }
0x14: {  	s2 =	sld [smem:$0x3F9C];
	s0 =	simm.s32 @p1 $0x1  }
0x15: {  	[smem:$0x3FB9] =	sst s0;
	s0 =	simm.s32 @!p2 $0x0  }
0x16: {  	s3 =	sld [smem:$0x3FDB];
	s0 =	simm.s32 @p2 $0x1  }
0x17: {  	s4 =	simm.s32 $0x1BF5;
	[smem:$0x3FBB] =	sst s0  }
0x18: {  	s0 =	sld [smem:$0x3F9E];
	_ =	swait.ge [sflag:s4], $0x0  }
0x19: {  	s7 =	sld [smem:$0x3F9F]  }
0x1a: {  	s8 =	sadd.s32 $0xFFFFE003, lr  }
0x1b: {  	s9 =	sadd.s32 $0xFFFFFEF7, lr;
	s5 =	simm.s32 $0xFFFFFFFF;
	p2 =	slt.u32 s8, $0xFFFFF086  }
0x1c: {  	p1 =	slt.u32 s9, $0xF7A;
	s5 =	simm.s32 @!p2 $0x0  }
0x1d: {  	s5 =	simm.s32 @p1 $0x1;
	p0 =	seq.s32 s7, s2  }
0x1e: {  	s7 =	smul.u32 @!p0 $0xF7A, s2;
	p2 =	seq.s32 @!p0 s5, $0x0  }
0x1f: {  	s9 =	smul.u32 $0xF7A, s1;
	s8 =	simm.s32 @!p0 $0x1BF5;
	p2 =	por !p2, p0  }
0x20: {  	[sflag:s8] =	ssyncset.s32 @!p0 $0xFFFFF086;
	s6 =	sadd.s32 @!p0 s3, s7;
	s7 =	simm.s32 @!p0 $0x108  }
0x21: {  	s3 =	sadd.s32 s3, s9;
	s6 =	sadd.s32 @!p0 $0x88, s6;
	s7 =	simm.s32 @p2 $0x1082  }
0x22: {  	[simem:s7], [sflag:s8] =	dma.local @!p0 [hbm:s6], $0xF7A  }
0x23: {  	s9 =	sor.u32 $0xD0000000, s2;
	s6 =	simm.s32 $0x108;
	_ =	swait.ge @!p0 [sflag:s8], $0x0  }
0x24: {  	s3 =	sadd.s32 $0x88, s3;
	s6 =	simm.s32 @!p1 $0x1082;
	[sflag:s4] =	ssyncset.s32 $0xFFFFF086  }
0x25: {  	[simem:s6], [sflag:s4] =	dma.local [hbm:s3], $0xF7A  }
0x26: {  	[smem:$0x3F9F] =	sst s1;
	(tag) =	ssettag s2;
	_ =	strace s9  }
0x27: {  	s1 =	sld [smem:$0x3FAF]  }
0x28: {  	s2 =	sld [smem:$0x3FB0]  }
0x29: {  	s4 =	sld [smem:$0x3FB2]  }
0x2a: {  	p0 =	seq.s32 s5, $0x0;
	s5 =	sld [smem:$0x3FB3]  }
0x2b: {  	s6 =	sld [smem:$0x3FB4]  }
0x2c: {  	s7 =	sld [smem:$0x3FB5]  }
0x2d: {  	s3 =	simm.s32 $0x108;
	s8 =	sld [smem:$0x3FB6]  }
0x2e: {  	s3 =	simm.s32 @!p0 $0x1082;
	s9 =	sld [smem:$0x3FB7]  }
0x2f: {  	lr =	sadd.s32 s0, s3;
	s0 =	sld [smem:$0x3FAE]  }
0x30: {  	s3 =	sld [smem:$0x3FB1]  }
0x31: {  	[smem:$0x3FBA] =	sst s10  }
0x32: {  	s10 =	sld [smem:$0x3FB8];
	_ =	sdelay $0x3  }
0x33: {  	p0 =	seq.s32 s10, $0x1;
	s10 =	sld [smem:$0x3FBA];
	_ =	sdelay $0x3  }
0x34: {  	[smem:$0x3FBA] =	sst s10  }
0x35: {  	s10 =	sld [smem:$0x3FB9];
	_ =	sdelay $0x3  }
0x36: {  	p1 =	seq.s32 s10, $0x1;
	s10 =	sld [smem:$0x3FBA];
	_ =	sdelay $0x3  }
0x37: {  	[smem:$0x3FBA] =	sst s10  }
0x38: {  	s10 =	sld [smem:$0x3FBB]  }
0x39: {  	_ = 	snop;
	(pc) =	sbr.ind lr, $3  }
0x3a: {  	_ = 	snop  }
0x3b: {  	_ = 	snop  }
0x3c: {  	p2 =	seq.s32 s10, $0x1;
	s10 =	sld [smem:$0x3FBA]  }
0x3d: {  	_ =	shalt  }
0x3e: {  	_ =	shalt  }
0x3f: {  	_ =	shalt  }
0x40: {  	_ =	shalt  }
0x41: {  	_ =	shalt  }
0x42: {  	_ =	shalt  }
0x43: {  	_ =	shalt  }
0x44: {  	_ =	shalt  }
0x45: {  	_ =	shalt  }
0x46: {  	_ =	shalt  }
0x47: {  	_ =	shalt  }
0x48: {  	_ =	shalt  }
0x49: {  	_ =	shalt  }
0x4a: {  	_ =	shalt  }
0x4b: {  	_ =	shalt  }
0x4c: {  	_ =	shalt  }
0x4d: {  	_ =	shalt  }
0x4e: {  	_ =	shalt  }
0x4f: {  	_ =	shalt  }
0x50: {  	_ =	shalt  }
0x51: {  	_ =	shalt  }
0x52: {  	_ =	shalt  }
0x53: {  	_ =	shalt  }
0x54: {  	_ =	shalt  }
0x55: {  	_ =	shalt  }
0x56: {  	_ =	shalt  }
0x57: {  	_ =	shalt  }
0x58: {  	_ =	shalt  }
0x59: {  	_ =	shalt  }
0x5a: {  	_ =	shalt  }
0x5b: {  	_ =	shalt  }
0x5c: {  	_ =	shalt  }
0x5d: {  	_ =	shalt  }
0x5e: {  	_ =	shalt  }
0x5f: {  	_ =	shalt  }
0x60: {  	_ =	shalt  }
0x61: {  	_ =	shalt  }
0x62: {  	_ =	shalt  }
0x63: {  	_ =	shalt  }
0x64: {  	_ =	shalt  }
0x65: {  	_ =	shalt  }
0x66: {  	_ =	shalt  }
0x67: {  	_ =	shalt  }
0x68: {  	_ =	shalt  }
0x69: {  	_ =	shalt  }
0x6a: {  	_ =	shalt  }
0x6b: {  	_ =	shalt  }
0x6c: {  	_ =	shalt  }
0x6d: {  	_ =	shalt  }
0x6e: {  	_ =	shalt  }
0x6f: {  	_ =	shalt  }
0x70: {  	_ =	shalt  }
0x71: {  	_ =	shalt  }
0x72: {  	_ =	shalt  }
0x73: {  	_ =	shalt  }
0x74: {  	_ =	shalt  }
0x75: {  	_ =	shalt  }
0x76: {  	_ =	shalt  }
0x77: {  	_ =	shalt  }
0x78: {  	_ =	shalt  }
0x79: {  	_ =	shalt  }
0x7a: {  	_ =	shalt  }
0x7b: {  	_ =	shalt  }
0x7c: {  	_ =	shalt  }
0x7d: {  	_ =	shalt  }
0x7e: {  	_ =	shalt  }
0x7f: {  	_ =	shalt  }
0x80: {  	_ =	shalt  }
0x81: {  	_ =	shalt  }
0x82: {  	_ =	shalt  }
0x83: {  	_ =	shalt  }
0x84: {  	_ =	shalt  }
0x85: {  	_ =	shalt  }
0x86: {  	_ =	shalt  }
0x87: {  	_ =	shalt  }
.Lfunc_end0:
.L_simem_size_0:
called_computation.4_lowered:
.L_overlay_start_0:
0x88: {  	s2 =	sld [smem:$0x3FD9]  }
0x89: {  	s3 =	sld [smem:$0x3FFE];
	_ =	sdelay $0x1  }
0x8a: {  	s1 =	srdreg.scid  }
0x8b: {  	s0 =	sand.u32 $0x1, s1  }
0x8c: {  	s14 =	sshll.u32 s0, $0xA;
	s2 =	sadd.s32 s3, s2  }
0x8d: {  	s2 =	sadd.s32 s2, s14  }
0x8e: {  	[smem:$0x3FC6] =	sst s2  }
0x8f: {  	_ = 	snop  }
0x90: {  	s2 =	sld [smem:$0x3FD0];
	_ =	sdelay $0x2  }
0x91: {  	s15 =	simm.s32 $0xA;
	s4 =	simm.s32 $0x10  }
0x92: {  	[smem:s4], [sflag:s15] =	dma.local [hbm:s2], $0x1  }
0x93: {  	_ =	swait.eq [sflag:s15], $0x1  }
0x94: {  	s16 =	sld [smem:$0x10];
	[sflag:s15] =	ssyncset.done $0x0  }
0x95: {  	s17 =	sld [smem:$0x11];
	[sflag:s15] =	ssyncadd.s32 $0xFFFFFFFF  }
0x96: {  	s18 =	sld [smem:$0x12];
	(tm) =	ssettm $0x1  }
0x97: {  	s5 =	sld [smem:$0x3FFB];
	_ =	sdelay $0x3  }
0x98: {  	_ =	strace s5  }
0x99: {  	s5 =	sld [smem:$0x3FFC];
	_ =	sdelay $0x3  }
0x9a: {  	_ =	strace s5  }
0x9b: {  	s5 =	sld [smem:$0x3FFD];
	_ =	sdelay $0x3  }
0x9c: {  	_ =	strace s5  }
0x9d: {  	_ =	strace $0x8FFFFFFF  }
0x9e: {  	s19 =	sld [smem:$0x3FDB];
	_ =	sdelay $0x1  }
0x9f: {  	s6 =	simm.s32 $_scs_section_size  }
0xa0: {  	s7 =	simm.s32 $_size__tile_overlayer_lowered;
	s8 =	simm.s32 $_tile_overlayer_lowered  }
0xa1: {  	s22 =	simm.s32 $0x1BFF;
	s21 =	sshll.u32 s8, $0x1;
	s5 =	sadd.s32 s6, s19  }
0xa2: {  	s9 =	simm.s32 $0x0;
	s20 =	sshll.u32 s7, $0x1;
	s7 =	sadd.s32 s21, s5  }
0xa3: {  	[timem:s9], [sflag:s22] =	dma.local [hbm:s7], s20  }
0xa4: {  	_ =	swait.ge [sflag:s22], s20  }
0xa5: {  	s6 =	ssub.s32 $0x0, s20;
	[sflag:s22] =	ssyncset.done $0x0  }
0xa6: {  	[sflag:s22] =	ssyncadd.s32 s6;
	_ =	sdelay $0x1  }
0xa7: {  	s23 =	simm.s32 $0x1B8B  }
0xa8: {  	_ =	swait.ge [sflag:s23], $0x1  }
0xa9: {  	[sflag:s23] =	ssyncset.done $0x0  }
0xaa: {  	s25 =	simm.s32 $0x1B8E;
	s24 =	sld [smem:$0x3FFE];
	[sflag:s23] =	ssyncadd.s32 $0xFFFFFFFF  }
0xab: {  	s26 =	simm.s32 $execute0_lowered;
	[smem:$0x3FD2] =	sst s25  }
0xac: {  	s7 =	sshll.u32 s26, $0x1;
	_ =	strace $0x80000052;
	[dreg:$0x1] =	wrdreg $0xFFFFFFFF  }
0xad: {  	s28 =	simm.s32 $_size_execute0_lowered;
	s5 =	sadd.s32 s5, s7;
	[dreg:$0x0] =	wrdreg $0x0  }
0xae: {  	s7 =	sshll.u32 s28, $0x1;
	[dreg:$0x2] =	wrdreg s5  }
0xaf: {  	[dreg:$0x3] =	wrdreg s7  }
0xb0: {  	[dreg:$0x4] =	wrdreg $0xC0  }
0xb1: {  	_ =	task [dreg:s9], $0x5FFFF  }
0xb2: {  	[dreg:$0x1] =	wrdreg $0xFFFFFFFF  }
0xb3: {  	[dreg:$0x0] =	wrdreg $0x60  }
0xb4: {  	[dreg:$0x2] =	wrdreg s24  }
0xb5: {  	[dreg:$0x3] =	wrdreg s16  }
0xb6: {  	[dreg:$0x4] =	wrdreg s17  }
0xb7: {  	[dreg:$0x5] =	wrdreg s18  }
0xb8: {  	[dreg:$0x6] =	wrdreg $0x9  }
0xb9: {  	_ =	task.clear_ibuf [dreg:s9], $0x7FFFF;
	_ =	strace $0x90000052  }
0xba: {  	s29 =	simm.s32 $0x9;
	_ =	strace $0x80000054  }
0xbb: {  	_ =	swait.ge [sflag:s29], $0x1  }
0xbc: {  	[sflag:s29] =	ssyncadd.s32 $0xFFFFFFFF  }
0xbd: {  	_ =	strace $0x90000054  }
0xbe: {  	_ =	sfence  }
0xbf: {  	s30 =	sld [smem:$0x0];
	_ =	sdelay $0x2  }
0xc0: {  	s31 =	sshll.u32 s1, $0xD;
	s1 =	sshrl.u32 s1, $0x2  }
0xc1: {  	s3 =	sand.u32 $0x4000, s31;
	s1 =	sadd.s32 s1, s30  }
0xc2: {  	s0 =	sor.u32 s3, s0;
	s1 =	sshll.u32 s1, $0x11  }
0xc3: {  	s0 =	sor.u32 s1, s0  }
0xc4: {  	s0 =	sadd.s32 $0x8F2B, s0  }
0xc5: {  	[sflag:s0] =	ssyncadd.remote.s32 $0x1  }
0xc6: {  	_ =	sfence.sel $0xFFFF  }
0xc7: {  	[dreg:$0x0] =	wrdreg $0xFFFFFFFF;
	(pc) =	sbr.abs _section_cstart, $3  }
0xc8: {  	[dreg:$0x1] =	wrdreg $0xFFFFFFFF  }
0xc9: {  	_ =	task.clear_ibuf [dreg:s9], $0x2FFFF;
	_ =	strace $0x9FFFFFFF  }
0xca: {  	(tm) =	ssettm $0x7FFFFFFF  }
0xcb: {  	_ =	shalt  }
tec
execute0_lowered:
.L_overlay_start_1:
0x0: {  	(tag) =	ssettag $0x1  }
0x1: {  	s5 =	stileid.u32  }
0x2: {  	p0 =	sgt.u32 s5, $0x3  }
.Ltmp0:
0x3: {  	s1 =	rddreg [dreg:$0x0];
	(pc) =	sbr.rel @p0 .LBB2_35-.Ltmp0, $4  }
0x4: {  	s4 =	rddreg [dreg:$0x1]  }
0x5: {  	s3 =	rddreg [dreg:$0x2];
	s2 =	simm.s32 $0x0  }
0x6: {  	[smem:$0x7FF] =	sst s2  }
0x7: {  	s0 =	rddreg [dreg:$0x3];
	_ =	strace $0x80000053  }
0x8: {  	s5 =	srdreg.scid;
	s6 =	stileid.u32  }
0x9: {  	s5 =	sand.u32 $0x1, s5;
	s6 =	sshll.u32 s6, $0x1  }
0xa: {  	s7 =	sadd.s32 $0x186A00, s1;
	s6 =	sor.u32 s5, s6  }
0xb: {  	s8 =	sadd.s32 $0x187000, s1;
	s9 =	sshll.u32 s6, $0x1;
	s12 =	sshll.u32 s6, $0x3  }
0xc: {  	s19 =	smul.u32 $0x98, s6;
	s9 =	sadd.s32 s9, s1;
	s4 =	sadd.s32 s4, s12  }
0xd: {  	s10 =	sadd.s32 $0x187600, s1;
	s9 =	sadd.s32 $0x187C00, s9;
	[dreg:$0x6] =	wrdreg s4  }
0xe: {  	s11 =	smul.u32 $0x4C0, s6;
	s28 =	sadd.s32 s7, s19;
	[dreg:$0x5] =	wrdreg s9  }
0xf: {  	s23 =	smul.u32 $0x26, s6;
	s30 =	sadd.s32 s8, s19;
	[dreg:$0x7] =	wrdreg s28  }
0x10: {  	s26 =	sshrl.u32 s11, $0x3;
	s18 =	sadd.s32 s10, s19;
	[dreg:$0x8] =	wrdreg s30  }
0x11: {  	s3 =	sadd.s32 s3, s23;
	s0 =	sadd.s32 s0, s19;
	[dreg:$0xf] =	wrdreg s18  }
0x12: {  	s31 =	sadd.s32 $0x26, s26;
	s14 =	sadd.s32 $0x4C, s26;
	[dreg:$0x13] =	wrdreg s3  }
0x13: {  	s4 =	sadd.s32 $0x72, s26;
	s26 =	sadd.s32 s1, s23;
	[dreg:$0x15] =	wrdreg s0  }
0x14: {  	s12 =	sadd.s32 s7, s31;
	[dreg:$0x14] =	wrdreg s26  }
0x15: {  	s20 =	sadd.s32 $0x3F8C00, s1;
	s13 =	sadd.s32 s8, s31;
	[dreg:$0x9] =	wrdreg s12  }
0x16: {  	s29 =	simm.s32 $0x13A00;
	s15 =	sadd.s32 s7, s14;
	[dreg:$0xa] =	wrdreg s13  }
0x17: {  	s24 =	ssub.s32 $0x2, s5;
	s16 =	sadd.s32 s8, s14;
	[dreg:$0xb] =	wrdreg s15  }
0x18: {  	v2 =	vimm.s32 $0xECA86420;
	s25 =	smul.u32 $0x2710, s6;
	s7 =	sadd.s32 s7, s4;
	[dreg:$0xc] =	wrdreg s16  }
0x19: {  	v0 =	vimm.f32 $-1.000000000e+00;
	v1 =	vimm.s32 $0x0;
	v3 =	vlaneseq.u32;
	s11 =	simm.s32 $0x1;
	s17 =	sadd.s32 s8, s4;
	[dreg:$0xd] =	wrdreg s7  }
0x1a: {  	vm0 =	vcmask $0xB08;
	vm1 =	vcmask $0x1310;
	vm2 =	vcmask $0x1B18;
	s28 =	sshrl.u32 s24, $0x1;
	s21 =	sadd.s32 s10, s31;
	[dreg:$0xe] =	wrdreg s17  }
0x1b: {  	vm3 =	vcmask $0x300;
	vm4 =	vcmask $0x2320;
	vm5 =	vcmask $0x2B28;
	s9 =	simm.s32 $0x13B80;
	s22 =	sadd.s32 s10, s14;
	[dreg:$0x10] =	wrdreg s21  }
0x1c: {  	vm6 =	vcmask $0x3330;
	vm7 =	vcmask $0x3B38;
	vm8 =	vmmov $0xff;
	s3 =	simm.s32 $0x0;
	s4 =	sadd.s32 s10, s4;
	[dreg:$0x11] =	wrdreg s22  }
0x1d: {  	vm12 =	vcmask $0x1F1C;
	vm13 =	vcmask $0x2724;
	v4 =	vunpack.c.l.s4.s8 v2;
	s30 =	ssub.s32 s24, s28;
	s31 =	sadd.s32 s20, s25;
	[dreg:$0x12] =	wrdreg s4  }
0x1e: {  	vm14 =	vcmask $0x2F2C;
	vm15 =	vcmask $0x3734;
	v2 =	vimm.f32 $0.0e+00;
	s26 =	simm.s32 $0x13880;
	[dreg:$0x16] =	wrdreg s31;
	s0 =	smax.u32 s30, $0x1  }
0x1f: {  	v5 =	vmul.u32 $0x2, v3;
	v6 =	vmul.u32 $0x4, v3;
	v4 =	vunpack.c.0.s8.s32 v4;
	s12 =	simm.s32 $0x13D00;
	[dreg:$0x17] =	wrdreg s0;
	s0 =	simm.s32 $0x14400  }
.LBB2_2:
0x20: {  	[dreg:$0x18] =	wrdreg s3  }
0x21: {  	s25 =	simm.s32 $0x0;
	s1 =	rddreg [dreg:$0x16]  }
0x22: {  	[tilespmem:s25], [sflag:$0x1] =	stream.linear.gather [hbm4b:s1+s25], $0x13880, $0x38;
	[tilespmem:$0x14900] =	vst v63  }
0x23: {  	_ =	swait.ge [sflag:s11], $0x13880  }
0x24: {  	[sflag:s11] =	ssyncset.done $0x0  }
0x25: {  	s4 =	simm.s32 $0x13E80;
	s28 =	rddreg [dreg:$0x5];
	[sflag:s11] =	ssyncadd.s32 $0xFFFEC780  }
0x26: {  	[tilespmem:s4], [sflag:$0x1] =	stream.linear.gather [hbm4b:s28+s25], $0x10, $0x38;
	[tilespmem:$0x14900] =	vst v63  }
0x27: {  	_ =	swait.ge [sflag:s11], $0x10  }
0x28: {  	[sflag:s11] =	ssyncset.done $0x0  }
0x29: {  	s31 =	simm.s32 $0x13F00;
	s30 =	rddreg [dreg:$0x6];
	[sflag:s11] =	ssyncadd.s32 $0xFFFFFFF0  }
0x2a: {  	[tilespmem:s31], [sflag:$0x1] =	stream.linear.gather [hbm4b:s30+s25], $0x40, $0x38;
	[tilespmem:$0x14900] =	vst v63  }
0x2b: {  	_ =	swait.ge [sflag:s11], $0x40  }
0x2c: {  	[sflag:s11] =	ssyncset.done $0x0  }
0x2d: {  	[sflag:s11] =	ssyncadd.s32 $0xFFFFFFC0  }
0x2e: {  	[tilespmem:$0x13880] =	vst v0  }
0x2f: {  	[tilespmem:$0x13A00] =	vst v1  }
0x30: {  	[tilespmem:$0x13890] =	vst v0  }
0x31: {  	[tilespmem:$0x13A10] =	vst v1  }
0x32: {  	[tilespmem:$0x138A0] =	vst v0  }
0x33: {  	[tilespmem:$0x13A20] =	vst v1  }
0x34: {  	[tilespmem:$0x138B0] =	vst v0  }
0x35: {  	[tilespmem:$0x13A30] =	vst v1  }
0x36: {  	[tilespmem:$0x138C0] =	vst v0  }
0x37: {  	[tilespmem:$0x13A40] =	vst v1  }
0x38: {  	[tilespmem:$0x138D0] =	vst v0  }
0x39: {  	[tilespmem:$0x13A50] =	vst v1  }
0x3a: {  	[tilespmem:$0x138E0] =	vst v0  }
0x3b: {  	[tilespmem:$0x13A60] =	vst v1  }
0x3c: {  	[tilespmem:$0x138F0] =	vst v0  }
0x3d: {  	[tilespmem:$0x13A70] =	vst v1  }
0x3e: {  	[tilespmem:$0x13900] =	vst v0  }
0x3f: {  	[tilespmem:$0x13A80] =	vst v1  }
0x40: {  	[tilespmem:$0x13910] =	vst v0  }
0x41: {  	[tilespmem:$0x13A90] =	vst v1  }
0x42: {  	[tilespmem:$0x13920] =	vst v0  }
0x43: {  	[tilespmem:$0x13AA0] =	vst v1  }
0x44: {  	[tilespmem:$0x13930] =	vst v0  }
0x45: {  	[tilespmem:$0x13AB0] =	vst v1  }
0x46: {  	[tilespmem:$0x13940] =	vst v0  }
0x47: {  	[tilespmem:$0x13AC0] =	vst v1  }
0x48: {  	[tilespmem:$0x13950] =	vst v0  }
0x49: {  	[tilespmem:$0x13AD0] =	vst v1  }
0x4a: {  	[tilespmem:$0x13960] =	vst v0  }
0x4b: {  	[tilespmem:$0x13AE0] =	vst v1  }
0x4c: {  	[tilespmem:$0x13970] =	vst v0  }
0x4d: {  	[tilespmem:$0x13AF0] =	vst v1  }
0x4e: {  	[tilespmem:$0x13980] =	vst v0  }
0x4f: {  	[tilespmem:$0x13B00] =	vst v1  }
0x50: {  	[tilespmem:$0x13990] =	vst v0  }
0x51: {  	[tilespmem:$0x13B10] =	vst v1  }
0x52: {  	[tilespmem:$0x139A0] =	vst v0  }
0x53: {  	[tilespmem:$0x13B20] =	vst v1  }
0x54: {  	[tilespmem:$0x139B0] =	vst v0  }
0x55: {  	s3 =	simm.s32 $0x40;
	s4 =	simm.s32 $0x0;
	v7 =	vld [tilespmem:$0x13E80];
	[tilespmem:$0x13B30] =	vst v1  }
.LBB2_3:
0x56: {  	p0 =	sne.s32 s3, $0x480;
	[tilespmem:s4+$0x14100] =	vst v1;
	s5 =	smov.u32 s3;
	s3 =	sadd.s32 $0x40, s3  }
.Ltmp1:
0x57: {  	[tilespmem:s4+$0x14280] =	vst v1;
	(pc) =	sbr.rel @p0 .LBB2_3-.Ltmp1, $2  }
0x58: {  	[tilespmem:s4+$0x13F80] =	vst v2;
	_ =	sdelay $0x2  }
0x59: {  	s4 =	sshra.s32 s5, $0x2  }
0x5a: {  	[tilespmem:s4+$0x14100] =	vst v1  }
0x5b: {  	[tilespmem:s4+$0x14280] =	vst v1  }
0x5c: {  	[tilespmem:s4+$0x13F80] =	vst v2  }
0x5d: {  	v8 =	vld [tilespmem:$0x13F00];
	_ =	sdelay $0x4  }
0x5e: {  	(v2sf) =	vpush v8, $0x0;
	_ =	sdelay $0xc  }
0x5f: {  	s4 =	simm.s32 $0x0;
	s1 =	rddreg [dreg:$0x7]  }
0x60: {  	[tilespmem:s9], [sflag:$0x1] =	stream.linear.gather [hbm4b:s1+s4], $0x130, $0x38;
	[tilespmem:$0x14900] =	vst v63  }
0x61: {  	s3 =	spop (v2sf)  }
0x62: {  	_ =	swait.ge [sflag:s11], $0x130  }
0x63: {  	v8 =	vmov s3;
	[sflag:s11] =	ssyncset.done $0x0  }
0x64: {  	s6 =	simm.s32 $0x0;
	vm9 =	vgt.s32 v8, v3;
	[sflag:s11] =	ssyncadd.s32 $0xFFFFFED0  }
0x65: {  	v10 =	vadd.s32 s4, v3;
	v9 =	vld [tilespmem:s6+$0x13B80]  }
0x66: {  	p0 =	sgt.s32 s3, $0x0;
	s7 =	smov.u32 s3  }
0x67: {  	s5 =	simm.s32 $0x40;
	s7 =	simm.s32 @!p0 $0x0;
	s6 =	sadd.s32 $0xFFFFFFF0, s3  }
.LBB2_5:
0x68: {  	p1 =	sne.s32 s5, $0x480  }
0x69: {  	v11 =	vmov s6;
	s7 =	smin.u32 s7, $0x10;
	s8 =	smov.u32 s5;
	s5 =	sadd.s32 $0x40, s5  }
.Ltmp2:
0x6a: {  	s8 =	sshra.s32 s8, $0x2;
	[tilespmem:v10+s26+$0x0] =	vst.idx.msk vm9, v9;
	vm9 =	vgt.s32 v11, v3;
	s4 =	sadd.s32 s4, s7;
	(pc) =	sbr.rel @p1 .LBB2_5-.Ltmp2, $3  }
0x6b: {  	v9 =	vld [tilespmem:s8+$0x13B80];
	v10 =	vadd.s32 s4, v3;
	_ =	sdelay $0x1  }
0x6c: {  	p2 =	sgt.s32 s6, $0x0;
	s7 =	smov.u32 s6;
	s8 =	sadd.s32 $0xFFFFFFF0, s6  }
0x6d: {  	s7 =	simm.s32 @!p2 $0x0;
	s6 =	smov.u32 s8  }
0x6e: {  	_ =	sdelay $0x4  }
0x6f: {  	s5 =	simm.s32 $0x0;
	s1 =	rddreg [dreg:$0x8];
	[tilespmem:v10+s26+$0x0] =	vst.idx.msk vm9, v9  }
0x70: {  	[tilespmem:s12], [sflag:$0x1] =	stream.linear.gather [hbm4b:s1+s5], $0x130, $0x38;
	[tilespmem:$0x14900] =	vst v63  }
0x71: {  	_ =	swait.ge [sflag:s11], $0x130  }
0x72: {  	[sflag:s11] =	ssyncset.done $0x0  }
0x73: {  	s8 =	simm.s32 $0x0;
	vm9 =	vgt.s32 v8, v3;
	[sflag:s11] =	ssyncadd.s32 $0xFFFFFED0  }
0x74: {  	v9 =	vadd.s32 s5, v3;
	v8 =	vld [tilespmem:s8+$0x13D00]  }
0x75: {  	s7 =	smin.u32 s7, $0x10;
	s6 =	sadd.s32 $0xFFFFFFF0, s3  }
0x76: {  	s3 =	simm.s32 @!p0 $0x0;
	s23 =	sadd.s32 s4, s7;
	s4 =	simm.s32 $0x40  }
.LBB2_7:
0x77: {  	p0 =	sne.s32 s4, $0x480  }
0x78: {  	v10 =	vmov s6;
	s3 =	smin.u32 s3, $0x10;
	s7 =	smov.u32 s4;
	s4 =	sadd.s32 $0x40, s4  }
.Ltmp3:
0x79: {  	s7 =	sshra.s32 s7, $0x2;
	[tilespmem:v9+s29+$0x0] =	vst.idx.msk vm9, v8;
	vm9 =	vgt.s32 v10, v3;
	s5 =	sadd.s32 s5, s3;
	(pc) =	sbr.rel @p0 .LBB2_7-.Ltmp3, $3  }
0x7a: {  	v8 =	vld [tilespmem:s7+$0x13D00];
	v9 =	vadd.s32 s5, v3;
	_ =	sdelay $0x1  }
0x7b: {  	p1 =	sgt.s32 s6, $0x0;
	s3 =	smov.u32 s6;
	s7 =	sadd.s32 $0xFFFFFFF0, s6  }
0x7c: {  	s3 =	simm.s32 @!p1 $0x0;
	s6 =	smov.u32 s7  }
0x7d: {  	_ =	sdelay $0x4  }
0x7e: {  	[tilespmem:v9+s29+$0x0] =	vst.idx.msk vm9, v8  }
0x7f: {  	v8 =	vld [tilespmem:$0x13F10];
	_ =	sdelay $0x4  }
0x80: {  	(v2sf) =	vpush v8, $0x0;
	_ =	sdelay $0xc  }
0x81: {  	s4 =	simm.s32 $0x0;
	s1 =	rddreg [dreg:$0x9]  }
0x82: {  	[tilespmem:s9], [sflag:$0x1] =	stream.linear.gather [hbm4b:s1+s4], $0x130, $0x38;
	[tilespmem:$0x14900] =	vst v63  }
0x83: {  	s3 =	spop (v2sf)  }
0x84: {  	_ =	swait.ge [sflag:s11], $0x130  }
0x85: {  	v8 =	vmov s3;
	[sflag:s11] =	ssyncset.done $0x0  }
0x86: {  	s31 =	simm.s32 $0x0;
	vm9 =	vgt.s32 v8, v3;
	[sflag:s11] =	ssyncadd.s32 $0xFFFFFED0  }
0x87: {  	v10 =	vadd.s32 s23, v3;
	v9 =	vld [tilespmem:s31+$0x13B80]  }
0x88: {  	s5 =	simm.s32 $0x40;
	p0 =	sgt.s32 s3, $0x0;
	s7 =	smov.u32 s3  }
0x89: {  	s4 =	smov.u32 s23;
	s6 =	sadd.s32 $0xFFFFFFF0, s3;
	s7 =	simm.s32 @!p0 $0x0  }
.LBB2_9:
0x8a: {  	p1 =	sne.s32 s5, $0x480  }
0x8b: {  	v11 =	vmov s6;
	s7 =	smin.u32 s7, $0x10;
	s8 =	smov.u32 s5;
	s5 =	sadd.s32 $0x40, s5  }
.Ltmp4:
0x8c: {  	s8 =	sshra.s32 s8, $0x2;
	[tilespmem:v10+s26+$0x0] =	vst.idx.msk vm9, v9;
	vm9 =	vgt.s32 v11, v3;
	s4 =	sadd.s32 s4, s7;
	(pc) =	sbr.rel @p1 .LBB2_9-.Ltmp4, $3  }
0x8d: {  	v9 =	vld [tilespmem:s8+$0x13B80];
	v10 =	vadd.s32 s4, v3;
	_ =	sdelay $0x1  }
0x8e: {  	p2 =	sgt.s32 s6, $0x0;
	s7 =	smov.u32 s6;
	s8 =	sadd.s32 $0xFFFFFFF0, s6  }
0x8f: {  	s7 =	simm.s32 @!p2 $0x0;
	s6 =	smov.u32 s8  }
0x90: {  	_ =	sdelay $0x4  }
0x91: {  	s5 =	simm.s32 $0x0;
	s1 =	rddreg [dreg:$0xa];
	[tilespmem:v10+s26+$0x0] =	vst.idx.msk vm9, v9  }
0x92: {  	[tilespmem:s12], [sflag:$0x1] =	stream.linear.gather [hbm4b:s1+s5], $0x130, $0x38;
	[tilespmem:$0x14900] =	vst v63  }
0x93: {  	_ =	swait.ge [sflag:s11], $0x130  }
0x94: {  	[sflag:s11] =	ssyncset.done $0x0  }
0x95: {  	s31 =	simm.s32 $0x0;
	vm9 =	vgt.s32 v8, v3;
	[sflag:s11] =	ssyncadd.s32 $0xFFFFFED0  }
0x96: {  	s6 =	smin.u32 s7, $0x10;
	v9 =	vadd.s32 s23, v3;
	v8 =	vld [tilespmem:s31+$0x13D00]  }
0x97: {  	s24 =	sadd.s32 s4, s6  }
0x98: {  	s4 =	simm.s32 $0x40;
	s5 =	sadd.s32 $0xFFFFFFF0, s3;
	s3 =	simm.s32 @!p0 $0x0  }
.LBB2_11:
0x99: {  	p0 =	sne.s32 s4, $0x480  }
0x9a: {  	v10 =	vmov s5;
	s3 =	smin.u32 s3, $0x10;
	s6 =	smov.u32 s4;
	s4 =	sadd.s32 $0x40, s4  }
.Ltmp5:
0x9b: {  	s6 =	sshra.s32 s6, $0x2;
	[tilespmem:v9+s29+$0x0] =	vst.idx.msk vm9, v8;
	vm9 =	vgt.s32 v10, v3;
	s23 =	sadd.s32 s23, s3;
	(pc) =	sbr.rel @p0 .LBB2_11-.Ltmp5, $3  }
0x9c: {  	v8 =	vld [tilespmem:s6+$0x13D00];
	v9 =	vadd.s32 s23, v3;
	_ =	sdelay $0x1  }
0x9d: {  	p1 =	sgt.s32 s5, $0x0;
	s3 =	smov.u32 s5;
	s6 =	sadd.s32 $0xFFFFFFF0, s5  }
0x9e: {  	s3 =	simm.s32 @!p1 $0x0;
	s5 =	smov.u32 s6  }
0x9f: {  	_ =	sdelay $0x4  }
0xa0: {  	[tilespmem:v9+s29+$0x0] =	vst.idx.msk vm9, v8  }
0xa1: {  	v8 =	vld [tilespmem:$0x13F20];
	_ =	sdelay $0x4  }
0xa2: {  	(v2sf) =	vpush v8, $0x0;
	_ =	sdelay $0xc  }
0xa3: {  	s4 =	simm.s32 $0x0;
	s1 =	rddreg [dreg:$0xb]  }
0xa4: {  	[tilespmem:s9], [sflag:$0x1] =	stream.linear.gather [hbm4b:s1+s4], $0x130, $0x38;
	[tilespmem:$0x14900] =	vst v63  }
0xa5: {  	s3 =	spop (v2sf)  }
0xa6: {  	_ =	swait.ge [sflag:s11], $0x130  }
0xa7: {  	v8 =	vmov s3;
	[sflag:s11] =	ssyncset.done $0x0  }
0xa8: {  	s31 =	simm.s32 $0x0;
	vm9 =	vgt.s32 v8, v3;
	[sflag:s11] =	ssyncadd.s32 $0xFFFFFED0  }
0xa9: {  	v10 =	vadd.s32 s24, v3;
	v9 =	vld [tilespmem:s31+$0x13B80]  }
0xaa: {  	s5 =	simm.s32 $0x40;
	p0 =	sgt.s32 s3, $0x0;
	s7 =	smov.u32 s3  }
0xab: {  	s4 =	smov.u32 s24;
	s6 =	sadd.s32 $0xFFFFFFF0, s3;
	s7 =	simm.s32 @!p0 $0x0  }
.LBB2_13:
0xac: {  	p1 =	sne.s32 s5, $0x480  }
0xad: {  	v11 =	vmov s6;
	s7 =	smin.u32 s7, $0x10;
	s8 =	smov.u32 s5;
	s5 =	sadd.s32 $0x40, s5  }
.Ltmp6:
0xae: {  	s8 =	sshra.s32 s8, $0x2;
	[tilespmem:v10+s26+$0x0] =	vst.idx.msk vm9, v9;
	vm9 =	vgt.s32 v11, v3;
	s4 =	sadd.s32 s4, s7;
	(pc) =	sbr.rel @p1 .LBB2_13-.Ltmp6, $3  }
0xaf: {  	v9 =	vld [tilespmem:s8+$0x13B80];
	v10 =	vadd.s32 s4, v3;
	_ =	sdelay $0x1  }
0xb0: {  	p2 =	sgt.s32 s6, $0x0;
	s7 =	smov.u32 s6;
	s8 =	sadd.s32 $0xFFFFFFF0, s6  }
0xb1: {  	s7 =	simm.s32 @!p2 $0x0;
	s6 =	smov.u32 s8  }
0xb2: {  	_ =	sdelay $0x4  }
0xb3: {  	s5 =	simm.s32 $0x0;
	s1 =	rddreg [dreg:$0xc];
	[tilespmem:v10+s26+$0x0] =	vst.idx.msk vm9, v9  }
0xb4: {  	[tilespmem:s12], [sflag:$0x1] =	stream.linear.gather [hbm4b:s1+s5], $0x130, $0x38;
	[tilespmem:$0x14900] =	vst v63  }
0xb5: {  	_ =	swait.ge [sflag:s11], $0x130  }
0xb6: {  	[sflag:s11] =	ssyncset.done $0x0  }
0xb7: {  	s31 =	simm.s32 $0x0;
	vm9 =	vgt.s32 v8, v3;
	[sflag:s11] =	ssyncadd.s32 $0xFFFFFED0  }
0xb8: {  	s6 =	smin.u32 s7, $0x10;
	v9 =	vadd.s32 s24, v3;
	v8 =	vld [tilespmem:s31+$0x13D00]  }
0xb9: {  	s23 =	sadd.s32 s4, s6  }
0xba: {  	s4 =	simm.s32 $0x40;
	s5 =	sadd.s32 $0xFFFFFFF0, s3;
	s3 =	simm.s32 @!p0 $0x0  }
.LBB2_15:
0xbb: {  	p0 =	sne.s32 s4, $0x480  }
0xbc: {  	v10 =	vmov s5;
	s3 =	smin.u32 s3, $0x10;
	s6 =	smov.u32 s4;
	s4 =	sadd.s32 $0x40, s4  }
.Ltmp7:
0xbd: {  	s6 =	sshra.s32 s6, $0x2;
	[tilespmem:v9+s29+$0x0] =	vst.idx.msk vm9, v8;
	vm9 =	vgt.s32 v10, v3;
	s24 =	sadd.s32 s24, s3;
	(pc) =	sbr.rel @p0 .LBB2_15-.Ltmp7, $3  }
0xbe: {  	v8 =	vld [tilespmem:s6+$0x13D00];
	v9 =	vadd.s32 s24, v3;
	_ =	sdelay $0x1  }
0xbf: {  	p1 =	sgt.s32 s5, $0x0;
	s3 =	smov.u32 s5;
	s6 =	sadd.s32 $0xFFFFFFF0, s5  }
0xc0: {  	s3 =	simm.s32 @!p1 $0x0;
	s5 =	smov.u32 s6  }
0xc1: {  	_ =	sdelay $0x4  }
0xc2: {  	[tilespmem:v9+s29+$0x0] =	vst.idx.msk vm9, v8  }
0xc3: {  	v8 =	vld [tilespmem:$0x13F30];
	_ =	sdelay $0x4  }
0xc4: {  	(v2sf) =	vpush v8, $0x0;
	_ =	sdelay $0xc  }
0xc5: {  	s3 =	simm.s32 $0x0;
	s1 =	rddreg [dreg:$0xd]  }
0xc6: {  	[tilespmem:s9], [sflag:$0x1] =	stream.linear.gather [hbm4b:s1+s3], $0x130, $0x38;
	[tilespmem:$0x14900] =	vst v63  }
0xc7: {  	s5 =	spop (v2sf)  }
0xc8: {  	_ =	swait.ge [sflag:s11], $0x130  }
0xc9: {  	v8 =	vmov s5;
	[sflag:s11] =	ssyncset.done $0x0  }
0xca: {  	s31 =	simm.s32 $0x0;
	vm9 =	vgt.s32 v8, v3;
	[sflag:s11] =	ssyncadd.s32 $0xFFFFFED0  }
0xcb: {  	v10 =	vadd.s32 s23, v3;
	v9 =	vld [tilespmem:s31+$0x13B80]  }
0xcc: {  	s6 =	simm.s32 $0x40;
	p0 =	sgt.s32 s5, $0x0;
	s8 =	smov.u32 s5  }
0xcd: {  	s4 =	smov.u32 s23;
	s7 =	sadd.s32 $0xFFFFFFF0, s5;
	s8 =	simm.s32 @!p0 $0x0  }
.LBB2_17:
0xce: {  	s3 =	smov.u32 s4;
	p1 =	sne.s32 s6, $0x480  }
0xcf: {  	v11 =	vmov s7;
	s8 =	smin.u32 s8, $0x10;
	s9 =	smov.u32 s6;
	s6 =	sadd.s32 $0x40, s6  }
.Ltmp8:
0xd0: {  	s9 =	sshra.s32 s9, $0x2;
	s4 =	sadd.s32 s4, s8;
	[tilespmem:v10+s26+$0x0] =	vst.idx.msk vm9, v9;
	vm9 =	vgt.s32 v11, v3;
	(pc) =	sbr.rel @p1 .LBB2_17-.Ltmp8, $3  }
0xd1: {  	v10 =	vadd.s32 s4, v3;
	v9 =	vld [tilespmem:s9+$0x13B80];
	_ =	sdelay $0x1  }
0xd2: {  	p2 =	sgt.s32 s7, $0x0;
	s8 =	smov.u32 s7;
	s9 =	sadd.s32 $0xFFFFFFF0, s7  }
0xd3: {  	s8 =	simm.s32 @!p2 $0x0;
	s7 =	smov.u32 s9  }
0xd4: {  	_ =	sdelay $0x4  }
0xd5: {  	s6 =	simm.s32 $0x0;
	s1 =	rddreg [dreg:$0xe];
	[tilespmem:v10+s26+$0x0] =	vst.idx.msk vm9, v9  }
0xd6: {  	[tilespmem:s12], [sflag:$0x1] =	stream.linear.gather [hbm4b:s1+s6], $0x130, $0x38;
	[tilespmem:$0x14900] =	vst v63  }
0xd7: {  	_ =	swait.ge [sflag:s11], $0x130  }
0xd8: {  	[sflag:s11] =	ssyncset.done $0x0  }
0xd9: {  	s9 =	simm.s32 $0x0;
	vm9 =	vgt.s32 v8, v3;
	[sflag:s11] =	ssyncadd.s32 $0xFFFFFED0  }
0xda: {  	v9 =	vadd.s32 s23, v3;
	v8 =	vld [tilespmem:s9+$0x13D00]  }
0xdb: {  	s7 =	sadd.s32 $0xFFFFFFF0, s5;
	s6 =	smin.u32 s8, $0x10  }
0xdc: {  	s5 =	simm.s32 @!p0 $0x0;
	s8 =	simm.s32 $0x40;
	s4 =	sadd.s32 s4, s6  }
.LBB2_19:
0xdd: {  	p0 =	sne.s32 s8, $0x480  }
0xde: {  	v10 =	vmov s7;
	s5 =	smin.u32 s5, $0x10;
	s9 =	smov.u32 s8;
	s8 =	sadd.s32 $0x40, s8  }
.Ltmp9:
0xdf: {  	s9 =	sshra.s32 s9, $0x2;
	[tilespmem:v9+s29+$0x0] =	vst.idx.msk vm9, v8;
	vm9 =	vgt.s32 v10, v3;
	s23 =	sadd.s32 s23, s5;
	(pc) =	sbr.rel @p0 .LBB2_19-.Ltmp9, $3  }
0xe0: {  	v8 =	vld [tilespmem:s9+$0x13D00];
	v9 =	vadd.s32 s23, v3;
	_ =	sdelay $0x1  }
0xe1: {  	p1 =	sgt.s32 s7, $0x0;
	s5 =	smov.u32 s7;
	s9 =	sadd.s32 $0xFFFFFFF0, s7  }
0xe2: {  	s5 =	simm.s32 @!p1 $0x0;
	s7 =	smov.u32 s9  }
0xe3: {  	_ =	sdelay $0x4  }
0xe4: {  	[tilespmem:v9+s29+$0x0] =	vst.idx.msk vm9, v8  }
0xe5: {  	v8 =	vld [tilespmem:$0x13F00];
	_ =	sdelay $0x4  }
0xe6: {  	(v2sf) =	vpush v8, $0x1;
	_ =	sdelay $0xc  }
0xe7: {  	s5 =	simm.s32 $0x0;
	s1 =	rddreg [dreg:$0xf];
	s3 =	sadd.s32 s6, s3  }
0xe8: {  	[tilespmem:s12], [sflag:$0x1] =	stream.linear.gather [hbm4b:s1+s5], $0x130, $0x38;
	[tilespmem:$0x14900] =	vst v63  }
0xe9: {  	s6 =	ssub.s32 $0x12C, s3;
	s5 =	spop (v2sf)  }
0xea: {  	s8 =	smov.u32 s6;
	p0 =	slt.s32 s5, s6  }
0xeb: {  	_ =	swait.ge [sflag:s11], $0x130;
	s8 =	smov.u32 @p0 s5  }
0xec: {  	[sflag:s11] =	ssyncset.done $0x0;
	v8 =	vmov s8  }
0xed: {  	s9 =	simm.s32 $0x0;
	s7 =	simm.s32 $0x40;
	[sflag:s11] =	ssyncadd.s32 $0xFFFFFED0;
	vm9 =	vgt.s32 v8, v3  }
.LBB2_21:
0xee: {  	s10 =	smov.u32 s8  }
0xef: {  	p1 =	sne.s32 s7, $0x480;
	v9 =	vadd.s32 s4, v3;
	v8 =	vld [tilespmem:s9+$0x13D00];
	_ =	sdelay $0x1  }
.Ltmp10:
0xf0: {  	(pc) =	sbr.rel @p1 .LBB2_21-.Ltmp10, $4  }
0xf1: {  	p2 =	sgt.s32 s8, $0x0  }
0xf2: {  	s8 =	sadd.s32 $0xFFFFFFF0, s8;
	s10 =	simm.s32 @!p2 $0x0  }
0xf3: {  	v10 =	vmov s8;
	s10 =	smin.u32 s10, $0x10;
	[tilespmem:v9+s29+$0x0] =	vst.idx.msk vm9, v8  }
0xf4: {  	s9 =	sshra.s32 s7, $0x2;
	s7 =	sadd.s32 $0x40, s7;
	s4 =	sadd.s32 s4, s10;
	[tilespmem:v9+s26+$0x0] =	vst.idx.msk vm9, v7;
	vm9 =	vgt.s32 v10, v3  }
0xf5: {  	v8 =	vld [tilespmem:s9+$0x13D00];
	v9 =	vadd.s32 s4, v3;
	_ =	sdelay $0x4  }
0xf6: {  	[tilespmem:v9+s29+$0x0] =	vst.idx.msk vm9, v8  }
0xf7: {  	[tilespmem:v9+s26+$0x0] =	vst.idx.msk vm9, v7  }
0xf8: {  	v8 =	vld [tilespmem:$0x13F10];
	_ =	sdelay $0x4  }
0xf9: {  	(v2sf) =	vpush v8, $0x1;
	_ =	sdelay $0xb  }
0xfa: {  	s6 =	smov.u32 @p0 s5  }
0xfb: {  	s7 =	simm.s32 $0x0;
	s1 =	rddreg [dreg:$0x10];
	s24 =	sadd.s32 s3, s6  }
0xfc: {  	[tilespmem:s12], [sflag:$0x1] =	stream.linear.gather [hbm4b:s1+s7], $0x130, $0x38;
	[tilespmem:$0x14900] =	vst v63  }
0xfd: {  	p0 =	sgt.s32 s8, $0x0;
	s3 =	ssub.s32 $0x12C, s24;
	s5 =	spop (v2sf)  }
0xfe: {  	s8 =	simm.s32 @!p0 $0x0;
	s7 =	smov.u32 s3;
	p0 =	slt.s32 s5, s3  }
0xff: {  	_ =	swait.ge [sflag:s11], $0x130;
	s7 =	smov.u32 @p0 s5  }
0x100: {  	s6 =	simm.s32 $0x40;
	s31 =	smin.u32 s8, $0x10;
	[sflag:s11] =	ssyncset.done $0x0;
	v8 =	vmov s7  }
0x101: {  	s8 =	simm.s32 $0x0;
	s4 =	sadd.s32 s4, s31;
	[sflag:s11] =	ssyncadd.s32 $0xFFFFFED0;
	vm9 =	vgt.s32 v8, v3  }
.LBB2_23:
0x102: {  	s9 =	smov.u32 s7  }
0x103: {  	p1 =	sne.s32 s6, $0x480;
	v9 =	vadd.s32 s4, v3;
	v8 =	vld [tilespmem:s8+$0x13D00];
	_ =	sdelay $0x1  }
.Ltmp11:
0x104: {  	(pc) =	sbr.rel @p1 .LBB2_23-.Ltmp11, $4  }
0x105: {  	p2 =	sgt.s32 s7, $0x0  }
0x106: {  	s7 =	sadd.s32 $0xFFFFFFF0, s7;
	s9 =	simm.s32 @!p2 $0x0  }
0x107: {  	v10 =	vmov s7;
	s9 =	smin.u32 s9, $0x10;
	[tilespmem:v9+s29+$0x0] =	vst.idx.msk vm9, v8  }
0x108: {  	s8 =	sshra.s32 s6, $0x2;
	s6 =	sadd.s32 $0x40, s6;
	s4 =	sadd.s32 s4, s9;
	[tilespmem:v9+s26+$0x0] =	vst.idx.msk vm9, v7;
	vm9 =	vgt.s32 v10, v3  }
0x109: {  	v8 =	vld [tilespmem:s8+$0x13D00];
	v9 =	vadd.s32 s4, v3;
	_ =	sdelay $0x4  }
0x10a: {  	[tilespmem:v9+s29+$0x0] =	vst.idx.msk vm9, v8  }
0x10b: {  	[tilespmem:v9+s26+$0x0] =	vst.idx.msk vm9, v7  }
0x10c: {  	v8 =	vld [tilespmem:$0x13F20];
	_ =	sdelay $0x4  }
0x10d: {  	(v2sf) =	vpush v8, $0x1;
	_ =	sdelay $0xb  }
0x10e: {  	s3 =	smov.u32 @p0 s5  }
0x10f: {  	s6 =	simm.s32 $0x0;
	s1 =	rddreg [dreg:$0x11];
	s31 =	sadd.s32 s3, s24  }
0x110: {  	[tilespmem:s12], [sflag:$0x1] =	stream.linear.gather [hbm4b:s1+s6], $0x130, $0x38;
	[tilespmem:$0x14900] =	vst v63  }
0x111: {  	p0 =	sgt.s32 s7, $0x0;
	s6 =	ssub.s32 $0x12C, s31;
	s5 =	spop (v2sf)  }
0x112: {  	s7 =	simm.s32 @!p0 $0x0;
	s8 =	smov.u32 s6;
	p0 =	slt.s32 s5, s6  }
0x113: {  	_ =	swait.ge [sflag:s11], $0x130;
	s8 =	smov.u32 @p0 s5  }
0x114: {  	s9 =	simm.s32 $0x0;
	s7 =	smin.u32 s7, $0x10;
	[sflag:s11] =	ssyncset.done $0x0;
	v8 =	vmov s8  }
0x115: {  	s4 =	sadd.s32 s4, s7;
	s7 =	simm.s32 $0x40;
	[sflag:s11] =	ssyncadd.s32 $0xFFFFFED0;
	vm9 =	vgt.s32 v8, v3  }
.LBB2_25:
0x116: {  	s10 =	smov.u32 s8  }
0x117: {  	p1 =	sne.s32 s7, $0x480;
	v9 =	vadd.s32 s4, v3;
	v8 =	vld [tilespmem:s9+$0x13D00];
	_ =	sdelay $0x1  }
.Ltmp12:
0x118: {  	(pc) =	sbr.rel @p1 .LBB2_25-.Ltmp12, $4  }
0x119: {  	p2 =	sgt.s32 s8, $0x0  }
0x11a: {  	s8 =	sadd.s32 $0xFFFFFFF0, s8;
	s10 =	simm.s32 @!p2 $0x0  }
0x11b: {  	v10 =	vmov s8;
	s10 =	smin.u32 s10, $0x10;
	[tilespmem:v9+s29+$0x0] =	vst.idx.msk vm9, v8  }
0x11c: {  	s9 =	sshra.s32 s7, $0x2;
	s7 =	sadd.s32 $0x40, s7;
	s4 =	sadd.s32 s4, s10;
	[tilespmem:v9+s26+$0x0] =	vst.idx.msk vm9, v7;
	vm9 =	vgt.s32 v10, v3  }
0x11d: {  	v8 =	vld [tilespmem:s9+$0x13D00];
	v9 =	vadd.s32 s4, v3;
	_ =	sdelay $0x4  }
0x11e: {  	[tilespmem:v9+s29+$0x0] =	vst.idx.msk vm9, v8  }
0x11f: {  	[tilespmem:v9+s26+$0x0] =	vst.idx.msk vm9, v7  }
0x120: {  	v8 =	vld [tilespmem:$0x13F30];
	_ =	sdelay $0x4  }
0x121: {  	(v2sf) =	vpush v8, $0x1;
	_ =	sdelay $0xa  }
0x122: {  	s6 =	smov.u32 @p0 s5  }
0x123: {  	s3 =	sadd.s32 s3, s6  }
0x124: {  	s9 =	simm.s32 $0x0;
	s1 =	rddreg [dreg:$0x12];
	s3 =	sadd.s32 s3, s24  }
0x125: {  	[tilespmem:s12], [sflag:$0x1] =	stream.linear.gather [hbm4b:s1+s9], $0x130, $0x38;
	[tilespmem:$0x14900] =	vst v63  }
0x126: {  	p0 =	sgt.s32 s8, $0x0;
	s5 =	ssub.s32 $0x12C, s3;
	s6 =	spop (v2sf)  }
0x127: {  	s8 =	simm.s32 @!p0 $0x0;
	p0 =	slt.s32 s6, s5  }
0x128: {  	s31 =	smin.u32 s8, $0x10;
	_ =	swait.ge [sflag:s11], $0x130;
	s5 =	smov.u32 @p0 s6  }
0x129: {  	s3 =	sadd.s32 s4, s31;
	[sflag:s11] =	ssyncset.done $0x0;
	v8 =	vmov s5  }
0x12a: {  	s4 =	simm.s32 $0x40;
	s6 =	simm.s32 $0x0;
	[sflag:s11] =	ssyncadd.s32 $0xFFFFFED0;
	vm9 =	vgt.s32 v8, v3  }
.LBB2_27:
0x12b: {  	p0 =	sne.s32 s4, $0x480;
	v8 =	vld [tilespmem:s6+$0x13D00];
	v9 =	vadd.s32 s3, v3;
	_ =	sdelay $0x1  }
.Ltmp13:
0x12c: {  	(pc) =	sbr.rel @p0 .LBB2_27-.Ltmp13, $4  }
0x12d: {  	p1 =	sgt.s32 s5, $0x0  }
0x12e: {  	s7 =	sadd.s32 $0xFFFFFFF0, s5;
	s5 =	simm.s32 @!p1 $0x0  }
0x12f: {  	s6 =	sshra.s32 s4, $0x2;
	v10 =	vmov s7;
	s5 =	smin.u32 s5, $0x10;
	[tilespmem:v9+s29+$0x0] =	vst.idx.msk vm9, v8  }
0x130: {  	s4 =	sadd.s32 $0x40, s4;
	s3 =	sadd.s32 s3, s5;
	s5 =	smov.u32 s7;
	[tilespmem:v9+s26+$0x0] =	vst.idx.msk vm9, v7;
	vm9 =	vgt.s32 v10, v3  }
0x131: {  	v8 =	vld [tilespmem:s6+$0x13D00];
	v9 =	vadd.s32 s3, v3;
	_ =	sdelay $0x4  }
0x132: {  	[tilespmem:v9+s29+$0x0] =	vst.idx.msk vm9, v8  }
0x133: {  	[tilespmem:v9+s26+$0x0] =	vst.idx.msk vm9, v7  }
.LBB2_29:
0x134: {  	v8 =	vmov s9;
	_ =	sdelay $0x1  }
0x135: {  	s3 =	simm.s32 $0x0  }
0x136: {  	v9 =	vld [tilespmem:s3+$0x13880]  }
0x137: {  	v10 =	vld [tilespmem:s3+$0x13A00]  }
0x138: {  	v7 =	vld.idx.msk [tilespmem:v8+s26+$0x0], $0xffff  }
0x139: {  	v8 =	vld.idx.msk [tilespmem:v8+s29+$0x0], $0xffff;
	_ =	sdelay $0x3  }
0x13a: {  	s4 =	simm.s32 $0x10  }
0x13b: {  	vm9 =	veq.f32 v9, v7;
	vm10 =	vlt.s32 v10, v8;
	v10 =	vld [tilespmem:s4+$0x13880]  }
0x13c: {  	v11 =	vld [tilespmem:s4+$0x13A00];
	vm11 =	vgt.f32 v9, v7;
	vm9 =	vmand vm9, vm10  }
0x13d: {  	vm9 =	vmor vm11, vm9  }
0x13e: {  	[dreg:$0x19] =	wrdreg s9;
	s3 =	simm.s32 $0x80;
	v9 =	vimm.s32 $0x0;
	v12 =	vmpcnt.ones.xlane vm9  }
.LBB2_30:
0x13f: {  	p0 =	sne.s32 s3, $0x4C0  }
.Ltmp14:
0x140: {  	s4 =	sshra.s32 s3, $0x2;
	v9 =	vadd.s32 v9, v12;
	v12 =	vmov v10;
	(pc) =	sbr.rel @p0 .LBB2_30-.Ltmp14, $4  }
0x141: {  	s3 =	sadd.s32 $0x40, s3;
	v10 =	vld [tilespmem:s4+$0x13880];
	vm9 =	veq.f32 v12, v7;
	vm10 =	vlt.s32 v11, v8  }
0x142: {  	vm11 =	vgt.f32 v12, v7;
	v11 =	vld [tilespmem:s4+$0x13A00];
	vm9 =	vmand vm9, vm10  }
0x143: {  	vm9 =	vmor vm11, vm9  }
0x144: {  	v12 =	vmpcnt.ones.xlane vm9  }
0x145: {  	(v2sf) =	vpush v8, $0xD;
	_ =	sdelay $0x1  }
0x146: {  	(v2sf) =	vpush v8, $0xC;
	_ =	sdelay $0x1  }
0x147: {  	(v2sf) =	vpush v8, $0xE;
	_ =	sdelay $0x1  }
0x148: {  	(v2sf) =	vpush v8, $0xF;
	_ =	sdelay $0x1  }
0x149: {  	(v2sf) =	vpush v8, $0x9;
	_ =	sdelay $0x1  }
0x14a: {  	(v2sf) =	vpush v8, $0x8;
	_ =	sdelay $0x1  }
0x14b: {  	(v2sf) =	vpush v8, $0xA;
	_ =	sdelay $0x1  }
0x14c: {  	(v2sf) =	vpush v8, $0xB  }
0x14d: {  	s3 =	spop (v2sf)  }
0x14e: {  	(v2sf) =	vpush v8, $0x0;
	s4 =	smulhi.u32 $0x66666667, s3;
	s3 =	sshra.s32 s3, $0x1F  }
0x14f: {  	(v2sf) =	vpush v8, $0x1;
	s5 =	spop (v2sf);
	s3 =	smul.u32 $0x66666667, s3  }
0x150: {  	(v2sf) =	vpush v8, $0x2;
	s6 =	smulhi.u32 $0x66666667, s5;
	s5 =	sshra.s32 s5, $0x1F  }
0x151: {  	s7 =	spop (v2sf);
	s5 =	smul.u32 $0x66666667, s5  }
0x152: {  	(v2sf) =	vpush v8, $0x3;
	s9 =	smulhi.u32 $0x66666667, s7;
	s7 =	sshra.s32 s7, $0x1F  }
0x153: {  	(v2sf) =	vpush v8, $0x4;
	s8 =	spop (v2sf);
	s7 =	smul.u32 $0x66666667, s7  }
0x154: {  	(v2sf) =	vpush v8, $0x5;
	s12 =	smulhi.u32 $0x66666667, s8;
	s8 =	sshra.s32 s8, $0x1F  }
0x155: {  	(v2sf) =	vpush v8, $0x6;
	s10 =	spop (v2sf);
	s8 =	smul.u32 $0x66666667, s8  }
0x156: {  	(v2sf) =	vpush v8, $0x7;
	s13 =	smulhi.u32 $0x66666667, s10;
	s10 =	sshra.s32 s10, $0x1F  }
0x157: {  	s11 =	spop (v2sf);
	s10 =	smul.u32 $0x66666667, s10  }
0x158: {  	s5 =	sadd.s32 s5, s6;
	s17 =	smulhi.u32 $0x66666667, s11;
	s11 =	sshra.s32 s11, $0x1F  }
0x159: {  	s24 =	spop (v2sf);
	s22 =	sshrl.u32 s5, $0x1F;
	s19 =	smul.u32 $0x66666667, s11  }
0x15a: {  	s5 =	sshra.s32 s5, $0x5;
	s21 =	smulhi.u32 $0x66666667, s24;
	s1 =	sshra.s32 s24, $0x1F  }
0x15b: {  	s14 =	spop (v2sf);
	s24 =	sadd.s32 s3, s4;
	s28 =	smul.u32 $0x66666667, s1  }
0x15c: {  	s4 =	sadd.s32 s7, s9;
	s30 =	smulhi.u32 $0x66666667, s14;
	s14 =	sshra.s32 s14, $0x1F  }
0x15d: {  	s12 =	sadd.s32 s8, s12;
	s15 =	spop (v2sf);
	s14 =	smul.u32 $0x66666667, s14  }
0x15e: {  	s16 =	spop (v2sf);
	s31 =	smulhi.u32 $0x66666667, s15;
	s6 =	sshra.s32 s15, $0x1F  }
0x15f: {  	s15 =	sshrl.u32 s24, $0x1F;
	s18 =	spop (v2sf);
	s3 =	smul.u32 $0x66666667, s6  }
0x160: {  	s23 =	smulhi.u32 $0x66666667, s16;
	s9 =	sshra.s32 s16, $0x1F;
	s16 =	sshrl.u32 s4, $0x1F  }
0x161: {  	s20 =	spop (v2sf);
	s8 =	smul.u32 $0x66666667, s9;
	s9 =	sadd.s32 s10, s13  }
0x162: {  	s13 =	smulhi.u32 $0x66666667, s18;
	s7 =	sshra.s32 s18, $0x1F;
	s25 =	spop (v2sf)  }
0x163: {  	s10 =	sadd.s32 s19, s17;
	s17 =	smul.u32 $0x66666667, s7;
	s1 =	spop (v2sf)  }
0x164: {  	s19 =	smulhi.u32 $0x66666667, s20;
	s20 =	sshra.s32 s20, $0x1F;
	s11 =	spop (v2sf)  }
0x165: {  	s6 =	sadd.s32 s14, s30;
	s14 =	smul.u32 $0x66666667, s20;
	s30 =	spop (v2sf)  }
0x166: {  	v14 =	vmov s22;
	s7 =	sadd.s32 s28, s21;
	s21 =	smulhi.u32 $0x66666667, s30;
	s20 =	sshra.s32 s30, $0x1F  }
0x167: {  	v14 =	vsel vm0, s15, v14;
	s4 =	sshra.s32 s4, $0x5;
	s3 =	sadd.s32 s3, s31;
	s31 =	smul.u32 $0x66666667, s20  }
0x168: {  	s18 =	sshrl.u32 s12, $0x1F;
	v14 =	vsel vm1, s16, v14;
	s16 =	sshra.s32 s24, $0x5;
	s23 =	sadd.s32 s8, s23  }
0x169: {  	s13 =	sadd.s32 s17, s13;
	s17 =	smulhi.u32 $0x66666667, s25;
	s8 =	sadd.s32 s31, s21  }
0x16a: {  	s15 =	smulhi.u32 $0x66666667, s1;
	s30 =	sshra.s32 s25, $0x1F;
	s31 =	sshra.s32 s8, $0x1F  }
0x16b: {  	s1 =	sshra.s32 s1, $0x1F;
	s20 =	smul.u32 $0x66666667, s30;
	s30 =	sshra.s32 s3, $0x5;
	v13 =	vmov s31  }
0x16c: {  	vm9 =	vcmask $0x704;
	s25 =	sshrl.u32 s10, $0x1F;
	s31 =	sshrl.u32 s3, $0x1F;
	s3 =	sshra.s32 s3, $0x1F;
	v13 =	vsel vm3, s30, v13  }
0x16d: {  	s28 =	sshrl.u32 s9, $0x1F;
	s1 =	smul.u32 $0x66666667, s1;
	v16 =	vmov s25;
	v15 =	vmov s31;
	s31 =	sshra.s32 s23, $0x5;
	v13 =	vsel vm9, s3, v13  }
0x16e: {  	v16 =	vsel vm0, s28, v16;
	s21 =	sshrl.u32 s7, $0x1F;
	s30 =	sshrl.u32 s23, $0x1F;
	s23 =	sshra.s32 s23, $0x1F;
	vm9 =	vcmask $0xF0C;
	v13 =	vsel vm0, s31, v13  }
0x16f: {  	v14 =	vsel vm2, s18, v14;
	s17 =	sadd.s32 s20, s17;
	s20 =	sshrl.u32 s6, $0x1F;
	v16 =	vsel vm1, s21, v16;
	s31 =	sshra.s32 s13, $0x5;
	v13 =	vsel vm9, s23, v13  }
0x170: {  	s14 =	sadd.s32 s14, s19;
	s22 =	sshrl.u32 s13, $0x1F;
	v16 =	vsel vm2, s20, v16;
	s13 =	sshra.s32 s13, $0x1F;
	vm9 =	vcmask $0x1714;
	v13 =	vsel vm1, s31, v13  }
0x171: {  	v58 =	vmov s5;
	s19 =	sshrl.u32 s14, $0x1F;
	s1 =	sadd.s32 s1, s15;
	v14 =	vcombine.low v16, v14;
	s23 =	sshra.s32 s14, $0x5;
	v13 =	vsel vm9, s13, v13  }
0x172: {  	s25 =	sshrl.u32 s1, $0x1F;
	s28 =	sshra.s32 s14, $0x1F;
	s20 =	sshra.s32 s12, $0x5;
	v16 =	vsel vm0, s16, v58;
	v15 =	vnsel vm3, $0x0, v15;
	v13 =	vsel vm2, s23, v13  }
0x173: {  	v16 =	vsel vm1, s4, v16;
	v15 =	vsel vm0, s30, v15;
	s30 =	smulhi.u32 $0x66666667, s11;
	s11 =	sshra.s32 s11, $0x1F;
	s31 =	sshra.s32 s17, $0x5;
	v13 =	vsel vm12, s28, v13  }
0x174: {  	s15 =	sshra.s32 s17, $0x1F;
	v16 =	vsel vm2, s20, v16;
	v15 =	vsel vm1, s22, v15;
	s11 =	smul.u32 $0x66666667, s11;
	s14 =	sshra.s32 s10, $0x5;
	v13 =	vsel vm4, s31, v13  }
0x175: {  	s18 =	sshra.s32 s1, $0x5;
	s22 =	sshrl.u32 s17, $0x1F;
	v15 =	vsel vm2, s19, v15;
	s17 =	sshra.s32 s9, $0x5;
	v17 =	vmov s14;
	v13 =	vsel vm13, s15, v13  }
0x176: {  	s1 =	sshra.s32 s1, $0x1F;
	s19 =	sshra.s32 s7, $0x5;
	v15 =	vsel vm4, s22, v15;
	s11 =	sadd.s32 s11, s30;
	v17 =	vsel vm0, s17, v17;
	v13 =	vsel vm5, s18, v13  }
0x177: {  	s21 =	sshra.s32 s6, $0x5;
	v15 =	vsel vm5, s25, v15;
	s30 =	sshrl.u32 s11, $0x1F;
	v17 =	vsel vm1, s19, v17;
	s22 =	sshra.s32 s11, $0x5;
	v13 =	vsel vm14, s1, v13  }
0x178: {  	s23 =	sshrl.u32 s8, $0x1F;
	s24 =	sshra.s32 s11, $0x1F;
	v15 =	vsel vm6, s30, v15;
	v17 =	vsel vm2, s21, v17;
	v13 =	vsel vm6, s22, v13  }
0x179: {  	s25 =	sshra.s32 s8, $0x5;
	v16 =	vcombine.low v17, v16;
	v15 =	vsel vm7, s23, v15;
	v13 =	vsel vm15, s24, v13  }
0x17a: {  	v14 =	vperm.xlane v14, v4;
	v15 =	vperm.xlane v15, v5;
	v13 =	vsel vm7, s25, v13  }
0x17b: {  	v16 =	vperm.xlane v16, v4;
	v13 =	vperm.xlane v13, v5  }
0x17c: {  	vm10 =	vlt.s32 v11, v8  }
0x17d: {  	vm9 =	veq.f32 v10, v7;
	v14 =	vsel vm8, v15, v14;
	v13 =	vsel vm8, v13, v16  }
0x17e: {  	vm9 =	vmand vm9, vm10;
	vm10 =	vgt.f32 v10, v7;
	v59 =	vadd.s32 v14, v13  }
0x17f: {  	vm9 =	vmor vm10, vm9;
	v60 =	vmul.u32 $0xFFFFFFB0, v59  }
0x180: {  	v62 =	vsub.s32 $0x0, v8;
	v61 =	vmpcnt.ones.xlane vm9  }
0x181: {  	v9 =	vadd.s32 v9, v12;
	vm10 =	vlt.s32 v8, $0x1;
	vm9 =	vne.s32 v60, v62  }
0x182: {  	s30 =	rddreg [dreg:$0x19];
	v9 =	vadd.s32 v9, v61;
	vm9 =	vmand vm10, vm9  }
0x183: {  	s9 =	sadd.s32 $0x1, s30;
	v63 =	vsel vm9, $0xFFFFFFFF, v1  }
0x184: {  	p0 =	sne.s32 s9, $0x12C;
	v10 =	vadd.s32 v63, v59  }
.Ltmp15:
0x185: {  	v11 =	vmul.u32 $0xFFFFFFB0, v10;
	(pc) =	sbr.rel @p0 .LBB2_29-.Ltmp15, $4  }
0x186: {  	s28 =	simm.s32 $0x13F80  }
0x187: {  	s31 =	simm.s32 $0x14100;
	[tilespmem:v9+s28+$0x0] =	vst.idx.msk $0x1, v7;
	v7 =	vadd.s32 v8, v11  }
0x188: {  	s3 =	simm.s32 $0x14280;
	[tilespmem:v9+s31+$0x0] =	vst.idx.msk $0x1, v7  }
0x189: {  	[tilespmem:v9+s3+$0x0] =	vst.idx.msk $0x1, v10  }
0x18a: {  	v7 =	vld [tilespmem:s3+$0x0];
	_ =	sdelay $0x4  }
0x18b: {  	v7 =	vshll.u32 v7, $0x2;
	_ =	sdelay $0x1  }
0x18c: {  	s1 =	simm.s32 $0x0  }
0x18d: {  	v8 =	vmov s1  }
0x18e: {  	v8 =	vshll.u32 v8, $0x2  }
0x18f: {  	v8 =	vor.u32 v6, v8;
	v9 =	vld.idx.msk [tilespmem:v7+s2+$0x0], $0xffff  }
0x190: {  	v10 =	vor.u32 $0x1, v7;
	_ =	sdelay $0x3  }
0x191: {  	[tilespmem:v8+s0+$0x0] =	vst.idx.msk $0xffff, v9  }
0x192: {  	v9 =	vld.idx.msk [tilespmem:v10+s2+$0x0], $0xffff;
	v10 =	vor.u32 $0x1, v8  }
0x193: {  	v11 =	vor.u32 $0x2, v7;
	_ =	sdelay $0x3  }
0x194: {  	[tilespmem:v10+s0+$0x0] =	vst.idx.msk $0xffff, v9  }
0x195: {  	v10 =	vor.u32 $0x2, v8;
	v9 =	vld.idx.msk [tilespmem:v11+s2+$0x0], $0xffff  }
0x196: {  	v7 =	vor.u32 $0x3, v7;
	_ =	sdelay $0x3  }
0x197: {  	[tilespmem:v10+s0+$0x0] =	vst.idx.msk $0xffff, v9  }
0x198: {  	s4 =	simm.s32 $0x10;
	v8 =	vor.u32 $0x3, v8;
	v7 =	vld.idx.msk [tilespmem:v7+s2+$0x0], $0xffff  }
.LBB2_33:
0x199: {  	_ =	sdelay $0x2  }
0x19a: {  	p0 =	sne.s32 s4, $0x120  }
0x19b: {  	s3 =	sadd.s32 $0x10, s3;
	s1 =	smov.u32 s4;
	s4 =	sadd.s32 $0x10, s4;
	[tilespmem:v8+s0+$0x0] =	vst.idx.msk $0xffff, v7  }
0x19c: {  	v7 =	vld [tilespmem:s3+$0x0];
	_ =	sdelay $0x4  }
0x19d: {  	v7 =	vshll.u32 v7, $0x2;
	_ =	sdelay $0x3  }
0x19e: {  	v8 =	vmov s1  }
0x19f: {  	v8 =	vshll.u32 v8, $0x2;
	v9 =	vld.idx.msk [tilespmem:v7+s2+$0x0], $0xffff  }
0x1a0: {  	v8 =	vor.u32 v6, v8  }
0x1a1: {  	v10 =	vor.u32 $0x1, v7;
	_ =	sdelay $0x3  }
0x1a2: {  	[tilespmem:v8+s0+$0x0] =	vst.idx.msk $0xffff, v9  }
0x1a3: {  	v9 =	vld.idx.msk [tilespmem:v10+s2+$0x0], $0xffff  }
0x1a4: {  	v10 =	vor.u32 $0x1, v8  }
0x1a5: {  	v11 =	vor.u32 $0x2, v7;
	_ =	sdelay $0x3  }
0x1a6: {  	[tilespmem:v10+s0+$0x0] =	vst.idx.msk $0xffff, v9  }
0x1a7: {  	v9 =	vld.idx.msk [tilespmem:v11+s2+$0x0], $0xffff  }
0x1a8: {  	v10 =	vor.u32 $0x2, v8  }
0x1a9: {  	v7 =	vor.u32 $0x3, v7;
	_ =	sdelay $0x1  }
.Ltmp16:
0x1aa: {  	(pc) =	sbr.rel @p0 .LBB2_33-.Ltmp16, $4  }
0x1ab: {  	_ = 	snop  }
0x1ac: {  	[tilespmem:v10+s0+$0x0] =	vst.idx.msk $0xffff, v9  }
0x1ad: {  	v7 =	vld.idx.msk [tilespmem:v7+s2+$0x0], $0xffff  }
0x1ae: {  	v8 =	vor.u32 $0x3, v8  }
0x1af: {  	_ =	sdelay $0x3  }
0x1b0: {  	s1 =	rddreg [dreg:$0x13];
	s3 =	simm.s32 $0x13F80;
	s11 =	simm.s32 $0x1;
	[tilespmem:v8+s0+$0x0] =	vst.idx.msk $0xffff, v7  }
0x1b1: {  	[hbm4b:s1+s2] =	stream.linear.scatter [tilespmem:s3], [sflag:$0x1], $0x130, $0x38;
	[tilespmem:$0x14900] =	vst v63  }
0x1b2: {  	_ =	swait.ge [sflag:s11], $0x130  }
0x1b3: {  	[sflag:s11] =	ssyncset.done $0x0  }
0x1b4: {  	s25 =	simm.s32 $0x14100;
	s24 =	rddreg [dreg:$0x14];
	[sflag:s11] =	ssyncadd.s32 $0xFFFFFED0  }
0x1b5: {  	[hbm4b:s24+s2] =	stream.linear.scatter [tilespmem:s25], [sflag:$0x1], $0x130, $0x38;
	[tilespmem:$0x14900] =	vst v63  }
0x1b6: {  	_ =	swait.ge [sflag:s11], $0x130  }
0x1b7: {  	[sflag:s11] =	ssyncset.done $0x0  }
0x1b8: {  	s28 =	rddreg [dreg:$0x15];
	[sflag:s11] =	ssyncadd.s32 $0xFFFFFED0  }
0x1b9: {  	[hbm4b:s28+s2] =	stream.linear.scatter [tilespmem:s0], [sflag:$0x1], $0x4C0, $0x38;
	[tilespmem:$0x14900] =	vst v63  }
0x1ba: {  	_ =	swait.ge [sflag:s11], $0x4C0  }
0x1bb: {  	s30 =	rddreg [dreg:$0x18]  }
0x1bc: {  	s31 =	rddreg [dreg:$0x17];
	s3 =	sadd.s32 $0x1, s30  }
0x1bd: {  	p0 =	sne.s32 s3, s31  }
.Ltmp17:
0x1be: {  	_ = 	snop;
	(pc) =	sbr.rel @p0 .LBB2_2-.Ltmp17, $3  }
0x1bf: {  	_ =	sdelay $0x1  }
0x1c0: {  	[sflag:s11] =	ssyncset.done $0x0  }
0x1c1: {  	s9 =	simm.s32 $0x13B80;
	s12 =	simm.s32 $0x13D00;
	[sflag:s11] =	ssyncadd.s32 $0xFFFFFB40  }
.LBB2_35:
0x1c2: {  	_ =	sfence.sel $0x180000  }
0x1c3: {  	[bflag:$0x0] =	sbarrier.arrive $0xFFFF  }
0x1c4: {  	_ =	strace $0x90000053  }
0x1c5: {  	s0 =	stileid.u32;
	[bflag:$0x2] =	sbarrier.arrive $0xFFFF  }
0x1c6: {  	p0 =	sne.s32 s0, $0x0;
	s0 =	rddreg [dreg:$0x4]  }
0x1c7: {  	s0 =	sadd.s32 @!p0 $0x100000, s0  }
0x1c8: {  	[sflag:s0] =	ssyncadd.tile.s32 @!p0 $0x1;
	_ =	shalt  }
.Lfunc_end2:
_tile_overlayer_lowered:
.L_overlay_start_2:
0x1c9: {  	(tag) =	ssettag $0x2  }
0x1ca: {  	s0 =	rddreg [dreg:$0x0];
	s2 =	stileid.u32  }
0x1cb: {  	s1 =	rddreg [dreg:$0x1];
	p0 =	sne.s32 s2, $0x0  }
0x1cc: {  	s3 =	rddreg [dreg:$0x2];
	[bflag:$0x3] =	sbarrier.arrive $0xFFFF;
	s2 =	simm.s32 @!p0 $0x1C01  }
0x1cd: {  	[timem:s3], [sflag:s2] =	dma.local @!p0 [hbm:s0], s1  }
0x1ce: {  	s0 =	simm.s32 @!p0 $0x1  }
0x1cf: {  	_ =	swait.ge @!p0 [sflag:s0], s1  }
0x1d0: {  	s1 =	ssub.s32 @!p0 $0x0, s1;
	[sflag:s0] =	ssyncset.done @!p0 $0x0  }
0x1d1: {  	[sflag:s0] =	ssyncadd.s32 @!p0 s1  }
0x1d2: {  	[bflag:$0x3] =	sbarrier.arrive $0xFFFF  }
0x1d3: {  	_ =	shalt  }

// kernel: kernel.8.cloned.1.call-start
scs
__scs_entry_jumppad:
0x0: {  	(pc) =	sbr.rel $0x88, $3  }
0x1: {  	(tag) =	ssettag $0x0;
	lr =	simm.s32 $0x1  }
0x2: {  	[smem:$0x3F9F] =	sst lr;
	_ =	strace $0xD0000000  }
0x3: {  	_ = 	snop  }
0x4: {  	_ = 	snop  }
0x5: {  	_ = 	snop  }
0x6: {  	_ = 	snop  }
0x7: {  	_ = 	snop  }
__scs_overlays_trampoline_lowered:
0x8: {  	[smem:$0x3FAE] =	sst s0  }
0x9: {  	[smem:$0x3FAF] =	sst s1  }
0xa: {  	[smem:$0x3FB0] =	sst s2  }
0xb: {  	[smem:$0x3FB1] =	sst s3  }
0xc: {  	[smem:$0x3FB2] =	sst s4  }
0xd: {  	[smem:$0x3FB3] =	sst s5  }
0xe: {  	[smem:$0x3FB4] =	sst s6  }
0xf: {  	[smem:$0x3FB5] =	sst s7  }
0x10: {  	[smem:$0x3FB6] =	sst s8  }
0x11: {  	[smem:$0x3FB7] =	sst s9;
	s0 =	simm.s32 @!p0 $0x0  }
0x12: {  	s1 =	sld [smem:$0x3F9D];
	s0 =	simm.s32 @p0 $0x1  }
0x13: {  	[smem:$0x3FB8] =	sst s0;
	s0 =	simm.s32 @!p1 $0x0  }
0x14: {  	s2 =	sld [smem:$0x3F9C];
	s0 =	simm.s32 @p1 $0x1  }
0x15: {  	[smem:$0x3FB9] =	sst s0;
	s0 =	simm.s32 @!p2 $0x0  }
0x16: {  	s3 =	sld [smem:$0x3FDB];
	s0 =	simm.s32 @p2 $0x1  }
0x17: {  	s4 =	simm.s32 $0x1BF5;
	[smem:$0x3FBB] =	sst s0  }
0x18: {  	s0 =	sld [smem:$0x3F9E];
	_ =	swait.ge [sflag:s4], $0x0  }
0x19: {  	s7 =	sld [smem:$0x3F9F]  }
0x1a: {  	s8 =	sadd.s32 $0xFFFFE003, lr  }
0x1b: {  	s9 =	sadd.s32 $0xFFFFFEF7, lr;
	s5 =	simm.s32 $0xFFFFFFFF;
	p2 =	slt.u32 s8, $0xFFFFF086  }
0x1c: {  	p1 =	slt.u32 s9, $0xF7A;
	s5 =	simm.s32 @!p2 $0x0  }
0x1d: {  	s5 =	simm.s32 @p1 $0x1;
	p0 =	seq.s32 s7, s2  }
0x1e: {  	s7 =	smul.u32 @!p0 $0xF7A, s2;
	p2 =	seq.s32 @!p0 s5, $0x0  }
0x1f: {  	s9 =	smul.u32 $0xF7A, s1;
	s8 =	simm.s32 @!p0 $0x1BF5;
	p2 =	por !p2, p0  }
0x20: {  	[sflag:s8] =	ssyncset.s32 @!p0 $0xFFFFF086;
	s6 =	sadd.s32 @!p0 s3, s7;
	s7 =	simm.s32 @!p0 $0x108  }
0x21: {  	s3 =	sadd.s32 s3, s9;
	s6 =	sadd.s32 @!p0 $0x88, s6;
	s7 =	simm.s32 @p2 $0x1082  }
0x22: {  	[simem:s7], [sflag:s8] =	dma.local @!p0 [hbm:s6], $0xF7A  }
0x23: {  	s9 =	sor.u32 $0xD0000000, s2;
	s6 =	simm.s32 $0x108;
	_ =	swait.ge @!p0 [sflag:s8], $0x0  }
0x24: {  	s3 =	sadd.s32 $0x88, s3;
	s6 =	simm.s32 @!p1 $0x1082;
	[sflag:s4] =	ssyncset.s32 $0xFFFFF086  }
0x25: {  	[simem:s6], [sflag:s4] =	dma.local [hbm:s3], $0xF7A  }
0x26: {  	[smem:$0x3F9F] =	sst s1;
	(tag) =	ssettag s2;
	_ =	strace s9  }
0x27: {  	s1 =	sld [smem:$0x3FAF]  }
0x28: {  	s2 =	sld [smem:$0x3FB0]  }
0x29: {  	s4 =	sld [smem:$0x3FB2]  }
0x2a: {  	p0 =	seq.s32 s5, $0x0;
	s5 =	sld [smem:$0x3FB3]  }
0x2b: {  	s6 =	sld [smem:$0x3FB4]  }
0x2c: {  	s7 =	sld [smem:$0x3FB5]  }
0x2d: {  	s3 =	simm.s32 $0x108;
	s8 =	sld [smem:$0x3FB6]  }
0x2e: {  	s3 =	simm.s32 @!p0 $0x1082;
	s9 =	sld [smem:$0x3FB7]  }
0x2f: {  	lr =	sadd.s32 s0, s3;
	s0 =	sld [smem:$0x3FAE]  }
0x30: {  	s3 =	sld [smem:$0x3FB1]  }
0x31: {  	[smem:$0x3FBA] =	sst s10  }
0x32: {  	s10 =	sld [smem:$0x3FB8];
	_ =	sdelay $0x3  }
0x33: {  	p0 =	seq.s32 s10, $0x1;
	s10 =	sld [smem:$0x3FBA];
	_ =	sdelay $0x3  }
0x34: {  	[smem:$0x3FBA] =	sst s10  }
0x35: {  	s10 =	sld [smem:$0x3FB9];
	_ =	sdelay $0x3  }
0x36: {  	p1 =	seq.s32 s10, $0x1;
	s10 =	sld [smem:$0x3FBA];
	_ =	sdelay $0x3  }
0x37: {  	[smem:$0x3FBA] =	sst s10  }
0x38: {  	s10 =	sld [smem:$0x3FBB]  }
0x39: {  	_ = 	snop;
	(pc) =	sbr.ind lr, $3  }
0x3a: {  	_ = 	snop  }
0x3b: {  	_ = 	snop  }
0x3c: {  	p2 =	seq.s32 s10, $0x1;
	s10 =	sld [smem:$0x3FBA]  }
0x3d: {  	_ =	shalt  }
0x3e: {  	_ =	shalt  }
0x3f: {  	_ =	shalt  }
0x40: {  	_ =	shalt  }
0x41: {  	_ =	shalt  }
0x42: {  	_ =	shalt  }
0x43: {  	_ =	shalt  }
0x44: {  	_ =	shalt  }
0x45: {  	_ =	shalt  }
0x46: {  	_ =	shalt  }
0x47: {  	_ =	shalt  }
0x48: {  	_ =	shalt  }
0x49: {  	_ =	shalt  }
0x4a: {  	_ =	shalt  }
0x4b: {  	_ =	shalt  }
0x4c: {  	_ =	shalt  }
0x4d: {  	_ =	shalt  }
0x4e: {  	_ =	shalt  }
0x4f: {  	_ =	shalt  }
0x50: {  	_ =	shalt  }
0x51: {  	_ =	shalt  }
0x52: {  	_ =	shalt  }
0x53: {  	_ =	shalt  }
0x54: {  	_ =	shalt  }
0x55: {  	_ =	shalt  }
0x56: {  	_ =	shalt  }
0x57: {  	_ =	shalt  }
0x58: {  	_ =	shalt  }
0x59: {  	_ =	shalt  }
0x5a: {  	_ =	shalt  }
0x5b: {  	_ =	shalt  }
0x5c: {  	_ =	shalt  }
0x5d: {  	_ =	shalt  }
0x5e: {  	_ =	shalt  }
0x5f: {  	_ =	shalt  }
0x60: {  	_ =	shalt  }
0x61: {  	_ =	shalt  }
0x62: {  	_ =	shalt  }
0x63: {  	_ =	shalt  }
0x64: {  	_ =	shalt  }
0x65: {  	_ =	shalt  }
0x66: {  	_ =	shalt  }
0x67: {  	_ =	shalt  }
0x68: {  	_ =	shalt  }
0x69: {  	_ =	shalt  }
0x6a: {  	_ =	shalt  }
0x6b: {  	_ =	shalt  }
0x6c: {  	_ =	shalt  }
0x6d: {  	_ =	shalt  }
0x6e: {  	_ =	shalt  }
0x6f: {  	_ =	shalt  }
0x70: {  	_ =	shalt  }
0x71: {  	_ =	shalt  }
0x72: {  	_ =	shalt  }
0x73: {  	_ =	shalt  }
0x74: {  	_ =	shalt  }
0x75: {  	_ =	shalt  }
0x76: {  	_ =	shalt  }
0x77: {  	_ =	shalt  }
0x78: {  	_ =	shalt  }
0x79: {  	_ =	shalt  }
0x7a: {  	_ =	shalt  }
0x7b: {  	_ =	shalt  }
0x7c: {  	_ =	shalt  }
0x7d: {  	_ =	shalt  }
0x7e: {  	_ =	shalt  }
0x7f: {  	_ =	shalt  }
0x80: {  	_ =	shalt  }
0x81: {  	_ =	shalt  }
0x82: {  	_ =	shalt  }
0x83: {  	_ =	shalt  }
0x84: {  	_ =	shalt  }
0x85: {  	_ =	shalt  }
0x86: {  	_ =	shalt  }
0x87: {  	_ =	shalt  }
.Lfunc_end0:
.L_simem_size_0:
called_computation_lowered:
.L_overlay_start_0:
0x88: {  	s2 =	sld [smem:$0x3FD9]  }
0x89: {  	s3 =	sld [smem:$0x3FFE];
	_ =	sdelay $0x1  }
0x8a: {  	s1 =	srdreg.scid  }
0x8b: {  	s0 =	sand.u32 $0x1, s1  }
0x8c: {  	s16 =	sshll.u32 s0, $0xA;
	s2 =	sadd.s32 s3, s2  }
0x8d: {  	s2 =	sadd.s32 s2, s16  }
0x8e: {  	[smem:$0x3FC6] =	sst s2  }
0x8f: {  	_ = 	snop  }
0x90: {  	(tm) =	ssettm $0x1  }
0x91: {  	s17 =	sld [smem:$0x3FFB];
	_ =	sdelay $0x3  }
0x92: {  	_ =	strace s17  }
0x93: {  	s2 =	sld [smem:$0x3FFC];
	_ =	sdelay $0x3  }
0x94: {  	_ =	strace s2  }
0x95: {  	s2 =	sld [smem:$0x3FFD];
	_ =	sdelay $0x3  }
0x96: {  	_ =	strace s2  }
0x97: {  	_ =	strace $0x8FFFFFFF  }
0x98: {  	s18 =	sld [smem:$0x3FDB];
	_ =	sdelay $0x1  }
0x99: {  	s19 =	simm.s32 $_scs_section_size  }
0x9a: {  	s4 =	simm.s32 $_size__tile_overlayer_lowered;
	s5 =	simm.s32 $_tile_overlayer_lowered  }
0x9b: {  	s22 =	simm.s32 $0x1BFF;
	s21 =	sshll.u32 s5, $0x1;
	s2 =	sadd.s32 s19, s18  }
0x9c: {  	s6 =	simm.s32 $0x0;
	s20 =	sshll.u32 s4, $0x1;
	s4 =	sadd.s32 s21, s2  }
0x9d: {  	[timem:s6], [sflag:s22] =	dma.local [hbm:s4], s20  }
0x9e: {  	_ =	swait.ge [sflag:s22], s20  }
0x9f: {  	s3 =	ssub.s32 $0x0, s20;
	[sflag:s22] =	ssyncset.done $0x0  }
0xa0: {  	[sflag:s22] =	ssyncadd.s32 s3;
	_ =	sdelay $0x1  }
0xa1: {  	s23 =	simm.s32 $0x1B8B  }
0xa2: {  	_ =	swait.ge [sflag:s23], $0x1  }
0xa3: {  	[sflag:s23] =	ssyncset.done $0x0  }
0xa4: {  	s25 =	simm.s32 $0x1B8E;
	s24 =	sld [smem:$0x3FFE];
	[sflag:s23] =	ssyncadd.s32 $0xFFFFFFFF  }
0xa5: {  	s26 =	simm.s32 $execute0_lowered;
	[smem:$0x3FD2] =	sst s25  }
0xa6: {  	s4 =	sshll.u32 s26, $0x1;
	_ =	strace $0x80000046;
	[dreg:$0x1] =	wrdreg $0xFFFFFFFF  }
0xa7: {  	s28 =	simm.s32 $_size_execute0_lowered;
	s2 =	sadd.s32 s2, s4;
	[dreg:$0x0] =	wrdreg $0x0  }
0xa8: {  	s4 =	sshll.u32 s28, $0x1;
	[dreg:$0x2] =	wrdreg s2  }
0xa9: {  	[dreg:$0x3] =	wrdreg s4  }
0xaa: {  	[dreg:$0x4] =	wrdreg $0xC0  }
0xab: {  	_ =	task [dreg:s6], $0x5FFFF  }
0xac: {  	[dreg:$0x1] =	wrdreg $0xFFFFFFFF  }
0xad: {  	[dreg:$0x0] =	wrdreg $0x60  }
0xae: {  	[dreg:$0x2] =	wrdreg s24  }
0xaf: {  	[dreg:$0x3] =	wrdreg $0x9  }
0xb0: {  	_ =	task.clear_ibuf [dreg:s6], $0x4FFFF;
	_ =	strace $0x90000046  }
0xb1: {  	s29 =	simm.s32 $0x9;
	_ =	strace $0x80000048  }
0xb2: {  	_ =	swait.ge [sflag:s29], $0x1  }
0xb3: {  	[sflag:s29] =	ssyncadd.s32 $0xFFFFFFFF  }
0xb4: {  	_ =	strace $0x90000048  }
0xb5: {  	_ =	sfence  }
0xb6: {  	s30 =	sld [smem:$0x0];
	_ =	sdelay $0x2  }
0xb7: {  	s31 =	sshll.u32 s1, $0xD;
	s1 =	sshrl.u32 s1, $0x2  }
0xb8: {  	s3 =	sand.u32 $0x4000, s31;
	s1 =	sadd.s32 s1, s30  }
0xb9: {  	s0 =	sor.u32 s3, s0;
	s1 =	sshll.u32 s1, $0x11  }
0xba: {  	s0 =	sor.u32 s1, s0  }
0xbb: {  	s0 =	sadd.s32 $0x8F2B, s0  }
0xbc: {  	[sflag:s0] =	ssyncadd.remote.s32 $0x1  }
0xbd: {  	_ =	sfence.sel $0xFFFF  }
0xbe: {  	[dreg:$0x0] =	wrdreg $0xFFFFFFFF;
	(pc) =	sbr.abs _section_cstart, $3  }
0xbf: {  	[dreg:$0x1] =	wrdreg $0xFFFFFFFF  }
0xc0: {  	_ =	task.clear_ibuf [dreg:s6], $0x2FFFF;
	_ =	strace $0x9FFFFFFF  }
0xc1: {  	(tm) =	ssettm $0x7FFFFFFF  }
tec
execute0_lowered:
.L_overlay_start_1:
0x0: {  	(tag) =	ssettag $0x1  }
0x1: {  	s2 =	rddreg [dreg:$0x0]  }
0x2: {  	s0 =	rddreg [dreg:$0x1]  }
0x3: {  	s4 =	srdreg.scid;
	s1 =	stileid.u32  }
0x4: {  	s3 =	simm.s32 $0x0;
	s8 =	simm.s32 $0x4E80;
	s9 =	simm.s32 $0x6E80  }
0x5: {  	s10 =	simm.s32 $0x0;
	s4 =	sand.u32 $0x1, s4;
	s5 =	sshll.u32 s1, $0x1  }
0x6: {  	[smem:$0x7FF] =	sst s3;
	s5 =	sor.u32 s4, s5;
	s4 =	ssub.s32 $0x2, s4  }
0x7: {  	_ =	strace $0x80000047;
	s6 =	sshll.u32 s5, $0x6;
	s7 =	sshrl.u32 s4, $0x1  }
0x8: {  	v1 =	vlaneseq.u32;
	s6 =	sadd.s32 s6, s2;
	s7 =	ssub.s32 s4, s7;
	s4 =	smul.u32 $0x61A80, s5  }
0x9: {  	v0 =	vimm.s32 $0x0;
	v2 =	vimm.s32 $0x1;
	v1 =	vmul.u32 $0x200, v1;
	s5 =	sadd.s32 $0x186A00, s6;
	s6 =	smax.u32 s7, $0x1;
	s7 =	simm.s32 $0x1  }
.LBB2_1:
0xa: {  	s11 =	simm.s32 $0x40;
	s12 =	simm.s32 $0x0  }
.LBB2_2:
0xb: {  	p0 =	sne.s32 s11, $0x7FC0;
	[tilespmem:s12+$0x4E80] =	vst v0;
	s12 =	smov.u32 s11;
	s11 =	sadd.s32 $0x40, s11  }
.Ltmp0:
0xc: {  	(pc) =	sbr.rel @p0 .LBB2_2-.Ltmp0, $2  }
0xd: {  	_ =	sdelay $0x2  }
0xe: {  	s12 =	sshra.s32 s12, $0x2  }
0xf: {  	[tilespmem:s12+$0x4E80] =	vst v0;
	s11 =	simm.s32 $0x0;
	s12 =	simm.s32 $0x0  }
.LBB2_4:
0x10: {  	s13 =	smul.u32 $0x4E20, s12;
	_ =	sdelay $0x1  }
0x11: {  	s13 =	sadd.s32 s4, s13  }
0x12: {  	s13 =	sshrl.u32 s13, $0x3  }
0x13: {  	s13 =	sadd.s32 s2, s13  }
0x14: {  	[tilespmem:s11], [sflag:$0x1] =	stream.linear.gather [hbm4b:s13+s11], $0x4E20, $0x38;
	[tilespmem:$0x7080] =	vst v63  }
0x15: {  	_ =	swait.ge [sflag:s7], $0x4E20  }
0x16: {  	[sflag:s7] =	ssyncset.done $0x0  }
0x17: {  	s14 =	simm.s32 $0x0;
	s13 =	simm.s32 $0x40;
	[sflag:s7] =	ssyncadd.s32 $0xFFFFB1E0  }
.LBB2_5:
0x18: {  	p0 =	sne.s32 s13, $0x13840;
	v3 =	vld [tilespmem:s14+$0x0];
	_ =	sdelay $0x4  }
0x19: {  	v3 =	vshrl.u32 v3, $0x15  }
0x1a: {  	v4 =	vadd.s32 v1, v3  }
0x1b: {  	v3 =	vand.u32 $0x7F, v3;
	v4 =	vand.u32 $0x3F80, v4  }
0x1c: {  	v3 =	vor.u32 v3, v4  }
.Ltmp1:
0x1d: {  	(pc) =	sbr.rel @p0 .LBB2_5-.Ltmp1, $2  }
0x1e: {  	_ =	sdelay $0x2  }
0x1f: {  	s14 =	sshra.s32 s13, $0x2;
	s13 =	sadd.s32 $0x40, s13;
	[tilespmem:v3+s8+$0x0] =	vst.idx.add.s32.msk $0xffff, v2  }
0x20: {  	v3 =	vld [tilespmem:s14+$0x0];
	_ =	sdelay $0x4  }
0x21: {  	v3 =	vshrl.u32 v3, $0x15  }
0x22: {  	v4 =	vadd.s32 v1, v3  }
0x23: {  	s12 =	sadd.s32 $0x1, s12;
	v3 =	vand.u32 $0x7F, v3;
	v4 =	vand.u32 $0x3F80, v4  }
0x24: {  	p0 =	sne.s32 s12, $0x14;
	v3 =	vor.u32 v3, v4  }
.Ltmp2:
0x25: {  	_ = 	snop;
	(pc) =	sbr.rel @p0 .LBB2_4-.Ltmp2, $2  }
0x26: {  	_ =	sdelay $0x2  }
0x27: {  	[tilespmem:v3+s8+$0x0] =	vst.idx.add.s32.msk $0xffff, v2  }
0x28: {  	s11 =	simm.s32 $0x0;
	s12 =	simm.s32 $0x4E80  }
0x29: {  	s11 =	sand.u32 $0x1F0, s11;
	v4 =	vld [tilespmem:s12+$0x0]  }
0x2a: {  	v3 =	vld [tilespmem:s11+$0x5080]  }
0x2b: {  	v5 =	vld [tilespmem:s11+$0x5280]  }
0x2c: {  	v6 =	vld [tilespmem:s11+$0x5480]  }
0x2d: {  	v7 =	vld [tilespmem:s11+$0x5680]  }
0x2e: {  	v8 =	vld [tilespmem:s11+$0x5880]  }
0x2f: {  	v3 =	vadd.s32 v4, v3;
	v4 =	vld [tilespmem:s11+$0x5A80]  }
0x30: {  	v3 =	vadd.s32 v5, v3;
	v5 =	vld [tilespmem:s11+$0x5C80]  }
0x31: {  	v58 =	vld [tilespmem:s11+$0x5E80];
	v3 =	vadd.s32 v6, v3  }
0x32: {  	v59 =	vld [tilespmem:s11+$0x6080];
	v3 =	vadd.s32 v7, v3  }
0x33: {  	v60 =	vld [tilespmem:s11+$0x6280];
	v3 =	vadd.s32 v8, v3  }
0x34: {  	v3 =	vadd.s32 v4, v3;
	v4 =	vld [tilespmem:s11+$0x6480]  }
0x35: {  	v3 =	vadd.s32 v5, v3;
	v5 =	vld [tilespmem:s11+$0x6680]  }
0x36: {  	v61 =	vld [tilespmem:s11+$0x6880];
	v3 =	vadd.s32 v58, v3  }
0x37: {  	v62 =	vld [tilespmem:s11+$0x6A80];
	v3 =	vadd.s32 v59, v3  }
0x38: {  	v63 =	vld [tilespmem:s11+$0x6C80];
	v3 =	vadd.s32 v60, v3  }
0x39: {  	v3 =	vadd.s32 v4, v3  }
0x3a: {  	v3 =	vadd.s32 v5, v3  }
0x3b: {  	v3 =	vadd.s32 v61, v3  }
0x3c: {  	v3 =	vadd.s32 v62, v3  }
0x3d: {  	s31 =	simm.s32 $0x10;
	s11 =	simm.s32 $0x6E80;
	v3 =	vadd.s32 v63, v3  }
0x3e: {  	s12 =	sand.u32 $0x1F0, s31;
	[tilespmem:s11+$0x0] =	vst v3  }
0x3f: {  	s14 =	simm.s32 $0x20;
	s13 =	simm.s32 $0x4E90;
	v3 =	vld [tilespmem:s12+$0x5080]  }
.LBB2_8:
0x40: {  	p0 =	sne.s32 s14, $0x1F0;
	v4 =	vld [tilespmem:s13+$0x0]  }
0x41: {  	v5 =	vld [tilespmem:s12+$0x5280]  }
0x42: {  	v6 =	vld [tilespmem:s12+$0x5480]  }
0x43: {  	v7 =	vld [tilespmem:s12+$0x5680]  }
0x44: {  	v8 =	vld [tilespmem:s12+$0x5880]  }
0x45: {  	v3 =	vadd.s32 v4, v3;
	v4 =	vld [tilespmem:s12+$0x5A80]  }
0x46: {  	v3 =	vadd.s32 v5, v3;
	v5 =	vld [tilespmem:s12+$0x5C80]  }
0x47: {  	v3 =	vadd.s32 v6, v3;
	v6 =	vld [tilespmem:s12+$0x5E80]  }
0x48: {  	v3 =	vadd.s32 v7, v3;
	v7 =	vld [tilespmem:s12+$0x6080]  }
0x49: {  	v3 =	vadd.s32 v8, v3;
	v8 =	vld [tilespmem:s12+$0x6280]  }
0x4a: {  	v3 =	vadd.s32 v4, v3;
	v4 =	vld [tilespmem:s12+$0x6480]  }
0x4b: {  	v3 =	vadd.s32 v5, v3;
	v5 =	vld [tilespmem:s12+$0x6680]  }
0x4c: {  	v3 =	vadd.s32 v6, v3;
	v6 =	vld [tilespmem:s12+$0x6880]  }
0x4d: {  	v3 =	vadd.s32 v7, v3;
	v7 =	vld [tilespmem:s12+$0x6A80]  }
0x4e: {  	v3 =	vadd.s32 v8, v3;
	v8 =	vld [tilespmem:s12+$0x6C80]  }
0x4f: {  	v3 =	vadd.s32 v4, v3  }
0x50: {  	v3 =	vadd.s32 v5, v3  }
.Ltmp3:
0x51: {  	v3 =	vadd.s32 v6, v3;
	(pc) =	sbr.rel @p0 .LBB2_8-.Ltmp3, $4  }
0x52: {  	v3 =	vadd.s32 v7, v3  }
0x53: {  	s11 =	sadd.s32 $0x10, s11;
	v3 =	vadd.s32 v8, v3  }
0x54: {  	s12 =	sand.u32 $0x1F0, s14;
	[tilespmem:s11+$0x0] =	vst v3  }
0x55: {  	s13 =	sadd.s32 $0x10, s13;
	s14 =	sadd.s32 $0x10, s14;
	v3 =	vld [tilespmem:s12+$0x5080]  }
0x56: {  	v4 =	vld [tilespmem:s13+$0x0]  }
0x57: {  	v5 =	vld [tilespmem:s12+$0x5280]  }
0x58: {  	v6 =	vld [tilespmem:s12+$0x5480]  }
0x59: {  	v7 =	vld [tilespmem:s12+$0x5680]  }
0x5a: {  	v8 =	vld [tilespmem:s12+$0x5880]  }
0x5b: {  	v54 =	vld [tilespmem:s12+$0x5A80];
	v3 =	vadd.s32 v4, v3  }
0x5c: {  	v55 =	vld [tilespmem:s12+$0x5C80];
	v3 =	vadd.s32 v5, v3  }
0x5d: {  	v56 =	vld [tilespmem:s12+$0x5E80];
	v3 =	vadd.s32 v6, v3  }
0x5e: {  	v57 =	vld [tilespmem:s12+$0x6080];
	v3 =	vadd.s32 v7, v3  }
0x5f: {  	v58 =	vld [tilespmem:s12+$0x6280];
	v3 =	vadd.s32 v8, v3  }
0x60: {  	v59 =	vld [tilespmem:s12+$0x6480];
	v3 =	vadd.s32 v54, v3  }
0x61: {  	v60 =	vld [tilespmem:s12+$0x6680];
	v3 =	vadd.s32 v55, v3  }
0x62: {  	v61 =	vld [tilespmem:s12+$0x6880];
	v3 =	vadd.s32 v56, v3  }
0x63: {  	v62 =	vld [tilespmem:s12+$0x6A80];
	v3 =	vadd.s32 v57, v3  }
0x64: {  	v63 =	vld [tilespmem:s12+$0x6C80];
	v3 =	vadd.s32 v58, v3  }
0x65: {  	v3 =	vadd.s32 v59, v3  }
0x66: {  	v3 =	vadd.s32 v60, v3  }
0x67: {  	v3 =	vadd.s32 v61, v3  }
0x68: {  	s10 =	sadd.s32 $0x1, s10;
	v3 =	vadd.s32 v62, v3  }
0x69: {  	s11 =	sadd.s32 $0x10, s11;
	p0 =	sne.s32 s10, s6;
	v3 =	vadd.s32 v63, v3  }
.Ltmp4:
0x6a: {  	[tilespmem:s11+$0x0] =	vst v3;
	(pc) =	sbr.rel @p0 .LBB2_1-.Ltmp4, $4  }
0x6b: {  	[hbm4b:s5+s3] =	stream.linear.scatter [tilespmem:s9], [sflag:$0x1], $0x200, $0x38;
	[tilespmem:$0x7080] =	vst v63  }
0x6c: {  	_ =	swait.ge [sflag:s7], $0x200  }
0x6d: {  	[sflag:s7] =	ssyncset.done $0x0  }
0x6e: {  	[sflag:s7] =	ssyncadd.s32 $0xFFFFFE00  }
0x6f: {  	_ =	sfence.sel $0x180000  }
0x70: {  	[bflag:$0x0] =	sbarrier.arrive $0xFFFF  }
0x71: {  	p0 =	sne.s32 s1, $0x0;
	_ =	strace $0x90000047  }
0x72: {  	s0 =	sadd.s32 @!p0 $0x100000, s0;
	[bflag:$0x2] =	sbarrier.arrive $0xFFFF  }
0x73: {  	[sflag:s0] =	ssyncadd.tile.s32 @!p0 $0x1;
	_ =	shalt  }
.Lfunc_end2:
_tile_overlayer_lowered:
.L_overlay_start_2:
0x74: {  	(tag) =	ssettag $0x2  }
0x75: {  	s0 =	rddreg [dreg:$0x0];
	s2 =	stileid.u32  }
0x76: {  	s1 =	rddreg [dreg:$0x1];
	p0 =	sne.s32 s2, $0x0  }
0x77: {  	s3 =	rddreg [dreg:$0x2];
	[bflag:$0x3] =	sbarrier.arrive $0xFFFF;
	s2 =	simm.s32 @!p0 $0x1C01  }
0x78: {  	[timem:s3], [sflag:s2] =	dma.local @!p0 [hbm:s0], s1  }
0x79: {  	s0 =	simm.s32 @!p0 $0x1  }
0x7a: {  	_ =	swait.ge @!p0 [sflag:s0], s1  }
0x7b: {  	s1 =	ssub.s32 @!p0 $0x0, s1;
	[sflag:s0] =	ssyncset.done @!p0 $0x0  }
0x7c: {  	[sflag:s0] =	ssyncadd.s32 @!p0 s1  }
0x7d: {  	[bflag:$0x3] =	sbarrier.arrive $0xFFFF  }
0x7e: {  	_ =	shalt  }

</sc_bundles>
